<compile_context>
chip_gen: v7x
topology: tpu7x:2x2x1
jax: 0.10.2.dev20260603
libtpu: 0.0.44.dev20260713+nightly
codegen_flags: <defaults>
</compile_context>

<pallas_src>
import functools

import jax
import jax.numpy as jnp
import numpy as np
from jax import lax
from jax.experimental import pallas as pl
from jax.experimental.pallas import tpu as pltpu
from jax.experimental.pallas import tpu_sc as plsc

N_NODES = 10000
N_EDGES = 160000
MUL0 = 16
MUL1 = 8
DP = 40
SH_DIM = 4
NUM_BASIS = 16
HIDDEN = 64
EPS = 1e-8

CH = 128
NCH = N_EDGES // CH
NWORK = 32
WCHUNKS = 39
SPAN = WCHUNKS * CH
GCH = 16
GFULL = 2
GEDGE = GCH * CH
GTAIL = 7
NSTRIPE = N_NODES // 16

INV_S3 = float(1.0 / np.sqrt(3.0))
PW0 = float(np.sqrt(1.0 / 24.0))
PW1 = float(np.sqrt(3.0 / 24.0))

ET = 4000
NT = 2000

_mesh = plsc.VectorSubcoreMesh(core_axis_name="c", subcore_axis_name="s")


@functools.partial(
    pl.kernel,
    out_type=jax.ShapeDtypeStruct((N_EDGES, DP), jnp.float32),
    mesh=_mesh,
    scratch_types=[
        pltpu.VMEM((GEDGE,), jnp.int32),
        pltpu.VMEM((GEDGE, DP), jnp.float32),
        pltpu.SemaphoreType.DMA,
    ],
    compiler_params=pltpu.CompilerParams(use_tc_tiling_on_sc=False),
)
def _sc_gather(nf_hbm, src_hbm, out_hbm, idx_v, rows_v, sem):
    wid = lax.axis_index("s") * 2 + lax.axis_index("c")
    base = wid * SPAN

    def _gather_group(off, nch):
        n = nch * CH
        pltpu.sync_copy(src_hbm.at[pl.ds(off, n)], idx_v.at[pl.ds(0, n)])
        cps = [pltpu.async_copy(nf_hbm.at[idx_v.at[pl.ds(j * CH, CH)]],
                                rows_v.at[pl.ds(j * CH, CH)], sem)
               for j in range(nch)]
        for cp in cps:
            cp.wait()
        pltpu.sync_copy(rows_v.at[pl.ds(0, n)], out_hbm.at[pl.ds(off, n)])

    def body(g, carry):
        _gather_group(base + g * GEDGE, GCH)
        return carry

    lax.fori_loop(0, GFULL, body, 0)
    _gather_group(base + GFULL * GEDGE, GTAIL)

    @pl.when(wid < 2)
    def _():
        _gather_group(NWORK * SPAN + wid * CH, 1)


@functools.partial(
    pl.kernel,
    out_type=jax.ShapeDtypeStruct((2, N_NODES, DP), jnp.float32),
    mesh=_mesh,
    scratch_types=[
        pltpu.VMEM((GCH, CH), jnp.int32),
        pltpu.VMEM((GEDGE, DP), jnp.float32),
        pltpu.VMEM_SHARED((N_NODES, DP), jnp.float32),
    ],
    compiler_params=pltpu.CompilerParams(use_tc_tiling_on_sc=False),
)
def _sc_scatter(msg_hbm, dst2d_hbm, zeros_hbm, out_hbm, idx_v, rows_v, acc):
    cid = lax.axis_index("c")
    sid = lax.axis_index("s")
    wid = sid * 2 + cid
    cbase = wid * WCHUNKS
    pltpu.sync_copy(zeros_hbm.at[pl.ds(sid * NSTRIPE, NSTRIPE)],
                    acc.at[pl.ds(sid * NSTRIPE, NSTRIPE)])
    plsc.subcore_barrier()

    def _scatter_group(chunk0, nch):
        n = nch * CH
        pltpu.sync_copy(dst2d_hbm.at[pl.ds(chunk0, nch)],
                        idx_v.at[pl.ds(0, nch)])
        pltpu.sync_copy(msg_hbm.at[pl.ds(chunk0 * CH, n)],
                        rows_v.at[pl.ds(0, n)])
        for j in range(nch):
            pltpu.sync_copy(rows_v.at[pl.ds(j * CH, CH)],
                            acc.at[idx_v.at[j]], add=True)

    def body(g, carry):
        _scatter_group(cbase + g * GCH, GCH)
        return carry

    lax.fori_loop(0, GFULL, body, 0)
    _scatter_group(cbase + GFULL * GCH, GTAIL)

    @pl.when(wid < 2)
    def _():
        _scatter_group(NWORK * WCHUNKS + wid, 1)

    plsc.subcore_barrier()
    pltpu.sync_copy(acc.at[pl.ds(sid * NSTRIPE, NSTRIPE)],
                    out_hbm.at[cid, pl.ds(sid * NSTRIPE, NSTRIPE)])


def _const_mats():
    xsel = np.zeros((40, 80), np.float32)
    for j in range(16):
        xsel[j, j] = 1.0
        xsel[j, 16 + j] = 1.0
    for u in range(8):
        xsel[16 + 3 * u + 0, 32 + u] = 1.0
        xsel[16 + 3 * u + 1, 40 + u] = 1.0
        xsel[16 + 3 * u + 2, 48 + u] = 1.0
        xsel[16 + 3 * u + 0, 56 + u] = 1.0
        xsel[16 + 3 * u + 1, 64 + u] = 1.0
        xsel[16 + 3 * u + 2, 72 + u] = 1.0
    shsel = np.zeros((4, 80), np.float32)
    shsel[0, 0:16] = 1.0
    shsel[0, 32:56] = 1.0
    shsel[1, 56:64] = INV_S3
    shsel[2, 64:72] = INV_S3
    shsel[3, 72:80] = INV_S3
    ones_x0 = np.zeros((1, 80), np.float32)
    ones_x0[0, 16:32] = 1.0
    bexp = np.zeros((80, 704), np.float32)
    for m in range(0, 256):
        bexp[m % 16, m] = 1.0
    for m in range(256, 384):
        bexp[16 + (m - 256) % 16, m] = 1.0
    for m in range(384, 448):
        bexp[32 + (m - 384) % 8, m] = 1.0
    for m in range(448, 576):
        bexp[56 + (m - 448) % 8, m] = 1.0
        bexp[64 + (m - 448) % 8, m] = 1.0
        bexp[72 + (m - 448) % 8, m] = 1.0
    for m in range(576, 640):
        bexp[40 + (m - 576) % 8, m] = 1.0
    for m in range(640, 704):
        bexp[48 + (m - 640) % 8, m] = 1.0
    cc = np.zeros((704, 64), np.float32)
    for wq in range(16):
        for u in range(16):
            cc[16 * wq + u, wq] = 1.0
        for u in range(8):
            cc[448 + 8 * wq + u, wq] = 1.0
    for wq in range(8):
        for u in range(16):
            for k in range(3):
                cc[256 + 16 * wq + u, 16 + 8 * k + wq] = 1.0
        for u in range(8):
            cc[384 + 8 * wq + u, 40 + wq] = 1.0
            cc[576 + 8 * wq + u, 48 + wq] = 1.0
            cc[640 + 8 * wq + u, 56 + wq] = 1.0
    selk = np.zeros((4, 24), np.float32)
    for k in range(3):
        selk[1 + k, 8 * k:8 * k + 8] = 1.0
    perm24 = np.zeros((24, 24), np.float32)
    for k in range(3):
        for u in range(8):
            perm24[8 * k + u, 3 * u + k] = 1.0
    return xsel, shsel, ones_x0, bexp, cc, selk, perm24


_XSEL, _SHSEL, _ONESX0, _BEXP, _CC, _SELK, _PERM24 = _const_mats()


def _msg_body(emb_ref, sh_ref, x_ref, w1_ref, w2pe_ref,
              xsel_ref, shsel_ref, onesx0_ref, bexp_ref, cc_ref, selk_ref,
              out_ref):
    emb = emb_ref[...]
    h = jnp.dot(emb, w1_ref[...], preferred_element_type=jnp.float32)
    h = h * (1.0 / (1.0 + jnp.exp(-h)))
    wpe = jnp.dot(h.astype(jnp.bfloat16), w2pe_ref[...],
                  preferred_element_type=jnp.float32).astype(jnp.bfloat16)

    x = x_ref[...]
    sh = sh_ref[...]
    xext = jnp.dot(x, xsel_ref[...], preferred_element_type=jnp.float32)
    shext = jnp.dot(sh, shsel_ref[...],
                    preferred_element_type=jnp.float32) + onesx0_ref[...]
    g = xext * shext
    f = jnp.dot(g.astype(jnp.bfloat16), bexp_ref[...],
                preferred_element_type=jnp.float32).astype(jnp.bfloat16)
    y = wpe * f
    parts = jnp.dot(y, cc_ref[...], preferred_element_type=jnp.float32)

    shb = jnp.dot(sh, selk_ref[...], preferred_element_type=jnp.float32)
    o1 = parts[:, 16:40] * shb + parts[:, 40:64]
    out_ref[...] = jnp.concatenate([parts[:, 0:16], o1], axis=1)


def _run_msg(emb, sh, x_src, W1, W2pe, xsel, shsel, onesx0, bexp, cc, selk):
    grid = (N_EDGES // ET,)
    full = lambda i: (0, 0)
    return pl.pallas_call(
        _msg_body,
        grid=grid,
        in_specs=[
            pl.BlockSpec((ET, NUM_BASIS), lambda i: (i, 0)),
            pl.BlockSpec((ET, SH_DIM), lambda i: (i, 0)),
            pl.BlockSpec((ET, DP), lambda i: (i, 0)),
            pl.BlockSpec((NUM_BASIS, HIDDEN), full),
            pl.BlockSpec((HIDDEN, 704), full),
            pl.BlockSpec((DP, 80), full),
            pl.BlockSpec((SH_DIM, 80), full),
            pl.BlockSpec((1, 80), full),
            pl.BlockSpec((80, 704), full),
            pl.BlockSpec((704, 64), full),
            pl.BlockSpec((SH_DIM, 24), full),
        ],
        out_specs=pl.BlockSpec((ET, DP), lambda i: (i, 0)),
        out_shape=jax.ShapeDtypeStruct((N_EDGES, DP), jnp.float32),
    )(emb, sh, x_src, W1, W2pe, xsel, shsel, onesx0, bexp, cc, selk)


def _final_body(p0_ref, p1_ref, nf_ref, wl0_ref, wl1_ref, perm_ref, out_ref):
    agg = p0_ref[...] + p1_ref[...]
    s = jnp.dot(agg[:, 0:16], wl0_ref[...],
                preferred_element_type=jnp.float32) * 0.25
    wl1 = wl1_ref[...]
    inv_sq8 = float(1.0 / np.sqrt(8.0))
    vk = [jnp.dot(agg[:, 16 + 8 * k:24 + 8 * k], wl1,
                  preferred_element_type=jnp.float32) * inv_sq8
          for k in range(3)]
    n2 = vk[0] * vk[0] + vk[1] * vk[1] + vk[2] * vk[2]
    norm = jnp.sqrt(n2)
    safe = jnp.maximum(norm, EPS)
    scale = jnp.where(norm < EPS, 0.0,
                      norm * (1.0 / (1.0 + jnp.exp(-norm))) / safe)
    s_act = s * (1.0 / (1.0 + jnp.exp(-s)))
    vcat = jnp.concatenate([vk[0] * scale, vk[1] * scale, vk[2] * scale],
                           axis=1)
    act_int = jnp.dot(vcat, perm_ref[...], preferred_element_type=jnp.float32)
    out_ref[...] = nf_ref[...] + jnp.concatenate([s_act, act_int], axis=1)


def _run_final(p0, p1, nf, Wl0, Wl1, perm24):
    grid = (N_NODES // NT,)
    full = lambda i: (0, 0)
    return pl.pallas_call(
        _final_body,
        grid=grid,
        in_specs=[
            pl.BlockSpec((NT, DP), lambda i: (i, 0)),
            pl.BlockSpec((NT, DP), lambda i: (i, 0)),
            pl.BlockSpec((NT, 40), lambda i: (i, 0)),
            pl.BlockSpec((MUL0, MUL0), full),
            pl.BlockSpec((MUL1, MUL1), full),
            pl.BlockSpec((24, 24), full),
        ],
        out_specs=pl.BlockSpec((NT, 40), lambda i: (i, 0)),
        out_shape=jax.ShapeDtypeStruct((N_NODES, 40), jnp.float32),
    )(p0, p1, nf, Wl0, Wl1, perm24)


def _permute_w2cols(m):
    c1 = PW1 * INV_S3
    w00 = m[:, 0:256].reshape(-1, 16, 16).transpose(0, 2, 1).reshape(-1, 256)
    w01 = m[:, 256:384].reshape(-1, 16, 8).transpose(0, 2, 1).reshape(-1, 128)
    w10 = m[:, 384:448].reshape(-1, 8, 8).transpose(0, 2, 1).reshape(-1, 64)
    w11 = m[:, 448:576].reshape(-1, 8, 16).transpose(0, 2, 1).reshape(-1, 128)
    return jnp.concatenate([PW0 * w00, c1 * w01, c1 * w10, PW0 * w11,
                            c1 * w10, c1 * w10], axis=1)


def kernel(node_features, edge_index, edge_sh, edge_radial_emb,
           W1, b1, W2, b2, Wl0, Wl1):
    edge_src = edge_index[0]
    edge_dst = edge_index[1]
    W2pe = _permute_w2cols(W2)

    x_src = _sc_gather(node_features, edge_src)
    msg = _run_msg(edge_radial_emb, edge_sh, x_src,
                   W1, W2pe.astype(jnp.bfloat16),
                   jnp.asarray(_XSEL), jnp.asarray(_SHSEL),
                   jnp.asarray(_ONESX0),
                   jnp.asarray(_BEXP).astype(jnp.bfloat16),
                   jnp.asarray(_CC).astype(jnp.bfloat16),
                   jnp.asarray(_SELK))
    zeros = jnp.zeros((N_NODES, DP), jnp.float32)
    partials = _sc_scatter(msg, edge_dst.reshape(NCH, CH), zeros)
    return _run_final(partials[0], partials[1], node_features, Wl0, Wl1,
                      jnp.asarray(_PERM24))

# --- scband reference (transcript-rebuilt; emitter-appended) ---
"""Pipeline reference for scband-tfninteraction-block-47571057770948 (READ-ONLY COPY).

The authoritative reference and input builder live on the scoring server;
editing this copy changes nothing except your own understanding.
"""

import jax, jax.numpy as jnp
import numpy as np

N_NODES = 10000
N_EDGES = 160000
MUL0 = 16
MUL1 = 8
DIM = MUL0 + 3 * MUL1
SH_DIM = 4
NUM_BASIS = 16
HIDDEN = 64
WEIGHT_NUMEL = MUL0 * MUL0 + MUL0 * MUL1 + MUL1 * MUL1 + MUL1 * MUL0
EPS = 1e-8


def radial_mlp(emb, W1, b1, W2, b2):
    h = jax.nn.silu(emb @ W1 + b1)
    return h @ W2 + b2


def tensor_product(x, sh, w):
    # FullyConnectedTensorProduct(16x0e+8x1o, 1x0e+1x1o -> 16x0e+8x1o), shared_weights=False
    # instruction order (e3nn): (0e,0e)->0e, (0e,1o)->1o, (1o,0e)->1o, (1o,1o)->0e
    x0 = x[:, :MUL0]
    x1 = x[:, MUL0:].reshape(-1, MUL1, 3)
    sh0 = sh[:, 0]
    sh1 = sh[:, 1:4]
    o = 0
    w_00 = w[:, o:o + MUL0 * MUL0].reshape(-1, MUL0, MUL0); o += MUL0 * MUL0
    w_01 = w[:, o:o + MUL0 * MUL1].reshape(-1, MUL0, MUL1); o += MUL0 * MUL1
    w_10 = w[:, o:o + MUL1 * MUL1].reshape(-1, MUL1, MUL1); o += MUL1 * MUL1
    w_11 = w[:, o:o + MUL1 * MUL0].reshape(-1, MUL1, MUL0)
    # e3nn path normalization (component norm, element path-normalization):
    # fan_in into 0e output = 16 + 8 = 24 -> alpha = dim(0e)/24
    # fan_in into 1o output = 16 + 8 = 24 -> alpha = dim(1o)/24
    pw0 = jnp.sqrt(1.0 / 24.0)
    pw1 = jnp.sqrt(3.0 / 24.0)
    inv_s3 = 1.0 / jnp.sqrt(3.0)  # wigner_3j(1,1,0) and (0,1,1) diagonal value
    inner11 = jnp.einsum('eui,ei->eu', x1, sh1) * inv_s3
    out0 = pw0 * (jnp.einsum('euw,eu->ew', w_00, x0 * sh0[:, None])
                  + jnp.einsum('euw,eu->ew', w_11, inner11))
    out1 = pw1 * (jnp.einsum('euw,eu,ek->ewk', w_01, x0, sh1) * inv_s3
                  + jnp.einsum('euw,euk->ewk', w_10, x1 * sh0[:, None, None]) * inv_s3)
    return jnp.concatenate([out0, out1.reshape(-1, 3 * MUL1)], axis=1)


def irreps_linear(x, Wl0, Wl1):
    # e3nn o3.Linear: per-irrep mixing with 1/sqrt(fan_in) normalization, no bias
    s = (x[:, :MUL0] @ Wl0) / jnp.sqrt(float(MUL0))
    v = jnp.einsum('euk,uw->ewk', x[:, MUL0:].reshape(-1, MUL1, 3), Wl1) / jnp.sqrt(float(MUL1))
    return jnp.concatenate([s, v.reshape(-1, 3 * MUL1)], axis=1)


def safe_norm_act(x):
    s = jax.nn.silu(x[:, :MUL0])
    v = x[:, MUL0:].reshape(-1, MUL1, 3)
    norms = jnp.linalg.norm(v, axis=-1, keepdims=True)
    safe = jnp.maximum(norms, EPS)
    scaled = (v / safe) * jax.nn.silu(norms)
    scaled = jnp.where(norms < EPS, jnp.zeros_like(scaled), scaled)
    return jnp.concatenate([s, scaled.reshape(-1, 3 * MUL1)], axis=1)


def setup_inputs(seed: int = 0) -> dict:
    key = jax.random.key(seed)
    ks = jax.random.split(key, 10)
    node_features = jax.random.normal(ks[0], (N_NODES, DIM), dtype=jnp.float32)
    edge_index = jax.random.randint(ks[1], (2, N_EDGES), 0, N_NODES, dtype=jnp.int32)
    edge_sh = jax.random.normal(ks[2], (N_EDGES, SH_DIM), dtype=jnp.float32)
    edge_radial_emb = jax.random.uniform(ks[3], (N_EDGES, NUM_BASIS), dtype=jnp.float32)
    W1 = jax.random.normal(ks[4], (NUM_BASIS, HIDDEN), dtype=jnp.float32) / np.sqrt(NUM_BASIS)
    b1 = jnp.zeros((HIDDEN,), dtype=jnp.float32)
    W2 = jax.random.normal(ks[5], (HIDDEN, WEIGHT_NUMEL), dtype=jnp.float32) / np.sqrt(HIDDEN)
    b2 = jnp.zeros((WEIGHT_NUMEL,), dtype=jnp.float32)
    Wl0 = jax.random.normal(ks[6], (MUL0, MUL0), dtype=jnp.float32)
    Wl1 = jax.random.normal(ks[7], (MUL1, MUL1), dtype=jnp.float32)
    return {"node_features": node_features, "edge_index": edge_index, "edge_sh": edge_sh,
            "edge_radial_emb": edge_radial_emb, "W1": W1, "b1": b1, "W2": W2, "b2": b2,
            "Wl0": Wl0, "Wl1": Wl1}


def reference(node_features, edge_index, edge_sh, edge_radial_emb, W1, b1, W2, b2, Wl0, Wl1):
    edge_src = edge_index[0]
    edge_dst = edge_index[1]
    tp_weights = radial_mlp(edge_radial_emb, W1, b1, W2, b2)
    x_src = jnp.take(node_features, edge_src, axis=0)
    messages = tensor_product(x_src, edge_sh, tp_weights)
    agg = jax.ops.segment_sum(messages, edge_dst, num_segments=N_NODES)
    transformed = irreps_linear(agg, Wl0, Wl1)
    activated = safe_norm_act(transformed)
    # irreps_node_input == irreps_node_output -> identity skip connection
    return node_features + activated

if __name__ == "__main__":
    import jax
    _d = setup_inputs()
    print(jax.jit(kernel)(*tuple(_d.values())))

</pallas_src>

<mosaic_0001>
#map = affine_map<(d0, d1) -> (0, 0)>
#map1 = affine_map<(d0, d1) -> (0)>
module attributes {stable_mosaic.version = 14 : i64} {
  func.func @_sc_gather(%arg0: i32, %arg1: i32, %arg2: memref<10000x40xf32, #tpu.memory_space<hbm>>, %arg3: memref<160000xi32, #tpu.memory_space<hbm>>, %arg4: memref<160000x40xf32, #tpu.memory_space<hbm>>, %arg5: memref<2048xi32, #tpu.memory_space<vmem>>, %arg6: memref<2048x40xf32, #tpu.memory_space<vmem>>, %arg7: memref<!tpu.dma_semaphore, #tpu.memory_space<semaphore_mem>>) attributes {dimension_semantics = [#tpu.dimension_semantics<core_parallel>, #tpu.dimension_semantics<subcore_parallel>], iteration_bounds = array<i64: 2, 16>, scalar_prefetch = 0 : i64, scratch_operands = 3 : i64, tpu.core_type = #tpu.core_type<sc_vector_subcore>, window_params = [{transform_indices = #map}, {transform_indices = #map1}, {transform_indices = #map}]} {
    %mul3A = arith.constant 2 : i32
    %mul3A_0 = arith.muli %arg1, %mul3A : i32
    %add3A = arith.addi %mul3A_0, %arg0 : i32
    %mul3A_1 = arith.constant 4992 : i32
    %mul3A_2 = arith.muli %add3A, %mul3A_1 : i32
    %scan3A = arith.constant 0 : i32
    %scan3A_3 = arith.constant 0 : i32
    %scan3A_4 = arith.constant 2 : i32
    %scan3A_5 = arith.addi %scan3A_3, %scan3A_4 : i32
    %scan3A_6 = arith.constant 1 : i32
    scf.for %scan3A_122 = %scan3A_3 to %scan3A_5 step %scan3A_6  : i32 {
      %mul3A_123 = arith.constant 2048 : i32
      %mul3A_124 = arith.muli %scan3A_122, %mul3A_123 : i32
      %add3A_125 = arith.addi %mul3A_2, %mul3A_124 : i32
      "tpu.region"() ({
        %run_scoped3A = tpu.sem_alloc : memref<!tpu.dma_semaphore, #tpu.memory_space<semaphore_mem>>
        %dma_start3A_382 = arith.constant 0 : i32
        %dma_start3A_383 = tpu.memref_slice %arg5[%dma_start3A_382] : memref<2048xi32, #tpu.memory_space<vmem>> -> memref<2048xi32, #tpu.memory_space<vmem>>
        %dma_start3A_384 = tpu.memref_slice %arg3[%add3A_125] : memref<160000xi32, #tpu.memory_space<hbm>> -> memref<2048xi32, #tpu.memory_space<hbm>>
        %dma_start3A_385 = arith.constant 0 : i32
        %dma_start3A_386 = tpu.memref_slice %arg5[%dma_start3A_385] : memref<2048xi32, #tpu.memory_space<vmem>> -> memref<2048xi32, #tpu.memory_space<vmem>>
        %dma_start3A_387 = tpu.memref_slice %arg3[%add3A_125] : memref<160000xi32, #tpu.memory_space<hbm>> -> memref<2048xi32, #tpu.memory_space<hbm>>
        tpu.enqueue_dma source(%dma_start3A_387 : memref<2048xi32, #tpu.memory_space<hbm>>) target(%dma_start3A_386 : memref<2048xi32, #tpu.memory_space<vmem>>) target_semaphore(%run_scoped3A : memref<!tpu.dma_semaphore, #tpu.memory_space<semaphore_mem>>)
        %dma_wait3A_388 = arith.constant 0 : i32
        %dma_wait3A_389 = tpu.memref_slice %arg5[%dma_wait3A_388] : memref<2048xi32, #tpu.memory_space<vmem>> -> memref<2048xi32, #tpu.memory_space<vmem>>
        %dma_wait3A_390 = tpu.memref_slice %arg3[%add3A_125] : memref<160000xi32, #tpu.memory_space<hbm>> -> memref<2048xi32, #tpu.memory_space<hbm>>
        %dma_wait3A_391 = arith.constant 0 : i32
        %dma_wait3A_392 = tpu.memref_slice %arg5[%dma_wait3A_391] : memref<2048xi32, #tpu.memory_space<vmem>> -> memref<2048xi32, #tpu.memory_space<vmem>>
        %dma_wait3A_393 = tpu.memref_slice %arg3[%add3A_125] : memref<160000xi32, #tpu.memory_space<hbm>> -> memref<2048xi32, #tpu.memory_space<hbm>>
        tpu.wait_dma2 semaphore(%run_scoped3A : memref<!tpu.dma_semaphore, #tpu.memory_space<semaphore_mem>>) src(%dma_wait3A_393 : memref<2048xi32, #tpu.memory_space<hbm>>) dst(%dma_wait3A_392 : memref<2048xi32, #tpu.memory_space<vmem>>)
        tpu.yield
      }) : () -> ()
      %dma_start3A_126 = arith.constant 0 : i32
      %dma_start3A_127 = arith.constant 0 : i32
      %dma_start3A_128 = tpu.memref_slice %arg6[%dma_start3A_126, %dma_start3A_127] : memref<2048x40xf32, #tpu.memory_space<vmem>> -> memref<128x40xf32, #tpu.memory_space<vmem>>
      %dma_start3A_129 = arith.constant 0 : i32
      %dma_start3A_130 = tpu.memref_slice %arg5[%dma_start3A_129] : memref<2048xi32, #tpu.memory_space<vmem>> -> memref<128xi32, #tpu.memory_space<vmem>>
      %dma_start3A_131 = arith.constant 0 : i32
      %dma_start3A_132 = arith.constant 0 : i32
      %dma_start3A_133 = tpu.memref_slice %arg2[%dma_start3A_131, %dma_start3A_132] : memref<10000x40xf32, #tpu.memory_space<hbm>> -> memref<10000x40xf32, #tpu.memory_space<hbm>>
      tpu.enqueue_indirect_dma source(%dma_start3A_133 : memref<10000x40xf32, #tpu.memory_space<hbm>>) target(%dma_start3A_128 : memref<128x40xf32, #tpu.memory_space<vmem>>) offsets(%dma_start3A_130 : memref<128xi32, #tpu.memory_space<vmem>>) semaphore(%arg7 : memref<!tpu.dma_semaphore, #tpu.memory_space<semaphore_mem>>)
      %dma_start3A_134 = arith.constant 128 : i32
      %dma_start3A_135 = arith.constant 0 : i32
      %dma_start3A_136 = tpu.memref_slice %arg6[%dma_start3A_134, %dma_start3A_135] : memref<2048x40xf32, #tpu.memory_space<vmem>> -> memref<128x40xf32, #tpu.memory_space<vmem>>
      %dma_start3A_137 = arith.constant 128 : i32
      %dma_start3A_138 = tpu.memref_slice %arg5[%dma_start3A_137] : memref<2048xi32, #tpu.memory_space<vmem>> -> memref<128xi32, #tpu.memory_space<vmem>>
      %dma_start3A_139 = arith.constant 0 : i32
      %dma_start3A_140 = arith.constant 0 : i32
      %dma_start3A_141 = tpu.memref_slice %arg2[%dma_start3A_139, %dma_start3A_140] : memref<10000x40xf32, #tpu.memory_space<hbm>> -> memref<10000x40xf32, #tpu.memory_space<hbm>>
      tpu.enqueue_indirect_dma source(%dma_start3A_141 : memref<10000x40xf32, #tpu.memory_space<hbm>>) target(%dma_start3A_136 : memref<128x40xf32, #tpu.memory_space<vmem>>) offsets(%dma_start3A_138 : memref<128xi32, #tpu.memory_space<vmem>>) semaphore(%arg7 : memref<!tpu.dma_semaphore, #tpu.memory_space<semaphore_mem>>)
      %dma_start3A_142 = arith.constant 256 : i32
      %dma_start3A_143 = arith.constant 0 : i32
      %dma_start3A_144 = tpu.memref_slice %arg6[%dma_start3A_142, %dma_start3A_143] : memref<2048x40xf32, #tpu.memory_space<vmem>> -> memref<128x40xf32, #tpu.memory_space<vmem>>
      %dma_start3A_145 = arith.constant 256 : i32
      %dma_start3A_146 = tpu.memref_slice %arg5[%dma_start3A_145] : memref<2048xi32, #tpu.memory_space<vmem>> -> memref<128xi32, #tpu.memory_space<vmem>>
      %dma_start3A_147 = arith.constant 0 : i32
      %dma_start3A_148 = arith.constant 0 : i32
      %dma_start3A_149 = tpu.memref_slice %arg2[%dma_start3A_147, %dma_start3A_148] : memref<10000x40xf32, #tpu.memory_space<hbm>> -> memref<10000x40xf32, #tpu.memory_space<hbm>>
      tpu.enqueue_indirect_dma source(%dma_start3A_149 : memref<10000x40xf32, #tpu.memory_space<hbm>>) target(%dma_start3A_144 : memref<128x40xf32, #tpu.memory_space<vmem>>) offsets(%dma_start3A_146 : memref<128xi32, #tpu.memory_space<vmem>>) semaphore(%arg7 : memref<!tpu.dma_semaphore, #tpu.memory_space<semaphore_mem>>)
      %dma_start3A_150 = arith.constant 384 : i32
      %dma_start3A_151 = arith.constant 0 : i32
      %dma_start3A_152 = tpu.memref_slice %arg6[%dma_start3A_150, %dma_start3A_151] : memref<2048x40xf32, #tpu.memory_space<vmem>> -> memref<128x40xf32, #tpu.memory_space<vmem>>
      %dma_start3A_153 = arith.constant 384 : i32
      %dma_start3A_154 = tpu.memref_slice %arg5[%dma_start3A_153] : memref<2048xi32, #tpu.memory_space<vmem>> -> memref<128xi32, #tpu.memory_space<vmem>>
      %dma_start3A_155 = arith.constant 0 : i32
      %dma_start3A_156 = arith.constant 0 : i32
      %dma_start3A_157 = tpu.memref_slice %arg2[%dma_start3A_155, %dma_start3A_156] : memref<10000x40xf32, #tpu.memory_space<hbm>> -> memref<10000x40xf32, #tpu.memory_space<hbm>>
      tpu.enqueue_indirect_dma source(%dma_start3A_157 : memref<10000x40xf32, #tpu.memory_space<hbm>>) target(%dma_start3A_152 : memref<128x40xf32, #tpu.memory_space<vmem>>) offsets(%dma_start3A_154 : memref<128xi32, #tpu.memory_space<vmem>>) semaphore(%arg7 : memref<!tpu.dma_semaphore, #tpu.memory_space<semaphore_mem>>)
      %dma_start3A_158 = arith.constant 512 : i32
      %dma_start3A_159 = arith.constant 0 : i32
      %dma_start3A_160 = tpu.memref_slice %arg6[%dma_start3A_158, %dma_start3A_159] : memref<2048x40xf32, #tpu.memory_space<vmem>> -> memref<128x40xf32, #tpu.memory_space<vmem>>
      %dma_start3A_161 = arith.constant 512 : i32
      %dma_start3A_162 = tpu.memref_slice %arg5[%dma_start3A_161] : memref<2048xi32, #tpu.memory_space<vmem>> -> memref<128xi32, #tpu.memory_space<vmem>>
      %dma_start3A_163 = arith.constant 0 : i32
      %dma_start3A_164 = arith.constant 0 : i32
      %dma_start3A_165 = tpu.memref_slice %arg2[%dma_start3A_163, %dma_start3A_164] : memref<10000x40xf32, #tpu.memory_space<hbm>> -> memref<10000x40xf32, #tpu.memory_space<hbm>>
      tpu.enqueue_indirect_dma source(%dma_start3A_165 : memref<10000x40xf32, #tpu.memory_space<hbm>>) target(%dma_start3A_160 : memref<128x40xf32, #tpu.memory_space<vmem>>) offsets(%dma_start3A_162 : memref<128xi32, #tpu.memory_space<vmem>>) semaphore(%arg7 : memref<!tpu.dma_semaphore, #tpu.memory_space<semaphore_mem>>)
      %dma_start3A_166 = arith.constant 640 : i32
      %dma_start3A_167 = arith.constant 0 : i32
      %dma_start3A_168 = tpu.memref_slice %arg6[%dma_start3A_166, %dma_start3A_167] : memref<2048x40xf32, #tpu.memory_space<vmem>> -> memref<128x40xf32, #tpu.memory_space<vmem>>
      %dma_start3A_169 = arith.constant 640 : i32
      %dma_start3A_170 = tpu.memref_slice %arg5[%dma_start3A_169] : memref<2048xi32, #tpu.memory_space<vmem>> -> memref<128xi32, #tpu.memory_space<vmem>>
      %dma_start3A_171 = arith.constant 0 : i32
      %dma_start3A_172 = arith.constant 0 : i32
      %dma_start3A_173 = tpu.memref_slice %arg2[%dma_start3A_171, %dma_start3A_172] : memref<10000x40xf32, #tpu.memory_space<hbm>> -> memref<10000x40xf32, #tpu.memory_space<hbm>>
      tpu.enqueue_indirect_dma source(%dma_start3A_173 : memref<10000x40xf32, #tpu.memory_space<hbm>>) target(%dma_start3A_168 : memref<128x40xf32, #tpu.memory_space<vmem>>) offsets(%dma_start3A_170 : memref<128xi32, #tpu.memory_space<vmem>>) semaphore(%arg7 : memref<!tpu.dma_semaphore, #tpu.memory_space<semaphore_mem>>)
      %dma_start3A_174 = arith.constant 768 : i32
      %dma_start3A_175 = arith.constant 0 : i32
      %dma_start3A_176 = tpu.memref_slice %arg6[%dma_start3A_174, %dma_start3A_175] : memref<2048x40xf32, #tpu.memory_space<vmem>> -> memref<128x40xf32, #tpu.memory_space<vmem>>
      %dma_start3A_177 = arith.constant 768 : i32
      %dma_start3A_178 = tpu.memref_slice %arg5[%dma_start3A_177] : memref<2048xi32, #tpu.memory_space<vmem>> -> memref<128xi32, #tpu.memory_space<vmem>>
      %dma_start3A_179 = arith.constant 0 : i32
      %dma_start3A_180 = arith.constant 0 : i32
      %dma_start3A_181 = tpu.memref_slice %arg2[%dma_start3A_179, %dma_start3A_180] : memref<10000x40xf32, #tpu.memory_space<hbm>> -> memref<10000x40xf32, #tpu.memory_space<hbm>>
      tpu.enqueue_indirect_dma source(%dma_start3A_181 : memref<10000x40xf32, #tpu.memory_space<hbm>>) target(%dma_start3A_176 : memref<128x40xf32, #tpu.memory_space<vmem>>) offsets(%dma_start3A_178 : memref<128xi32, #tpu.memory_space<vmem>>) semaphore(%arg7 : memref<!tpu.dma_semaphore, #tpu.memory_space<semaphore_mem>>)
      %dma_start3A_182 = arith.constant 896 : i32
      %dma_start3A_183 = arith.constant 0 : i32
      %dma_start3A_184 = tpu.memref_slice %arg6[%dma_start3A_182, %dma_start3A_183] : memref<2048x40xf32, #tpu.memory_space<vmem>> -> memref<128x40xf32, #tpu.memory_space<vmem>>
      %dma_start3A_185 = arith.constant 896 : i32
      %dma_start3A_186 = tpu.memref_slice %arg5[%dma_start3A_185] : memref<2048xi32, #tpu.memory_space<vmem>> -> memref<128xi32, #tpu.memory_space<vmem>>
      %dma_start3A_187 = arith.constant 0 : i32
      %dma_start3A_188 = arith.constant 0 : i32
      %dma_start3A_189 = tpu.memref_slice %arg2[%dma_start3A_187, %dma_start3A_188] : memref<10000x40xf32, #tpu.memory_space<hbm>> -> memref<10000x40xf32, #tpu.memory_space<hbm>>
      tpu.enqueue_indirect_dma source(%dma_start3A_189 : memref<10000x40xf32, #tpu.memory_space<hbm>>) target(%dma_start3A_184 : memref<128x40xf32, #tpu.memory_space<vmem>>) offsets(%dma_start3A_186 : memref<128xi32, #tpu.memory_space<vmem>>) semaphore(%arg7 : memref<!tpu.dma_semaphore, #tpu.memory_space<semaphore_mem>>)
      %dma_start3A_190 = arith.constant 1024 : i32
      %dma_start3A_191 = arith.constant 0 : i32
      %dma_start3A_192 = tpu.memref_slice %arg6[%dma_start3A_190, %dma_start3A_191] : memref<2048x40xf32, #tpu.memory_space<vmem>> -> memref<128x40xf32, #tpu.memory_space<vmem>>
      %dma_start3A_193 = arith.constant 1024 : i32
      %dma_start3A_194 = tpu.memref_slice %arg5[%dma_start3A_193] : memref<2048xi32, #tpu.memory_space<vmem>> -> memref<128xi32, #tpu.memory_space<vmem>>
      %dma_start3A_195 = arith.constant 0 : i32
      %dma_start3A_196 = arith.constant 0 : i32
      %dma_start3A_197 = tpu.memref_slice %arg2[%dma_start3A_195, %dma_start3A_196] : memref<10000x40xf32, #tpu.memory_space<hbm>> -> memref<10000x40xf32, #tpu.memory_space<hbm>>
      tpu.enqueue_indirect_dma source(%dma_start3A_197 : memref<10000x40xf32, #tpu.memory_space<hbm>>) target(%dma_start3A_192 : memref<128x40xf32, #tpu.memory_space<vmem>>) offsets(%dma_start3A_194 : memref<128xi32, #tpu.memory_space<vmem>>) semaphore(%arg7 : memref<!tpu.dma_semaphore, #tpu.memory_space<semaphore_mem>>)
      %dma_start3A_198 = arith.constant 1152 : i32
      %dma_start3A_199 = arith.constant 0 : i32
      %dma_start3A_200 = tpu.memref_slice %arg6[%dma_start3A_198, %dma_start3A_199] : memref<2048x40xf32, #tpu.memory_space<vmem>> -> memref<128x40xf32, #tpu.memory_space<vmem>>
      %dma_start3A_201 = arith.constant 1152 : i32
      %dma_start3A_202 = tpu.memref_slice %arg5[%dma_start3A_201] : memref<2048xi32, #tpu.memory_space<vmem>> -> memref<128xi32, #tpu.memory_space<vmem>>
      %dma_start3A_203 = arith.constant 0 : i32
      %dma_start3A_204 = arith.constant 0 : i32
      %dma_start3A_205 = tpu.memref_slice %arg2[%dma_start3A_203, %dma_start3A_204] : memref<10000x40xf32, #tpu.memory_space<hbm>> -> memref<10000x40xf32, #tpu.memory_space<hbm>>
      tpu.enqueue_indirect_dma source(%dma_start3A_205 : memref<10000x40xf32, #tpu.memory_space<hbm>>) target(%dma_start3A_200 : memref<128x40xf32, #tpu.memory_space<vmem>>) offsets(%dma_start3A_202 : memref<128xi32, #tpu.memory_space<vmem>>) semaphore(%arg7 : memref<!tpu.dma_semaphore, #tpu.memory_space<semaphore_mem>>)
      %dma_start3A_206 = arith.constant 1280 : i32
      %dma_start3A_207 = arith.constant 0 : i32
      %dma_start3A_208 = tpu.memref_slice %arg6[%dma_start3A_206, %dma_start3A_207] : memref<2048x40xf32, #tpu.memory_space<vmem>> -> memref<128x40xf32, #tpu.memory_space<vmem>>
      %dma_start3A_209 = arith.constant 1280 : i32
      %dma_start3A_210 = tpu.memref_slice %arg5[%dma_start3A_209] : memref<2048xi32, #tpu.memory_space<vmem>> -> memref<128xi32, #tpu.memory_space<vmem>>
      %dma_start3A_211 = arith.constant 0 : i32
      %dma_start3A_212 = arith.constant 0 : i32
      %dma_start3A_213 = tpu.memref_slice %arg2[%dma_start3A_211, %dma_start3A_212] : memref<10000x40xf32, #tpu.memory_space<hbm>> -> memref<10000x40xf32, #tpu.memory_space<hbm>>
      tpu.enqueue_indirect_dma source(%dma_start3A_213 : memref<10000x40xf32, #tpu.memory_space<hbm>>) target(%dma_start3A_208 : memref<128x40xf32, #tpu.memory_space<vmem>>) offsets(%dma_start3A_210 : memref<128xi32, #tpu.memory_space<vmem>>) semaphore(%arg7 : memref<!tpu.dma_semaphore, #tpu.memory_space<semaphore_mem>>)
      %dma_start3A_214 = arith.constant 1408 : i32
      %dma_start3A_215 = arith.constant 0 : i32
      %dma_start3A_216 = tpu.memref_slice %arg6[%dma_start3A_214, %dma_start3A_215] : memref<2048x40xf32, #tpu.memory_space<vmem>> -> memref<128x40xf32, #tpu.memory_space<vmem>>
      %dma_start3A_217 = arith.constant 1408 : i32
      %dma_start3A_218 = tpu.memref_slice %arg5[%dma_start3A_217] : memref<2048xi32, #tpu.memory_space<vmem>> -> memref<128xi32, #tpu.memory_space<vmem>>
      %dma_start3A_219 = arith.constant 0 : i32
      %dma_start3A_220 = arith.constant 0 : i32
      %dma_start3A_221 = tpu.memref_slice %arg2[%dma_start3A_219, %dma_start3A_220] : memref<10000x40xf32, #tpu.memory_space<hbm>> -> memref<10000x40xf32, #tpu.memory_space<hbm>>
      tpu.enqueue_indirect_dma source(%dma_start3A_221 : memref<10000x40xf32, #tpu.memory_space<hbm>>) target(%dma_start3A_216 : memref<128x40xf32, #tpu.memory_space<vmem>>) offsets(%dma_start3A_218 : memref<128xi32, #tpu.memory_space<vmem>>) semaphore(%arg7 : memref<!tpu.dma_semaphore, #tpu.memory_space<semaphore_mem>>)
      %dma_start3A_222 = arith.constant 1536 : i32
      %dma_start3A_223 = arith.constant 0 : i32
      %dma_start3A_224 = tpu.memref_slice %arg6[%dma_start3A_222, %dma_start3A_223] : memref<2048x40xf32, #tpu.memory_space<vmem>> -> memref<128x40xf32, #tpu.memory_space<vmem>>
      %dma_start3A_225 = arith.constant 1536 : i32
      %dma_start3A_226 = tpu.memref_slice %arg5[%dma_start3A_225] : memref<2048xi32, #tpu.memory_space<vmem>> -> memref<128xi32, #tpu.memory_space<vmem>>
      %dma_start3A_227 = arith.constant 0 : i32
      %dma_start3A_228 = arith.constant 0 : i32
      %dma_start3A_229 = tpu.memref_slice %arg2[%dma_start3A_227, %dma_start3A_228] : memref<10000x40xf32, #tpu.memory_space<hbm>> -> memref<10000x40xf32, #tpu.memory_space<hbm>>
      tpu.enqueue_indirect_dma source(%dma_start3A_229 : memref<10000x40xf32, #tpu.memory_space<hbm>>) target(%dma_start3A_224 : memref<128x40xf32, #tpu.memory_space<vmem>>) offsets(%dma_start3A_226 : memref<128xi32, #tpu.memory_space<vmem>>) semaphore(%arg7 : memref<!tpu.dma_semaphore, #tpu.memory_space<semaphore_mem>>)
      %dma_start3A_230 = arith.constant 1664 : i32
      %dma_start3A_231 = arith.constant 0 : i32
      %dma_start3A_232 = tpu.memref_slice %arg6[%dma_start3A_230, %dma_start3A_231] : memref<2048x40xf32, #tpu.memory_space<vmem>> -> memref<128x40xf32, #tpu.memory_space<vmem>>
      %dma_start3A_233 = arith.constant 1664 : i32
      %dma_start3A_234 = tpu.memref_slice %arg5[%dma_start3A_233] : memref<2048xi32, #tpu.memory_space<vmem>> -> memref<128xi32, #tpu.memory_space<vmem>>
      %dma_start3A_235 = arith.constant 0 : i32
      %dma_start3A_236 = arith.constant 0 : i32
      %dma_start3A_237 = tpu.memref_slice %arg2[%dma_start3A_235, %dma_start3A_236] : memref<10000x40xf32, #tpu.memory_space<hbm>> -> memref<10000x40xf32, #tpu.memory_space<hbm>>
      tpu.enqueue_indirect_dma source(%dma_start3A_237 : memref<10000x40xf32, #tpu.memory_space<hbm>>) target(%dma_start3A_232 : memref<128x40xf32, #tpu.memory_space<vmem>>) offsets(%dma_start3A_234 : memref<128xi32, #tpu.memory_space<vmem>>) semaphore(%arg7 : memref<!tpu.dma_semaphore, #tpu.memory_space<semaphore_mem>>)
      %dma_start3A_238 = arith.constant 1792 : i32
      %dma_start3A_239 = arith.constant 0 : i32
      %dma_start3A_240 = tpu.memref_slice %arg6[%dma_start3A_238, %dma_start3A_239] : memref<2048x40xf32, #tpu.memory_space<vmem>> -> memref<128x40xf32, #tpu.memory_space<vmem>>
      %dma_start3A_241 = arith.constant 1792 : i32
      %dma_start3A_242 = tpu.memref_slice %arg5[%dma_start3A_241] : memref<2048xi32, #tpu.memory_space<vmem>> -> memref<128xi32, #tpu.memory_space<vmem>>
      %dma_start3A_243 = arith.constant 0 : i32
      %dma_start3A_244 = arith.constant 0 : i32
      %dma_start3A_245 = tpu.memref_slice %arg2[%dma_start3A_243, %dma_start3A_244] : memref<10000x40xf32, #tpu.memory_space<hbm>> -> memref<10000x40xf32, #tpu.memory_space<hbm>>
      tpu.enqueue_indirect_dma source(%dma_start3A_245 : memref<10000x40xf32, #tpu.memory_space<hbm>>) target(%dma_start3A_240 : memref<128x40xf32, #tpu.memory_space<vmem>>) offsets(%dma_start3A_242 : memref<128xi32, #tpu.memory_space<vmem>>) semaphore(%arg7 : memref<!tpu.dma_semaphore, #tpu.memory_space<semaphore_mem>>)
      %dma_start3A_246 = arith.constant 1920 : i32
      %dma_start3A_247 = arith.constant 0 : i32
      %dma_start3A_248 = tpu.memref_slice %arg6[%dma_start3A_246, %dma_start3A_247] : memref<2048x40xf32, #tpu.memory_space<vmem>> -> memref<128x40xf32, #tpu.memory_space<vmem>>
      %dma_start3A_249 = arith.constant 1920 : i32
      %dma_start3A_250 = tpu.memref_slice %arg5[%dma_start3A_249] : memref<2048xi32, #tpu.memory_space<vmem>> -> memref<128xi32, #tpu.memory_space<vmem>>
      %dma_start3A_251 = arith.constant 0 : i32
      %dma_start3A_252 = arith.constant 0 : i32
      %dma_start3A_253 = tpu.memref_slice %arg2[%dma_start3A_251, %dma_start3A_252] : memref<10000x40xf32, #tpu.memory_space<hbm>> -> memref<10000x40xf32, #tpu.memory_space<hbm>>
      tpu.enqueue_indirect_dma source(%dma_start3A_253 : memref<10000x40xf32, #tpu.memory_space<hbm>>) target(%dma_start3A_248 : memref<128x40xf32, #tpu.memory_space<vmem>>) offsets(%dma_start3A_250 : memref<128xi32, #tpu.memory_space<vmem>>) semaphore(%arg7 : memref<!tpu.dma_semaphore, #tpu.memory_space<semaphore_mem>>)
      %dma_wait3A_254 = arith.constant 0 : i32
      %dma_wait3A_255 = arith.constant 0 : i32
      %dma_wait3A_256 = tpu.memref_slice %arg6[%dma_wait3A_254, %dma_wait3A_255] : memref<2048x40xf32, #tpu.memory_space<vmem>> -> memref<128x40xf32, #tpu.memory_space<vmem>>
      %dma_wait3A_257 = arith.constant 0 : i32
      %dma_wait3A_258 = tpu.memref_slice %arg5[%dma_wait3A_257] : memref<2048xi32, #tpu.memory_space<vmem>> -> memref<128xi32, #tpu.memory_space<vmem>>
      %dma_wait3A_259 = arith.constant 0 : i32
      %dma_wait3A_260 = arith.constant 0 : i32
      %dma_wait3A_261 = tpu.memref_slice %arg2[%dma_wait3A_259, %dma_wait3A_260] : memref<10000x40xf32, #tpu.memory_space<hbm>> -> memref<10000x40xf32, #tpu.memory_space<hbm>>
      tpu.wait_indirect_dma semaphore(%arg7 : memref<!tpu.dma_semaphore, #tpu.memory_space<semaphore_mem>>) src(%dma_wait3A_261 : memref<10000x40xf32, #tpu.memory_space<hbm>>) dst(%dma_wait3A_256 : memref<128x40xf32, #tpu.memory_space<vmem>>)
      %dma_wait3A_262 = arith.constant 128 : i32
      %dma_wait3A_263 = arith.constant 0 : i32
      %dma_wait3A_264 = tpu.memref_slice %arg6[%dma_wait3A_262, %dma_wait3A_263] : memref<2048x40xf32, #tpu.memory_space<vmem>> -> memref<128x40xf32, #tpu.memory_space<vmem>>
      %dma_wait3A_265 = arith.constant 128 : i32
      %dma_wait3A_266 = tpu.memref_slice %arg5[%dma_wait3A_265] : memref<2048xi32, #tpu.memory_space<vmem>> -> memref<128xi32, #tpu.memory_space<vmem>>
      %dma_wait3A_267 = arith.constant 0 : i32
      %dma_wait3A_268 = arith.constant 0 : i32
      %dma_wait3A_269 = tpu.memref_slice %arg2[%dma_wait3A_267, %dma_wait3A_268] : memref<10000x40xf32, #tpu.memory_space<hbm>> -> memref<10000x40xf32, #tpu.memory_space<hbm>>
      tpu.wait_indirect_dma semaphore(%arg7 : memref<!tpu.dma_semaphore, #tpu.memory_space<semaphore_mem>>) src(%dma_wait3A_269 : memref<10000x40xf32, #tpu.memory_space<hbm>>) dst(%dma_wait3A_264 : memref<128x40xf32, #tpu.memory_space<vmem>>)
      %dma_wait3A_270 = arith.constant 256 : i32
      %dma_wait3A_271 = arith.constant 0 : i32
      %dma_wait3A_272 = tpu.memref_slice %arg6[%dma_wait3A_270, %dma_wait3A_271] : memref<2048x40xf32, #tpu.memory_space<vmem>> -> memref<128x40xf32, #tpu.memory_space<vmem>>
      %dma_wait3A_273 = arith.constant 256 : i32
      %dma_wait3A_274 = tpu.memref_slice %arg5[%dma_wait3A_273] : memref<2048xi32, #tpu.memory_space<vmem>> -> memref<128xi32, #tpu.memory_space<vmem>>
      %dma_wait3A_275 = arith.constant 0 : i32
      %dma_wait3A_276 = arith.constant 0 : i32
      %dma_wait3A_277 = tpu.memref_slice %arg2[%dma_wait3A_275, %dma_wait3A_276] : memref<10000x40xf32, #tpu.memory_space<hbm>> -> memref<10000x40xf32, #tpu.memory_space<hbm>>
      tpu.wait_indirect_dma semaphore(%arg7 : memref<!tpu.dma_semaphore, #tpu.memory_space<semaphore_mem>>) src(%dma_wait3A_277 : memref<10000x40xf32, #tpu.memory_space<hbm>>) dst(%dma_wait3A_272 : memref<128x40xf32, #tpu.memory_space<vmem>>)
      %dma_wait3A_278 = arith.constant 384 : i32
      %dma_wait3A_279 = arith.constant 0 : i32
      %dma_wait3A_280 = tpu.memref_slice %arg6[%dma_wait3A_278, %dma_wait3A_279] : memref<2048x40xf32, #tpu.memory_space<vmem>> -> memref<128x40xf32, #tpu.memory_space<vmem>>
      %dma_wait3A_281 = arith.constant 384 : i32
      %dma_wait3A_282 = tpu.memref_slice %arg5[%dma_wait3A_281] : memref<2048xi32, #tpu.memory_space<vmem>> -> memref<128xi32, #tpu.memory_space<vmem>>
      %dma_wait3A_283 = arith.constant 0 : i32
      %dma_wait3A_284 = arith.constant 0 : i32
      %dma_wait3A_285 = tpu.memref_slice %arg2[%dma_wait3A_283, %dma_wait3A_284] : memref<10000x40xf32, #tpu.memory_space<hbm>> -> memref<10000x40xf32, #tpu.memory_space<hbm>>
      tpu.wait_indirect_dma semaphore(%arg7 : memref<!tpu.dma_semaphore, #tpu.memory_space<semaphore_mem>>) src(%dma_wait3A_285 : memref<10000x40xf32, #tpu.memory_space<hbm>>) dst(%dma_wait3A_280 : memref<128x40xf32, #tpu.memory_space<vmem>>)
      %dma_wait3A_286 = arith.constant 512 : i32
      %dma_wait3A_287 = arith.constant 0 : i32
      %dma_wait3A_288 = tpu.memref_slice %arg6[%dma_wait3A_286, %dma_wait3A_287] : memref<2048x40xf32, #tpu.memory_space<vmem>> -> memref<128x40xf32, #tpu.memory_space<vmem>>
      %dma_wait3A_289 = arith.constant 512 : i32
      %dma_wait3A_290 = tpu.memref_slice %arg5[%dma_wait3A_289] : memref<2048xi32, #tpu.memory_space<vmem>> -> memref<128xi32, #tpu.memory_space<vmem>>
      %dma_wait3A_291 = arith.constant 0 : i32
      %dma_wait3A_292 = arith.constant 0 : i32
      %dma_wait3A_293 = tpu.memref_slice %arg2[%dma_wait3A_291, %dma_wait3A_292] : memref<10000x40xf32, #tpu.memory_space<hbm>> -> memref<10000x40xf32, #tpu.memory_space<hbm>>
      tpu.wait_indirect_dma semaphore(%arg7 : memref<!tpu.dma_semaphore, #tpu.memory_space<semaphore_mem>>) src(%dma_wait3A_293 : memref<10000x40xf32, #tpu.memory_space<hbm>>) dst(%dma_wait3A_288 : memref<128x40xf32, #tpu.memory_space<vmem>>)
      %dma_wait3A_294 = arith.constant 640 : i32
      %dma_wait3A_295 = arith.constant 0 : i32
      %dma_wait3A_296 = tpu.memref_slice %arg6[%dma_wait3A_294, %dma_wait3A_295] : memref<2048x40xf32, #tpu.memory_space<vmem>> -> memref<128x40xf32, #tpu.memory_space<vmem>>
      %dma_wait3A_297 = arith.constant 640 : i32
      %dma_wait3A_298 = tpu.memref_slice %arg5[%dma_wait3A_297] : memref<2048xi32, #tpu.memory_space<vmem>> -> memref<128xi32, #tpu.memory_space<vmem>>
      %dma_wait3A_299 = arith.constant 0 : i32
      %dma_wait3A_300 = arith.constant 0 : i32
      %dma_wait3A_301 = tpu.memref_slice %arg2[%dma_wait3A_299, %dma_wait3A_300] : memref<10000x40xf32, #tpu.memory_space<hbm>> -> memref<10000x40xf32, #tpu.memory_space<hbm>>
      tpu.wait_indirect_dma semaphore(%arg7 : memref<!tpu.dma_semaphore, #tpu.memory_space<semaphore_mem>>) src(%dma_wait3A_301 : memref<10000x40xf32, #tpu.memory_space<hbm>>) dst(%dma_wait3A_296 : memref<128x40xf32, #tpu.memory_space<vmem>>)
      %dma_wait3A_302 = arith.constant 768 : i32
      %dma_wait3A_303 = arith.constant 0 : i32
      %dma_wait3A_304 = tpu.memref_slice %arg6[%dma_wait3A_302, %dma_wait3A_303] : memref<2048x40xf32, #tpu.memory_space<vmem>> -> memref<128x40xf32, #tpu.memory_space<vmem>>
      %dma_wait3A_305 = arith.constant 768 : i32
      %dma_wait3A_306 = tpu.memref_slice %arg5[%dma_wait3A_305] : memref<2048xi32, #tpu.memory_space<vmem>> -> memref<128xi32, #tpu.memory_space<vmem>>
      %dma_wait3A_307 = arith.constant 0 : i32
      %dma_wait3A_308 = arith.constant 0 : i32
      %dma_wait3A_309 = tpu.memref_slice %arg2[%dma_wait3A_307, %dma_wait3A_308] : memref<10000x40xf32, #tpu.memory_space<hbm>> -> memref<10000x40xf32, #tpu.memory_space<hbm>>
      tpu.wait_indirect_dma semaphore(%arg7 : memref<!tpu.dma_semaphore, #tpu.memory_space<semaphore_mem>>) src(%dma_wait3A_309 : memref<10000x40xf32, #tpu.memory_space<hbm>>) dst(%dma_wait3A_304 : memref<128x40xf32, #tpu.memory_space<vmem>>)
      %dma_wait3A_310 = arith.constant 896 : i32
      %dma_wait3A_311 = arith.constant 0 : i32
      %dma_wait3A_312 = tpu.memref_slice %arg6[%dma_wait3A_310, %dma_wait3A_311] : memref<2048x40xf32, #tpu.memory_space<vmem>> -> memref<128x40xf32, #tpu.memory_space<vmem>>
      %dma_wait3A_313 = arith.constant 896 : i32
      %dma_wait3A_314 = tpu.memref_slice %arg5[%dma_wait3A_313] : memref<2048xi32, #tpu.memory_space<vmem>> -> memref<128xi32, #tpu.memory_space<vmem>>
      %dma_wait3A_315 = arith.constant 0 : i32
      %dma_wait3A_316 = arith.constant 0 : i32
      %dma_wait3A_317 = tpu.memref_slice %arg2[%dma_wait3A_315, %dma_wait3A_316] : memref<10000x40xf32, #tpu.memory_space<hbm>> -> memref<10000x40xf32, #tpu.memory_space<hbm>>
      tpu.wait_indirect_dma semaphore(%arg7 : memref<!tpu.dma_semaphore, #tpu.memory_space<semaphore_mem>>) src(%dma_wait3A_317 : memref<10000x40xf32, #tpu.memory_space<hbm>>) dst(%dma_wait3A_312 : memref<128x40xf32, #tpu.memory_space<vmem>>)
      %dma_wait3A_318 = arith.constant 1024 : i32
      %dma_wait3A_319 = arith.constant 0 : i32
      %dma_wait3A_320 = tpu.memref_slice %arg6[%dma_wait3A_318, %dma_wait3A_319] : memref<2048x40xf32, #tpu.memory_space<vmem>> -> memref<128x40xf32, #tpu.memory_space<vmem>>
      %dma_wait3A_321 = arith.constant 1024 : i32
      %dma_wait3A_322 = tpu.memref_slice %arg5[%dma_wait3A_321] : memref<2048xi32, #tpu.memory_space<vmem>> -> memref<128xi32, #tpu.memory_space<vmem>>
      %dma_wait3A_323 = arith.constant 0 : i32
      %dma_wait3A_324 = arith.constant 0 : i32
      %dma_wait3A_325 = tpu.memref_slice %arg2[%dma_wait3A_323, %dma_wait3A_324] : memref<10000x40xf32, #tpu.memory_space<hbm>> -> memref<10000x40xf32, #tpu.memory_space<hbm>>
      tpu.wait_indirect_dma semaphore(%arg7 : memref<!tpu.dma_semaphore, #tpu.memory_space<semaphore_mem>>) src(%dma_wait3A_325 : memref<10000x40xf32, #tpu.memory_space<hbm>>) dst(%dma_wait3A_320 : memref<128x40xf32, #tpu.memory_space<vmem>>)
      %dma_wait3A_326 = arith.constant 1152 : i32
      %dma_wait3A_327 = arith.constant 0 : i32
      %dma_wait3A_328 = tpu.memref_slice %arg6[%dma_wait3A_326, %dma_wait3A_327] : memref<2048x40xf32, #tpu.memory_space<vmem>> -> memref<128x40xf32, #tpu.memory_space<vmem>>
      %dma_wait3A_329 = arith.constant 1152 : i32
      %dma_wait3A_330 = tpu.memref_slice %arg5[%dma_wait3A_329] : memref<2048xi32, #tpu.memory_space<vmem>> -> memref<128xi32, #tpu.memory_space<vmem>>
      %dma_wait3A_331 = arith.constant 0 : i32
      %dma_wait3A_332 = arith.constant 0 : i32
      %dma_wait3A_333 = tpu.memref_slice %arg2[%dma_wait3A_331, %dma_wait3A_332] : memref<10000x40xf32, #tpu.memory_space<hbm>> -> memref<10000x40xf32, #tpu.memory_space<hbm>>
      tpu.wait_indirect_dma semaphore(%arg7 : memref<!tpu.dma_semaphore, #tpu.memory_space<semaphore_mem>>) src(%dma_wait3A_333 : memref<10000x40xf32, #tpu.memory_space<hbm>>) dst(%dma_wait3A_328 : memref<128x40xf32, #tpu.memory_space<vmem>>)
      %dma_wait3A_334 = arith.constant 1280 : i32
      %dma_wait3A_335 = arith.constant 0 : i32
      %dma_wait3A_336 = tpu.memref_slice %arg6[%dma_wait3A_334, %dma_wait3A_335] : memref<2048x40xf32, #tpu.memory_space<vmem>> -> memref<128x40xf32, #tpu.memory_space<vmem>>
      %dma_wait3A_337 = arith.constant 1280 : i32
      %dma_wait3A_338 = tpu.memref_slice %arg5[%dma_wait3A_337] : memref<2048xi32, #tpu.memory_space<vmem>> -> memref<128xi32, #tpu.memory_space<vmem>>
      %dma_wait3A_339 = arith.constant 0 : i32
      %dma_wait3A_340 = arith.constant 0 : i32
      %dma_wait3A_341 = tpu.memref_slice %arg2[%dma_wait3A_339, %dma_wait3A_340] : memref<10000x40xf32, #tpu.memory_space<hbm>> -> memref<10000x40xf32, #tpu.memory_space<hbm>>
      tpu.wait_indirect_dma semaphore(%arg7 : memref<!tpu.dma_semaphore, #tpu.memory_space<semaphore_mem>>) src(%dma_wait3A_341 : memref<10000x40xf32, #tpu.memory_space<hbm>>) dst(%dma_wait3A_336 : memref<128x40xf32, #tpu.memory_space<vmem>>)
      %dma_wait3A_342 = arith.constant 1408 : i32
      %dma_wait3A_343 = arith.constant 0 : i32
      %dma_wait3A_344 = tpu.memref_slice %arg6[%dma_wait3A_342, %dma_wait3A_343] : memref<2048x40xf32, #tpu.memory_space<vmem>> -> memref<128x40xf32, #tpu.memory_space<vmem>>
      %dma_wait3A_345 = arith.constant 1408 : i32
      %dma_wait3A_346 = tpu.memref_slice %arg5[%dma_wait3A_345] : memref<2048xi32, #tpu.memory_space<vmem>> -> memref<128xi32, #tpu.memory_space<vmem>>
      %dma_wait3A_347 = arith.constant 0 : i32
      %dma_wait3A_348 = arith.constant 0 : i32
      %dma_wait3A_349 = tpu.memref_slice %arg2[%dma_wait3A_347, %dma_wait3A_348] : memref<10000x40xf32, #tpu.memory_space<hbm>> -> memref<10000x40xf32, #tpu.memory_space<hbm>>
      tpu.wait_indirect_dma semaphore(%arg7 : memref<!tpu.dma_semaphore, #tpu.memory_space<semaphore_mem>>) src(%dma_wait3A_349 : memref<10000x40xf32, #tpu.memory_space<hbm>>) dst(%dma_wait3A_344 : memref<128x40xf32, #tpu.memory_space<vmem>>)
      %dma_wait3A_350 = arith.constant 1536 : i32
      %dma_wait3A_351 = arith.constant 0 : i32
      %dma_wait3A_352 = tpu.memref_slice %arg6[%dma_wait3A_350, %dma_wait3A_351] : memref<2048x40xf32, #tpu.memory_space<vmem>> -> memref<128x40xf32, #tpu.memory_space<vmem>>
      %dma_wait3A_353 = arith.constant 1536 : i32
      %dma_wait3A_354 = tpu.memref_slice %arg5[%dma_wait3A_353] : memref<2048xi32, #tpu.memory_space<vmem>> -> memref<128xi32, #tpu.memory_space<vmem>>
      %dma_wait3A_355 = arith.constant 0 : i32
      %dma_wait3A_356 = arith.constant 0 : i32
      %dma_wait3A_357 = tpu.memref_slice %arg2[%dma_wait3A_355, %dma_wait3A_356] : memref<10000x40xf32, #tpu.memory_space<hbm>> -> memref<10000x40xf32, #tpu.memory_space<hbm>>
      tpu.wait_indirect_dma semaphore(%arg7 : memref<!tpu.dma_semaphore, #tpu.memory_space<semaphore_mem>>) src(%dma_wait3A_357 : memref<10000x40xf32, #tpu.memory_space<hbm>>) dst(%dma_wait3A_352 : memref<128x40xf32, #tpu.memory_space<vmem>>)
      %dma_wait3A_358 = arith.constant 1664 : i32
      %dma_wait3A_359 = arith.constant 0 : i32
      %dma_wait3A_360 = tpu.memref_slice %arg6[%dma_wait3A_358, %dma_wait3A_359] : memref<2048x40xf32, #tpu.memory_space<vmem>> -> memref<128x40xf32, #tpu.memory_space<vmem>>
      %dma_wait3A_361 = arith.constant 1664 : i32
      %dma_wait3A_362 = tpu.memref_slice %arg5[%dma_wait3A_361] : memref<2048xi32, #tpu.memory_space<vmem>> -> memref<128xi32, #tpu.memory_space<vmem>>
      %dma_wait3A_363 = arith.constant 0 : i32
      %dma_wait3A_364 = arith.constant 0 : i32
      %dma_wait3A_365 = tpu.memref_slice %arg2[%dma_wait3A_363, %dma_wait3A_364] : memref<10000x40xf32, #tpu.memory_space<hbm>> -> memref<10000x40xf32, #tpu.memory_space<hbm>>
      tpu.wait_indirect_dma semaphore(%arg7 : memref<!tpu.dma_semaphore, #tpu.memory_space<semaphore_mem>>) src(%dma_wait3A_365 : memref<10000x40xf32, #tpu.memory_space<hbm>>) dst(%dma_wait3A_360 : memref<128x40xf32, #tpu.memory_space<vmem>>)
      %dma_wait3A_366 = arith.constant 1792 : i32
      %dma_wait3A_367 = arith.constant 0 : i32
      %dma_wait3A_368 = tpu.memref_slice %arg6[%dma_wait3A_366, %dma_wait3A_367] : memref<2048x40xf32, #tpu.memory_space<vmem>> -> memref<128x40xf32, #tpu.memory_space<vmem>>
      %dma_wait3A_369 = arith.constant 1792 : i32
      %dma_wait3A_370 = tpu.memref_slice %arg5[%dma_wait3A_369] : memref<2048xi32, #tpu.memory_space<vmem>> -> memref<128xi32, #tpu.memory_space<vmem>>
      %dma_wait3A_371 = arith.constant 0 : i32
      %dma_wait3A_372 = arith.constant 0 : i32
      %dma_wait3A_373 = tpu.memref_slice %arg2[%dma_wait3A_371, %dma_wait3A_372] : memref<10000x40xf32, #tpu.memory_space<hbm>> -> memref<10000x40xf32, #tpu.memory_space<hbm>>
      tpu.wait_indirect_dma semaphore(%arg7 : memref<!tpu.dma_semaphore, #tpu.memory_space<semaphore_mem>>) src(%dma_wait3A_373 : memref<10000x40xf32, #tpu.memory_space<hbm>>) dst(%dma_wait3A_368 : memref<128x40xf32, #tpu.memory_space<vmem>>)
      %dma_wait3A_374 = arith.constant 1920 : i32
      %dma_wait3A_375 = arith.constant 0 : i32
      %dma_wait3A_376 = tpu.memref_slice %arg6[%dma_wait3A_374, %dma_wait3A_375] : memref<2048x40xf32, #tpu.memory_space<vmem>> -> memref<128x40xf32, #tpu.memory_space<vmem>>
      %dma_wait3A_377 = arith.constant 1920 : i32
      %dma_wait3A_378 = tpu.memref_slice %arg5[%dma_wait3A_377] : memref<2048xi32, #tpu.memory_space<vmem>> -> memref<128xi32, #tpu.memory_space<vmem>>
      %dma_wait3A_379 = arith.constant 0 : i32
      %dma_wait3A_380 = arith.constant 0 : i32
      %dma_wait3A_381 = tpu.memref_slice %arg2[%dma_wait3A_379, %dma_wait3A_380] : memref<10000x40xf32, #tpu.memory_space<hbm>> -> memref<10000x40xf32, #tpu.memory_space<hbm>>
      tpu.wait_indirect_dma semaphore(%arg7 : memref<!tpu.dma_semaphore, #tpu.memory_space<semaphore_mem>>) src(%dma_wait3A_381 : memref<10000x40xf32, #tpu.memory_space<hbm>>) dst(%dma_wait3A_376 : memref<128x40xf32, #tpu.memory_space<vmem>>)
      "tpu.region"() ({
        %run_scoped3A = tpu.sem_alloc : memref<!tpu.dma_semaphore, #tpu.memory_space<semaphore_mem>>
        %dma_start3A_382 = arith.constant 0 : i32
        %dma_start3A_383 = arith.constant 0 : i32
        %dma_start3A_384 = tpu.memref_slice %arg6[%dma_start3A_382, %dma_start3A_383] : memref<2048x40xf32, #tpu.memory_space<vmem>> -> memref<2048x40xf32, #tpu.memory_space<vmem>>
        %dma_start3A_385 = arith.constant 0 : i32
        %dma_start3A_386 = tpu.memref_slice %arg4[%add3A_125, %dma_start3A_385] : memref<160000x40xf32, #tpu.memory_space<hbm>> -> memref<2048x40xf32, #tpu.memory_space<hbm>>
        %dma_start3A_387 = arith.constant 0 : i32
        %dma_start3A_388 = tpu.memref_slice %arg4[%add3A_125, %dma_start3A_387] : memref<160000x40xf32, #tpu.memory_space<hbm>> -> memref<2048x40xf32, #tpu.memory_space<hbm>>
        %dma_start3A_389 = arith.constant 0 : i32
        %dma_start3A_390 = arith.constant 0 : i32
        %dma_start3A_391 = tpu.memref_slice %arg6[%dma_start3A_389, %dma_start3A_390] : memref<2048x40xf32, #tpu.memory_space<vmem>> -> memref<2048x40xf32, #tpu.memory_space<vmem>>
        tpu.enqueue_dma source(%dma_start3A_391 : memref<2048x40xf32, #tpu.memory_space<vmem>>) target(%dma_start3A_388 : memref<2048x40xf32, #tpu.memory_space<hbm>>) target_semaphore(%run_scoped3A : memref<!tpu.dma_semaphore, #tpu.memory_space<semaphore_mem>>)
        %dma_wait3A_392 = arith.constant 0 : i32
        %dma_wait3A_393 = arith.constant 0 : i32
        %dma_wait3A_394 = tpu.memref_slice %arg6[%dma_wait3A_392, %dma_wait3A_393] : memref<2048x40xf32, #tpu.memory_space<vmem>> -> memref<2048x40xf32, #tpu.memory_space<vmem>>
        %dma_wait3A_395 = arith.constant 0 : i32
        %dma_wait3A_396 = tpu.memref_slice %arg4[%add3A_125, %dma_wait3A_395] : memref<160000x40xf32, #tpu.memory_space<hbm>> -> memref<2048x40xf32, #tpu.memory_space<hbm>>
        %dma_wait3A_397 = arith.constant 0 : i32
        %dma_wait3A_398 = tpu.memref_slice %arg4[%add3A_125, %dma_wait3A_397] : memref<160000x40xf32, #tpu.memory_space<hbm>> -> memref<2048x40xf32, #tpu.memory_space<hbm>>
        %dma_wait3A_399 = arith.constant 0 : i32
        %dma_wait3A_400 = arith.constant 0 : i32
        %dma_wait3A_401 = tpu.memref_slice %arg6[%dma_wait3A_399, %dma_wait3A_400] : memref<2048x40xf32, #tpu.memory_space<vmem>> -> memref<2048x40xf32, #tpu.memory_space<vmem>>
        tpu.wait_dma2 semaphore(%run_scoped3A : memref<!tpu.dma_semaphore, #tpu.memory_space<semaphore_mem>>) src(%dma_wait3A_401 : memref<2048x40xf32, #tpu.memory_space<vmem>>) dst(%dma_wait3A_398 : memref<2048x40xf32, #tpu.memory_space<hbm>>)
        tpu.yield
      }) : () -> ()
    }
    %scan3A_7 = arith.constant 2 : i32
    %add3A_8 = arith.constant 4096 : i32
    %add3A_9 = arith.addi %mul3A_2, %add3A_8 : i32
    "tpu.region"() ({
      %run_scoped3A = tpu.sem_alloc : memref<!tpu.dma_semaphore, #tpu.memory_space<semaphore_mem>>
      %dma_start3A_122 = arith.constant 0 : i32
      %dma_start3A_123 = tpu.memref_slice %arg5[%dma_start3A_122] : memref<2048xi32, #tpu.memory_space<vmem>> -> memref<896xi32, #tpu.memory_space<vmem>>
      %dma_start3A_124 = tpu.memref_slice %arg3[%add3A_9] : memref<160000xi32, #tpu.memory_space<hbm>> -> memref<896xi32, #tpu.memory_space<hbm>>
      %dma_start3A_125 = arith.constant 0 : i32
      %dma_start3A_126 = tpu.memref_slice %arg5[%dma_start3A_125] : memref<2048xi32, #tpu.memory_space<vmem>> -> memref<896xi32, #tpu.memory_space<vmem>>
      %dma_start3A_127 = tpu.memref_slice %arg3[%add3A_9] : memref<160000xi32, #tpu.memory_space<hbm>> -> memref<896xi32, #tpu.memory_space<hbm>>
      tpu.enqueue_dma source(%dma_start3A_127 : memref<896xi32, #tpu.memory_space<hbm>>) target(%dma_start3A_126 : memref<896xi32, #tpu.memory_space<vmem>>) target_semaphore(%run_scoped3A : memref<!tpu.dma_semaphore, #tpu.memory_space<semaphore_mem>>)
      %dma_wait3A_128 = arith.constant 0 : i32
      %dma_wait3A_129 = tpu.memref_slice %arg5[%dma_wait3A_128] : memref<2048xi32, #tpu.memory_space<vmem>> -> memref<896xi32, #tpu.memory_space<vmem>>
      %dma_wait3A_130 = tpu.memref_slice %arg3[%add3A_9] : memref<160000xi32, #tpu.memory_space<hbm>> -> memref<896xi32, #tpu.memory_space<hbm>>
      %dma_wait3A_131 = arith.constant 0 : i32
      %dma_wait3A_132 = tpu.memref_slice %arg5[%dma_wait3A_131] : memref<2048xi32, #tpu.memory_space<vmem>> -> memref<896xi32, #tpu.memory_space<vmem>>
      %dma_wait3A_133 = tpu.memref_slice %arg3[%add3A_9] : memref<160000xi32, #tpu.memory_space<hbm>> -> memref<896xi32, #tpu.memory_space<hbm>>
      tpu.wait_dma2 semaphore(%run_scoped3A : memref<!tpu.dma_semaphore, #tpu.memory_space<semaphore_mem>>) src(%dma_wait3A_133 : memref<896xi32, #tpu.memory_space<hbm>>) dst(%dma_wait3A_132 : memref<896xi32, #tpu.memory_space<vmem>>)
      tpu.yield
    }) : () -> ()
    %dma_start3A = arith.constant 0 : i32
    %dma_start3A_10 = arith.constant 0 : i32
    %dma_start3A_11 = tpu.memref_slice %arg6[%dma_start3A, %dma_start3A_10] : memref<2048x40xf32, #tpu.memory_space<vmem>> -> memref<128x40xf32, #tpu.memory_space<vmem>>
    %dma_start3A_12 = arith.constant 0 : i32
    %dma_start3A_13 = tpu.memref_slice %arg5[%dma_start3A_12] : memref<2048xi32, #tpu.memory_space<vmem>> -> memref<128xi32, #tpu.memory_space<vmem>>
    %dma_start3A_14 = arith.constant 0 : i32
    %dma_start3A_15 = arith.constant 0 : i32
    %dma_start3A_16 = tpu.memref_slice %arg2[%dma_start3A_14, %dma_start3A_15] : memref<10000x40xf32, #tpu.memory_space<hbm>> -> memref<10000x40xf32, #tpu.memory_space<hbm>>
    tpu.enqueue_indirect_dma source(%dma_start3A_16 : memref<10000x40xf32, #tpu.memory_space<hbm>>) target(%dma_start3A_11 : memref<128x40xf32, #tpu.memory_space<vmem>>) offsets(%dma_start3A_13 : memref<128xi32, #tpu.memory_space<vmem>>) semaphore(%arg7 : memref<!tpu.dma_semaphore, #tpu.memory_space<semaphore_mem>>)
    %dma_start3A_17 = arith.constant 128 : i32
    %dma_start3A_18 = arith.constant 0 : i32
    %dma_start3A_19 = tpu.memref_slice %arg6[%dma_start3A_17, %dma_start3A_18] : memref<2048x40xf32, #tpu.memory_space<vmem>> -> memref<128x40xf32, #tpu.memory_space<vmem>>
    %dma_start3A_20 = arith.constant 128 : i32
    %dma_start3A_21 = tpu.memref_slice %arg5[%dma_start3A_20] : memref<2048xi32, #tpu.memory_space<vmem>> -> memref<128xi32, #tpu.memory_space<vmem>>
    %dma_start3A_22 = arith.constant 0 : i32
    %dma_start3A_23 = arith.constant 0 : i32
    %dma_start3A_24 = tpu.memref_slice %arg2[%dma_start3A_22, %dma_start3A_23] : memref<10000x40xf32, #tpu.memory_space<hbm>> -> memref<10000x40xf32, #tpu.memory_space<hbm>>
    tpu.enqueue_indirect_dma source(%dma_start3A_24 : memref<10000x40xf32, #tpu.memory_space<hbm>>) target(%dma_start3A_19 : memref<128x40xf32, #tpu.memory_space<vmem>>) offsets(%dma_start3A_21 : memref<128xi32, #tpu.memory_space<vmem>>) semaphore(%arg7 : memref<!tpu.dma_semaphore, #tpu.memory_space<semaphore_mem>>)
    %dma_start3A_25 = arith.constant 256 : i32
    %dma_start3A_26 = arith.constant 0 : i32
    %dma_start3A_27 = tpu.memref_slice %arg6[%dma_start3A_25, %dma_start3A_26] : memref<2048x40xf32, #tpu.memory_space<vmem>> -> memref<128x40xf32, #tpu.memory_space<vmem>>
    %dma_start3A_28 = arith.constant 256 : i32
    %dma_start3A_29 = tpu.memref_slice %arg5[%dma_start3A_28] : memref<2048xi32, #tpu.memory_space<vmem>> -> memref<128xi32, #tpu.memory_space<vmem>>
    %dma_start3A_30 = arith.constant 0 : i32
    %dma_start3A_31 = arith.constant 0 : i32
    %dma_start3A_32 = tpu.memref_slice %arg2[%dma_start3A_30, %dma_start3A_31] : memref<10000x40xf32, #tpu.memory_space<hbm>> -> memref<10000x40xf32, #tpu.memory_space<hbm>>
    tpu.enqueue_indirect_dma source(%dma_start3A_32 : memref<10000x40xf32, #tpu.memory_space<hbm>>) target(%dma_start3A_27 : memref<128x40xf32, #tpu.memory_space<vmem>>) offsets(%dma_start3A_29 : memref<128xi32, #tpu.memory_space<vmem>>) semaphore(%arg7 : memref<!tpu.dma_semaphore, #tpu.memory_space<semaphore_mem>>)
    %dma_start3A_33 = arith.constant 384 : i32
    %dma_start3A_34 = arith.constant 0 : i32
    %dma_start3A_35 = tpu.memref_slice %arg6[%dma_start3A_33, %dma_start3A_34] : memref<2048x40xf32, #tpu.memory_space<vmem>> -> memref<128x40xf32, #tpu.memory_space<vmem>>
    %dma_start3A_36 = arith.constant 384 : i32
    %dma_start3A_37 = tpu.memref_slice %arg5[%dma_start3A_36] : memref<2048xi32, #tpu.memory_space<vmem>> -> memref<128xi32, #tpu.memory_space<vmem>>
    %dma_start3A_38 = arith.constant 0 : i32
    %dma_start3A_39 = arith.constant 0 : i32
    %dma_start3A_40 = tpu.memref_slice %arg2[%dma_start3A_38, %dma_start3A_39] : memref<10000x40xf32, #tpu.memory_space<hbm>> -> memref<10000x40xf32, #tpu.memory_space<hbm>>
    tpu.enqueue_indirect_dma source(%dma_start3A_40 : memref<10000x40xf32, #tpu.memory_space<hbm>>) target(%dma_start3A_35 : memref<128x40xf32, #tpu.memory_space<vmem>>) offsets(%dma_start3A_37 : memref<128xi32, #tpu.memory_space<vmem>>) semaphore(%arg7 : memref<!tpu.dma_semaphore, #tpu.memory_space<semaphore_mem>>)
    %dma_start3A_41 = arith.constant 512 : i32
    %dma_start3A_42 = arith.constant 0 : i32
    %dma_start3A_43 = tpu.memref_slice %arg6[%dma_start3A_41, %dma_start3A_42] : memref<2048x40xf32, #tpu.memory_space<vmem>> -> memref<128x40xf32, #tpu.memory_space<vmem>>
    %dma_start3A_44 = arith.constant 512 : i32
    %dma_start3A_45 = tpu.memref_slice %arg5[%dma_start3A_44] : memref<2048xi32, #tpu.memory_space<vmem>> -> memref<128xi32, #tpu.memory_space<vmem>>
    %dma_start3A_46 = arith.constant 0 : i32
    %dma_start3A_47 = arith.constant 0 : i32
    %dma_start3A_48 = tpu.memref_slice %arg2[%dma_start3A_46, %dma_start3A_47] : memref<10000x40xf32, #tpu.memory_space<hbm>> -> memref<10000x40xf32, #tpu.memory_space<hbm>>
    tpu.enqueue_indirect_dma source(%dma_start3A_48 : memref<10000x40xf32, #tpu.memory_space<hbm>>) target(%dma_start3A_43 : memref<128x40xf32, #tpu.memory_space<vmem>>) offsets(%dma_start3A_45 : memref<128xi32, #tpu.memory_space<vmem>>) semaphore(%arg7 : memref<!tpu.dma_semaphore, #tpu.memory_space<semaphore_mem>>)
    %dma_start3A_49 = arith.constant 640 : i32
    %dma_start3A_50 = arith.constant 0 : i32
    %dma_start3A_51 = tpu.memref_slice %arg6[%dma_start3A_49, %dma_start3A_50] : memref<2048x40xf32, #tpu.memory_space<vmem>> -> memref<128x40xf32, #tpu.memory_space<vmem>>
    %dma_start3A_52 = arith.constant 640 : i32
    %dma_start3A_53 = tpu.memref_slice %arg5[%dma_start3A_52] : memref<2048xi32, #tpu.memory_space<vmem>> -> memref<128xi32, #tpu.memory_space<vmem>>
    %dma_start3A_54 = arith.constant 0 : i32
    %dma_start3A_55 = arith.constant 0 : i32
    %dma_start3A_56 = tpu.memref_slice %arg2[%dma_start3A_54, %dma_start3A_55] : memref<10000x40xf32, #tpu.memory_space<hbm>> -> memref<10000x40xf32, #tpu.memory_space<hbm>>
    tpu.enqueue_indirect_dma source(%dma_start3A_56 : memref<10000x40xf32, #tpu.memory_space<hbm>>) target(%dma_start3A_51 : memref<128x40xf32, #tpu.memory_space<vmem>>) offsets(%dma_start3A_53 : memref<128xi32, #tpu.memory_space<vmem>>) semaphore(%arg7 : memref<!tpu.dma_semaphore, #tpu.memory_space<semaphore_mem>>)
    %dma_start3A_57 = arith.constant 768 : i32
    %dma_start3A_58 = arith.constant 0 : i32
    %dma_start3A_59 = tpu.memref_slice %arg6[%dma_start3A_57, %dma_start3A_58] : memref<2048x40xf32, #tpu.memory_space<vmem>> -> memref<128x40xf32, #tpu.memory_space<vmem>>
    %dma_start3A_60 = arith.constant 768 : i32
    %dma_start3A_61 = tpu.memref_slice %arg5[%dma_start3A_60] : memref<2048xi32, #tpu.memory_space<vmem>> -> memref<128xi32, #tpu.memory_space<vmem>>
    %dma_start3A_62 = arith.constant 0 : i32
    %dma_start3A_63 = arith.constant 0 : i32
    %dma_start3A_64 = tpu.memref_slice %arg2[%dma_start3A_62, %dma_start3A_63] : memref<10000x40xf32, #tpu.memory_space<hbm>> -> memref<10000x40xf32, #tpu.memory_space<hbm>>
    tpu.enqueue_indirect_dma source(%dma_start3A_64 : memref<10000x40xf32, #tpu.memory_space<hbm>>) target(%dma_start3A_59 : memref<128x40xf32, #tpu.memory_space<vmem>>) offsets(%dma_start3A_61 : memref<128xi32, #tpu.memory_space<vmem>>) semaphore(%arg7 : memref<!tpu.dma_semaphore, #tpu.memory_space<semaphore_mem>>)
    %dma_wait3A = arith.constant 0 : i32
    %dma_wait3A_65 = arith.constant 0 : i32
    %dma_wait3A_66 = tpu.memref_slice %arg6[%dma_wait3A, %dma_wait3A_65] : memref<2048x40xf32, #tpu.memory_space<vmem>> -> memref<128x40xf32, #tpu.memory_space<vmem>>
    %dma_wait3A_67 = arith.constant 0 : i32
    %dma_wait3A_68 = tpu.memref_slice %arg5[%dma_wait3A_67] : memref<2048xi32, #tpu.memory_space<vmem>> -> memref<128xi32, #tpu.memory_space<vmem>>
    %dma_wait3A_69 = arith.constant 0 : i32
    %dma_wait3A_70 = arith.constant 0 : i32
    %dma_wait3A_71 = tpu.memref_slice %arg2[%dma_wait3A_69, %dma_wait3A_70] : memref<10000x40xf32, #tpu.memory_space<hbm>> -> memref<10000x40xf32, #tpu.memory_space<hbm>>
    tpu.wait_indirect_dma semaphore(%arg7 : memref<!tpu.dma_semaphore, #tpu.memory_space<semaphore_mem>>) src(%dma_wait3A_71 : memref<10000x40xf32, #tpu.memory_space<hbm>>) dst(%dma_wait3A_66 : memref<128x40xf32, #tpu.memory_space<vmem>>)
    %dma_wait3A_72 = arith.constant 128 : i32
    %dma_wait3A_73 = arith.constant 0 : i32
    %dma_wait3A_74 = tpu.memref_slice %arg6[%dma_wait3A_72, %dma_wait3A_73] : memref<2048x40xf32, #tpu.memory_space<vmem>> -> memref<128x40xf32, #tpu.memory_space<vmem>>
    %dma_wait3A_75 = arith.constant 128 : i32
    %dma_wait3A_76 = tpu.memref_slice %arg5[%dma_wait3A_75] : memref<2048xi32, #tpu.memory_space<vmem>> -> memref<128xi32, #tpu.memory_space<vmem>>
    %dma_wait3A_77 = arith.constant 0 : i32
    %dma_wait3A_78 = arith.constant 0 : i32
    %dma_wait3A_79 = tpu.memref_slice %arg2[%dma_wait3A_77, %dma_wait3A_78] : memref<10000x40xf32, #tpu.memory_space<hbm>> -> memref<10000x40xf32, #tpu.memory_space<hbm>>
    tpu.wait_indirect_dma semaphore(%arg7 : memref<!tpu.dma_semaphore, #tpu.memory_space<semaphore_mem>>) src(%dma_wait3A_79 : memref<10000x40xf32, #tpu.memory_space<hbm>>) dst(%dma_wait3A_74 : memref<128x40xf32, #tpu.memory_space<vmem>>)
    %dma_wait3A_80 = arith.constant 256 : i32
    %dma_wait3A_81 = arith.constant 0 : i32
    %dma_wait3A_82 = tpu.memref_slice %arg6[%dma_wait3A_80, %dma_wait3A_81] : memref<2048x40xf32, #tpu.memory_space<vmem>> -> memref<128x40xf32, #tpu.memory_space<vmem>>
    %dma_wait3A_83 = arith.constant 256 : i32
    %dma_wait3A_84 = tpu.memref_slice %arg5[%dma_wait3A_83] : memref<2048xi32, #tpu.memory_space<vmem>> -> memref<128xi32, #tpu.memory_space<vmem>>
    %dma_wait3A_85 = arith.constant 0 : i32
    %dma_wait3A_86 = arith.constant 0 : i32
    %dma_wait3A_87 = tpu.memref_slice %arg2[%dma_wait3A_85, %dma_wait3A_86] : memref<10000x40xf32, #tpu.memory_space<hbm>> -> memref<10000x40xf32, #tpu.memory_space<hbm>>
    tpu.wait_indirect_dma semaphore(%arg7 : memref<!tpu.dma_semaphore, #tpu.memory_space<semaphore_mem>>) src(%dma_wait3A_87 : memref<10000x40xf32, #tpu.memory_space<hbm>>) dst(%dma_wait3A_82 : memref<128x40xf32, #tpu.memory_space<vmem>>)
    %dma_wait3A_88 = arith.constant 384 : i32
    %dma_wait3A_89 = arith.constant 0 : i32
    %dma_wait3A_90 = tpu.memref_slice %arg6[%dma_wait3A_88, %dma_wait3A_89] : memref<2048x40xf32, #tpu.memory_space<vmem>> -> memref<128x40xf32, #tpu.memory_space<vmem>>
    %dma_wait3A_91 = arith.constant 384 : i32
    %dma_wait3A_92 = tpu.memref_slice %arg5[%dma_wait3A_91] : memref<2048xi32, #tpu.memory_space<vmem>> -> memref<128xi32, #tpu.memory_space<vmem>>
    %dma_wait3A_93 = arith.constant 0 : i32
    %dma_wait3A_94 = arith.constant 0 : i32
    %dma_wait3A_95 = tpu.memref_slice %arg2[%dma_wait3A_93, %dma_wait3A_94] : memref<10000x40xf32, #tpu.memory_space<hbm>> -> memref<10000x40xf32, #tpu.memory_space<hbm>>
    tpu.wait_indirect_dma semaphore(%arg7 : memref<!tpu.dma_semaphore, #tpu.memory_space<semaphore_mem>>) src(%dma_wait3A_95 : memref<10000x40xf32, #tpu.memory_space<hbm>>) dst(%dma_wait3A_90 : memref<128x40xf32, #tpu.memory_space<vmem>>)
    %dma_wait3A_96 = arith.constant 512 : i32
    %dma_wait3A_97 = arith.constant 0 : i32
    %dma_wait3A_98 = tpu.memref_slice %arg6[%dma_wait3A_96, %dma_wait3A_97] : memref<2048x40xf32, #tpu.memory_space<vmem>> -> memref<128x40xf32, #tpu.memory_space<vmem>>
    %dma_wait3A_99 = arith.constant 512 : i32
    %dma_wait3A_100 = tpu.memref_slice %arg5[%dma_wait3A_99] : memref<2048xi32, #tpu.memory_space<vmem>> -> memref<128xi32, #tpu.memory_space<vmem>>
    %dma_wait3A_101 = arith.constant 0 : i32
    %dma_wait3A_102 = arith.constant 0 : i32
    %dma_wait3A_103 = tpu.memref_slice %arg2[%dma_wait3A_101, %dma_wait3A_102] : memref<10000x40xf32, #tpu.memory_space<hbm>> -> memref<10000x40xf32, #tpu.memory_space<hbm>>
    tpu.wait_indirect_dma semaphore(%arg7 : memref<!tpu.dma_semaphore, #tpu.memory_space<semaphore_mem>>) src(%dma_wait3A_103 : memref<10000x40xf32, #tpu.memory_space<hbm>>) dst(%dma_wait3A_98 : memref<128x40xf32, #tpu.memory_space<vmem>>)
    %dma_wait3A_104 = arith.constant 640 : i32
    %dma_wait3A_105 = arith.constant 0 : i32
    %dma_wait3A_106 = tpu.memref_slice %arg6[%dma_wait3A_104, %dma_wait3A_105] : memref<2048x40xf32, #tpu.memory_space<vmem>> -> memref<128x40xf32, #tpu.memory_space<vmem>>
    %dma_wait3A_107 = arith.constant 640 : i32
    %dma_wait3A_108 = tpu.memref_slice %arg5[%dma_wait3A_107] : memref<2048xi32, #tpu.memory_space<vmem>> -> memref<128xi32, #tpu.memory_space<vmem>>
    %dma_wait3A_109 = arith.constant 0 : i32
    %dma_wait3A_110 = arith.constant 0 : i32
    %dma_wait3A_111 = tpu.memref_slice %arg2[%dma_wait3A_109, %dma_wait3A_110] : memref<10000x40xf32, #tpu.memory_space<hbm>> -> memref<10000x40xf32, #tpu.memory_space<hbm>>
    tpu.wait_indirect_dma semaphore(%arg7 : memref<!tpu.dma_semaphore, #tpu.memory_space<semaphore_mem>>) src(%dma_wait3A_111 : memref<10000x40xf32, #tpu.memory_space<hbm>>) dst(%dma_wait3A_106 : memref<128x40xf32, #tpu.memory_space<vmem>>)
    %dma_wait3A_112 = arith.constant 768 : i32
    %dma_wait3A_113 = arith.constant 0 : i32
    %dma_wait3A_114 = tpu.memref_slice %arg6[%dma_wait3A_112, %dma_wait3A_113] : memref<2048x40xf32, #tpu.memory_space<vmem>> -> memref<128x40xf32, #tpu.memory_space<vmem>>
    %dma_wait3A_115 = arith.constant 768 : i32
    %dma_wait3A_116 = tpu.memref_slice %arg5[%dma_wait3A_115] : memref<2048xi32, #tpu.memory_space<vmem>> -> memref<128xi32, #tpu.memory_space<vmem>>
    %dma_wait3A_117 = arith.constant 0 : i32
    %dma_wait3A_118 = arith.constant 0 : i32
    %dma_wait3A_119 = tpu.memref_slice %arg2[%dma_wait3A_117, %dma_wait3A_118] : memref<10000x40xf32, #tpu.memory_space<hbm>> -> memref<10000x40xf32, #tpu.memory_space<hbm>>
    tpu.wait_indirect_dma semaphore(%arg7 : memref<!tpu.dma_semaphore, #tpu.memory_space<semaphore_mem>>) src(%dma_wait3A_119 : memref<10000x40xf32, #tpu.memory_space<hbm>>) dst(%dma_wait3A_114 : memref<128x40xf32, #tpu.memory_space<vmem>>)
    "tpu.region"() ({
      %run_scoped3A = tpu.sem_alloc : memref<!tpu.dma_semaphore, #tpu.memory_space<semaphore_mem>>
      %dma_start3A_122 = arith.constant 0 : i32
      %dma_start3A_123 = arith.constant 0 : i32
      %dma_start3A_124 = tpu.memref_slice %arg6[%dma_start3A_122, %dma_start3A_123] : memref<2048x40xf32, #tpu.memory_space<vmem>> -> memref<896x40xf32, #tpu.memory_space<vmem>>
      %dma_start3A_125 = arith.constant 0 : i32
      %dma_start3A_126 = tpu.memref_slice %arg4[%add3A_9, %dma_start3A_125] : memref<160000x40xf32, #tpu.memory_space<hbm>> -> memref<896x40xf32, #tpu.memory_space<hbm>>
      %dma_start3A_127 = arith.constant 0 : i32
      %dma_start3A_128 = tpu.memref_slice %arg4[%add3A_9, %dma_start3A_127] : memref<160000x40xf32, #tpu.memory_space<hbm>> -> memref<896x40xf32, #tpu.memory_space<hbm>>
      %dma_start3A_129 = arith.constant 0 : i32
      %dma_start3A_130 = arith.constant 0 : i32
      %dma_start3A_131 = tpu.memref_slice %arg6[%dma_start3A_129, %dma_start3A_130] : memref<2048x40xf32, #tpu.memory_space<vmem>> -> memref<896x40xf32, #tpu.memory_space<vmem>>
      tpu.enqueue_dma source(%dma_start3A_131 : memref<896x40xf32, #tpu.memory_space<vmem>>) target(%dma_start3A_128 : memref<896x40xf32, #tpu.memory_space<hbm>>) target_semaphore(%run_scoped3A : memref<!tpu.dma_semaphore, #tpu.memory_space<semaphore_mem>>)
      %dma_wait3A_132 = arith.constant 0 : i32
      %dma_wait3A_133 = arith.constant 0 : i32
      %dma_wait3A_134 = tpu.memref_slice %arg6[%dma_wait3A_132, %dma_wait3A_133] : memref<2048x40xf32, #tpu.memory_space<vmem>> -> memref<896x40xf32, #tpu.memory_space<vmem>>
      %dma_wait3A_135 = arith.constant 0 : i32
      %dma_wait3A_136 = tpu.memref_slice %arg4[%add3A_9, %dma_wait3A_135] : memref<160000x40xf32, #tpu.memory_space<hbm>> -> memref<896x40xf32, #tpu.memory_space<hbm>>
      %dma_wait3A_137 = arith.constant 0 : i32
      %dma_wait3A_138 = tpu.memref_slice %arg4[%add3A_9, %dma_wait3A_137] : memref<160000x40xf32, #tpu.memory_space<hbm>> -> memref<896x40xf32, #tpu.memory_space<hbm>>
      %dma_wait3A_139 = arith.constant 0 : i32
      %dma_wait3A_140 = arith.constant 0 : i32
      %dma_wait3A_141 = tpu.memref_slice %arg6[%dma_wait3A_139, %dma_wait3A_140] : memref<2048x40xf32, #tpu.memory_space<vmem>> -> memref<896x40xf32, #tpu.memory_space<vmem>>
      tpu.wait_dma2 semaphore(%run_scoped3A : memref<!tpu.dma_semaphore, #tpu.memory_space<semaphore_mem>>) src(%dma_wait3A_141 : memref<896x40xf32, #tpu.memory_space<vmem>>) dst(%dma_wait3A_138 : memref<896x40xf32, #tpu.memory_space<hbm>>)
      tpu.yield
    }) : () -> ()
    %lt3A = arith.constant 2 : i32
    %lt3A_120 = arith.cmpi slt, %add3A, %lt3A : i32
    %convert_element_type3A = arith.extui %lt3A_120 : i1 to i32
    %cond3A = arith.constant 0 : i32
    %cond3A_121 = arith.cmpi ne, %convert_element_type3A, %cond3A : i32
    scf.if %cond3A_121 {
      %mul3A_122 = arith.constant 128 : i32
      %mul3A_123 = arith.muli %add3A, %mul3A_122 : i32
      %add3A_124 = arith.constant 159744 : i32
      %add3A_125 = arith.addi %add3A_124, %mul3A_123 : i32
      "tpu.region"() ({
        %run_scoped3A = tpu.sem_alloc : memref<!tpu.dma_semaphore, #tpu.memory_space<semaphore_mem>>
        %dma_start3A_142 = arith.constant 0 : i32
        %dma_start3A_143 = tpu.memref_slice %arg5[%dma_start3A_142] : memref<2048xi32, #tpu.memory_space<vmem>> -> memref<128xi32, #tpu.memory_space<vmem>>
        %dma_start3A_144 = tpu.memref_slice %arg3[%add3A_125] : memref<160000xi32, #tpu.memory_space<hbm>> -> memref<128xi32, #tpu.memory_space<hbm>>
        %dma_start3A_145 = arith.constant 0 : i32
        %dma_start3A_146 = tpu.memref_slice %arg5[%dma_start3A_145] : memref<2048xi32, #tpu.memory_space<vmem>> -> memref<128xi32, #tpu.memory_space<vmem>>
        %dma_start3A_147 = tpu.memref_slice %arg3[%add3A_125] : memref<160000xi32, #tpu.memory_space<hbm>> -> memref<128xi32, #tpu.memory_space<hbm>>
        tpu.enqueue_dma source(%dma_start3A_147 : memref<128xi32, #tpu.memory_space<hbm>>) target(%dma_start3A_146 : memref<128xi32, #tpu.memory_space<vmem>>) target_semaphore(%run_scoped3A : memref<!tpu.dma_semaphore, #tpu.memory_space<semaphore_mem>>)
        %dma_wait3A_148 = arith.constant 0 : i32
        %dma_wait3A_149 = tpu.memref_slice %arg5[%dma_wait3A_148] : memref<2048xi32, #tpu.memory_space<vmem>> -> memref<128xi32, #tpu.memory_space<vmem>>
        %dma_wait3A_150 = tpu.memref_slice %arg3[%add3A_125] : memref<160000xi32, #tpu.memory_space<hbm>> -> memref<128xi32, #tpu.memory_space<hbm>>
        %dma_wait3A_151 = arith.constant 0 : i32
        %dma_wait3A_152 = tpu.memref_slice %arg5[%dma_wait3A_151] : memref<2048xi32, #tpu.memory_space<vmem>> -> memref<128xi32, #tpu.memory_space<vmem>>
        %dma_wait3A_153 = tpu.memref_slice %arg3[%add3A_125] : memref<160000xi32, #tpu.memory_space<hbm>> -> memref<128xi32, #tpu.memory_space<hbm>>
        tpu.wait_dma2 semaphore(%run_scoped3A : memref<!tpu.dma_semaphore, #tpu.memory_space<semaphore_mem>>) src(%dma_wait3A_153 : memref<128xi32, #tpu.memory_space<hbm>>) dst(%dma_wait3A_152 : memref<128xi32, #tpu.memory_space<vmem>>)
        tpu.yield
      }) : () -> ()
      %dma_start3A_126 = arith.constant 0 : i32
      %dma_start3A_127 = arith.constant 0 : i32
      %dma_start3A_128 = tpu.memref_slice %arg6[%dma_start3A_126, %dma_start3A_127] : memref<2048x40xf32, #tpu.memory_space<vmem>> -> memref<128x40xf32, #tpu.memory_space<vmem>>
      %dma_start3A_129 = arith.constant 0 : i32
      %dma_start3A_130 = tpu.memref_slice %arg5[%dma_start3A_129] : memref<2048xi32, #tpu.memory_space<vmem>> -> memref<128xi32, #tpu.memory_space<vmem>>
      %dma_start3A_131 = arith.constant 0 : i32
      %dma_start3A_132 = arith.constant 0 : i32
      %dma_start3A_133 = tpu.memref_slice %arg2[%dma_start3A_131, %dma_start3A_132] : memref<10000x40xf32, #tpu.memory_space<hbm>> -> memref<10000x40xf32, #tpu.memory_space<hbm>>
      tpu.enqueue_indirect_dma source(%dma_start3A_133 : memref<10000x40xf32, #tpu.memory_space<hbm>>) target(%dma_start3A_128 : memref<128x40xf32, #tpu.memory_space<vmem>>) offsets(%dma_start3A_130 : memref<128xi32, #tpu.memory_space<vmem>>) semaphore(%arg7 : memref<!tpu.dma_semaphore, #tpu.memory_space<semaphore_mem>>)
      %dma_wait3A_134 = arith.constant 0 : i32
      %dma_wait3A_135 = arith.constant 0 : i32
      %dma_wait3A_136 = tpu.memref_slice %arg6[%dma_wait3A_134, %dma_wait3A_135] : memref<2048x40xf32, #tpu.memory_space<vmem>> -> memref<128x40xf32, #tpu.memory_space<vmem>>
      %dma_wait3A_137 = arith.constant 0 : i32
      %dma_wait3A_138 = tpu.memref_slice %arg5[%dma_wait3A_137] : memref<2048xi32, #tpu.memory_space<vmem>> -> memref<128xi32, #tpu.memory_space<vmem>>
      %dma_wait3A_139 = arith.constant 0 : i32
      %dma_wait3A_140 = arith.constant 0 : i32
      %dma_wait3A_141 = tpu.memref_slice %arg2[%dma_wait3A_139, %dma_wait3A_140] : memref<10000x40xf32, #tpu.memory_space<hbm>> -> memref<10000x40xf32, #tpu.memory_space<hbm>>
      tpu.wait_indirect_dma semaphore(%arg7 : memref<!tpu.dma_semaphore, #tpu.memory_space<semaphore_mem>>) src(%dma_wait3A_141 : memref<10000x40xf32, #tpu.memory_space<hbm>>) dst(%dma_wait3A_136 : memref<128x40xf32, #tpu.memory_space<vmem>>)
      "tpu.region"() ({
        %run_scoped3A = tpu.sem_alloc : memref<!tpu.dma_semaphore, #tpu.memory_space<semaphore_mem>>
        %dma_start3A_142 = arith.constant 0 : i32
        %dma_start3A_143 = arith.constant 0 : i32
        %dma_start3A_144 = tpu.memref_slice %arg6[%dma_start3A_142, %dma_start3A_143] : memref<2048x40xf32, #tpu.memory_space<vmem>> -> memref<128x40xf32, #tpu.memory_space<vmem>>
        %dma_start3A_145 = arith.constant 0 : i32
        %dma_start3A_146 = tpu.memref_slice %arg4[%add3A_125, %dma_start3A_145] : memref<160000x40xf32, #tpu.memory_space<hbm>> -> memref<128x40xf32, #tpu.memory_space<hbm>>
        %dma_start3A_147 = arith.constant 0 : i32
        %dma_start3A_148 = tpu.memref_slice %arg4[%add3A_125, %dma_start3A_147] : memref<160000x40xf32, #tpu.memory_space<hbm>> -> memref<128x40xf32, #tpu.memory_space<hbm>>
        %dma_start3A_149 = arith.constant 0 : i32
        %dma_start3A_150 = arith.constant 0 : i32
        %dma_start3A_151 = tpu.memref_slice %arg6[%dma_start3A_149, %dma_start3A_150] : memref<2048x40xf32, #tpu.memory_space<vmem>> -> memref<128x40xf32, #tpu.memory_space<vmem>>
        tpu.enqueue_dma source(%dma_start3A_151 : memref<128x40xf32, #tpu.memory_space<vmem>>) target(%dma_start3A_148 : memref<128x40xf32, #tpu.memory_space<hbm>>) target_semaphore(%run_scoped3A : memref<!tpu.dma_semaphore, #tpu.memory_space<semaphore_mem>>)
        %dma_wait3A_152 = arith.constant 0 : i32
        %dma_wait3A_153 = arith.constant 0 : i32
        %dma_wait3A_154 = tpu.memref_slice %arg6[%dma_wait3A_152, %dma_wait3A_153] : memref<2048x40xf32, #tpu.memory_space<vmem>> -> memref<128x40xf32, #tpu.memory_space<vmem>>
        %dma_wait3A_155 = arith.constant 0 : i32
        %dma_wait3A_156 = tpu.memref_slice %arg4[%add3A_125, %dma_wait3A_155] : memref<160000x40xf32, #tpu.memory_space<hbm>> -> memref<128x40xf32, #tpu.memory_space<hbm>>
        %dma_wait3A_157 = arith.constant 0 : i32
        %dma_wait3A_158 = tpu.memref_slice %arg4[%add3A_125, %dma_wait3A_157] : memref<160000x40xf32, #tpu.memory_space<hbm>> -> memref<128x40xf32, #tpu.memory_space<hbm>>
        %dma_wait3A_159 = arith.constant 0 : i32
        %dma_wait3A_160 = arith.constant 0 : i32
        %dma_wait3A_161 = tpu.memref_slice %arg6[%dma_wait3A_159, %dma_wait3A_160] : memref<2048x40xf32, #tpu.memory_space<vmem>> -> memref<128x40xf32, #tpu.memory_space<vmem>>
        tpu.wait_dma2 semaphore(%run_scoped3A : memref<!tpu.dma_semaphore, #tpu.memory_space<semaphore_mem>>) src(%dma_wait3A_161 : memref<128x40xf32, #tpu.memory_space<vmem>>) dst(%dma_wait3A_158 : memref<128x40xf32, #tpu.memory_space<hbm>>)
        tpu.yield
      }) : () -> ()
    } else {
    }
    return
  }
}

#map = affine_map<(d0, d1) -> (0, 0)>
#map1 = affine_map<(d0, d1) -> (0, 0, 0)>
module attributes {stable_mosaic.version = 14 : i64} {
  func.func @_sc_scatter(%arg0: i32, %arg1: i32, %arg2: memref<160000x40xf32, #tpu.memory_space<hbm>>, %arg3: memref<1250x128xi32, #tpu.memory_space<hbm>>, %arg4: memref<10000x40xf32, #tpu.memory_space<hbm>>, %arg5: memref<2x10000x40xf32, #tpu.memory_space<hbm>>, %arg6: memref<16x128xi32, #tpu.memory_space<vmem>>, %arg7: memref<2048x40xf32, #tpu.memory_space<vmem>>, %arg8: memref<10000x40xf32, #tpu.memory_space<vmem_shared>>) attributes {dimension_semantics = [#tpu.dimension_semantics<core_parallel>, #tpu.dimension_semantics<subcore_parallel>], iteration_bounds = array<i64: 2, 16>, scalar_prefetch = 0 : i64, scratch_operands = 3 : i64, tpu.core_type = #tpu.core_type<sc_vector_subcore>, window_params = [{transform_indices = #map}, {transform_indices = #map}, {transform_indices = #map}, {transform_indices = #map1}]} {
    %mul3A = arith.constant 2 : i32
    %mul3A_0 = arith.muli %arg1, %mul3A : i32
    %add3A = arith.addi %mul3A_0, %arg0 : i32
    %mul3A_1 = arith.constant 39 : i32
    %mul3A_2 = arith.muli %add3A, %mul3A_1 : i32
    %mul3A_3 = arith.constant 625 : i32
    %mul3A_4 = arith.muli %arg1, %mul3A_3 : i32
    %mul3A_5 = arith.constant 625 : i32
    %mul3A_6 = arith.muli %arg1, %mul3A_5 : i32
    "tpu.region"() ({
      %run_scoped3A_29 = tpu.sem_alloc : memref<!tpu.dma_semaphore, #tpu.memory_space<semaphore_mem>>
      %dma_start3A = arith.constant 0 : i32
      %dma_start3A_30 = tpu.memref_slice %arg8[%mul3A_6, %dma_start3A] : memref<10000x40xf32, #tpu.memory_space<vmem_shared>> -> memref<625x40xf32, #tpu.memory_space<vmem_shared>>
      %dma_start3A_31 = arith.constant 0 : i32
      %dma_start3A_32 = tpu.memref_slice %arg4[%mul3A_4, %dma_start3A_31] : memref<10000x40xf32, #tpu.memory_space<hbm>> -> memref<625x40xf32, #tpu.memory_space<hbm>>
      tpu.enqueue_dma source(%dma_start3A_32 : memref<625x40xf32, #tpu.memory_space<hbm>>) target(%dma_start3A_30 : memref<625x40xf32, #tpu.memory_space<vmem_shared>>) target_semaphore(%run_scoped3A_29 : memref<!tpu.dma_semaphore, #tpu.memory_space<semaphore_mem>>)
      %dma_wait3A = arith.constant 0 : i32
      %dma_wait3A_33 = tpu.memref_slice %arg8[%mul3A_6, %dma_wait3A] : memref<10000x40xf32, #tpu.memory_space<vmem_shared>> -> memref<625x40xf32, #tpu.memory_space<vmem_shared>>
      %dma_wait3A_34 = arith.constant 0 : i32
      %dma_wait3A_35 = tpu.memref_slice %arg4[%mul3A_4, %dma_wait3A_34] : memref<10000x40xf32, #tpu.memory_space<hbm>> -> memref<625x40xf32, #tpu.memory_space<hbm>>
      tpu.wait_dma2 semaphore(%run_scoped3A_29 : memref<!tpu.dma_semaphore, #tpu.memory_space<semaphore_mem>>) src(%dma_wait3A_35 : memref<625x40xf32, #tpu.memory_space<hbm>>) dst(%dma_wait3A_33 : memref<625x40xf32, #tpu.memory_space<vmem_shared>>)
      tpu.yield
    }) : () -> ()
    %barrier3A = arith.constant 0 : index
    tpu.barrier barrier_id(%barrier3A)
    %scan3A = arith.constant 0 : i32
    %scan3A_7 = arith.constant 0 : i32
    %scan3A_8 = arith.constant 2 : i32
    %scan3A_9 = arith.addi %scan3A_7, %scan3A_8 : i32
    %scan3A_10 = arith.constant 1 : i32
    scf.for %scan3A_29 = %scan3A_7 to %scan3A_9 step %scan3A_10  : i32 {
      %mul3A_30 = arith.constant 16 : i32
      %mul3A_31 = arith.muli %scan3A_29, %mul3A_30 : i32
      %add3A_32 = arith.addi %mul3A_2, %mul3A_31 : i32
      "tpu.region"() ({
        %run_scoped3A_51 = tpu.sem_alloc : memref<!tpu.dma_semaphore, #tpu.memory_space<semaphore_mem>>
        %dma_start3A = arith.constant 0 : i32
        %dma_start3A_52 = arith.constant 0 : i32
        %dma_start3A_53 = tpu.memref_slice %arg6[%dma_start3A, %dma_start3A_52] : memref<16x128xi32, #tpu.memory_space<vmem>> -> memref<16x128xi32, #tpu.memory_space<vmem>>
        %dma_start3A_54 = arith.constant 0 : i32
        %dma_start3A_55 = tpu.memref_slice %arg3[%add3A_32, %dma_start3A_54] : memref<1250x128xi32, #tpu.memory_space<hbm>> -> memref<16x128xi32, #tpu.memory_space<hbm>>
        %dma_start3A_56 = arith.constant 0 : i32
        %dma_start3A_57 = arith.constant 0 : i32
        %dma_start3A_58 = tpu.memref_slice %arg6[%dma_start3A_56, %dma_start3A_57] : memref<16x128xi32, #tpu.memory_space<vmem>> -> memref<16x128xi32, #tpu.memory_space<vmem>>
        %dma_start3A_59 = arith.constant 0 : i32
        %dma_start3A_60 = tpu.memref_slice %arg3[%add3A_32, %dma_start3A_59] : memref<1250x128xi32, #tpu.memory_space<hbm>> -> memref<16x128xi32, #tpu.memory_space<hbm>>
        tpu.enqueue_dma source(%dma_start3A_60 : memref<16x128xi32, #tpu.memory_space<hbm>>) target(%dma_start3A_58 : memref<16x128xi32, #tpu.memory_space<vmem>>) target_semaphore(%run_scoped3A_51 : memref<!tpu.dma_semaphore, #tpu.memory_space<semaphore_mem>>)
        %dma_wait3A = arith.constant 0 : i32
        %dma_wait3A_61 = arith.constant 0 : i32
        %dma_wait3A_62 = tpu.memref_slice %arg6[%dma_wait3A, %dma_wait3A_61] : memref<16x128xi32, #tpu.memory_space<vmem>> -> memref<16x128xi32, #tpu.memory_space<vmem>>
        %dma_wait3A_63 = arith.constant 0 : i32
        %dma_wait3A_64 = tpu.memref_slice %arg3[%add3A_32, %dma_wait3A_63] : memref<1250x128xi32, #tpu.memory_space<hbm>> -> memref<16x128xi32, #tpu.memory_space<hbm>>
        %dma_wait3A_65 = arith.constant 0 : i32
        %dma_wait3A_66 = arith.constant 0 : i32
        %dma_wait3A_67 = tpu.memref_slice %arg6[%dma_wait3A_65, %dma_wait3A_66] : memref<16x128xi32, #tpu.memory_space<vmem>> -> memref<16x128xi32, #tpu.memory_space<vmem>>
        %dma_wait3A_68 = arith.constant 0 : i32
        %dma_wait3A_69 = tpu.memref_slice %arg3[%add3A_32, %dma_wait3A_68] : memref<1250x128xi32, #tpu.memory_space<hbm>> -> memref<16x128xi32, #tpu.memory_space<hbm>>
        tpu.wait_dma2 semaphore(%run_scoped3A_51 : memref<!tpu.dma_semaphore, #tpu.memory_space<semaphore_mem>>) src(%dma_wait3A_69 : memref<16x128xi32, #tpu.memory_space<hbm>>) dst(%dma_wait3A_67 : memref<16x128xi32, #tpu.memory_space<vmem>>)
        tpu.yield
      }) : () -> ()
      %mul3A_33 = arith.constant 128 : i32
      %mul3A_34 = arith.muli %add3A_32, %mul3A_33 : i32
      "tpu.region"() ({
        %run_scoped3A_51 = tpu.sem_alloc : memref<!tpu.dma_semaphore, #tpu.memory_space<semaphore_mem>>
        %dma_start3A = arith.constant 0 : i32
        %dma_start3A_52 = arith.constant 0 : i32
        %dma_start3A_53 = tpu.memref_slice %arg7[%dma_start3A, %dma_start3A_52] : memref<2048x40xf32, #tpu.memory_space<vmem>> -> memref<2048x40xf32, #tpu.memory_space<vmem>>
        %dma_start3A_54 = arith.constant 0 : i32
        %dma_start3A_55 = tpu.memref_slice %arg2[%mul3A_34, %dma_start3A_54] : memref<160000x40xf32, #tpu.memory_space<hbm>> -> memref<2048x40xf32, #tpu.memory_space<hbm>>
        %dma_start3A_56 = arith.constant 0 : i32
        %dma_start3A_57 = arith.constant 0 : i32
        %dma_start3A_58 = tpu.memref_slice %arg7[%dma_start3A_56, %dma_start3A_57] : memref<2048x40xf32, #tpu.memory_space<vmem>> -> memref<2048x40xf32, #tpu.memory_space<vmem>>
        %dma_start3A_59 = arith.constant 0 : i32
        %dma_start3A_60 = tpu.memref_slice %arg2[%mul3A_34, %dma_start3A_59] : memref<160000x40xf32, #tpu.memory_space<hbm>> -> memref<2048x40xf32, #tpu.memory_space<hbm>>
        tpu.enqueue_dma source(%dma_start3A_60 : memref<2048x40xf32, #tpu.memory_space<hbm>>) target(%dma_start3A_58 : memref<2048x40xf32, #tpu.memory_space<vmem>>) target_semaphore(%run_scoped3A_51 : memref<!tpu.dma_semaphore, #tpu.memory_space<semaphore_mem>>)
        %dma_wait3A = arith.constant 0 : i32
        %dma_wait3A_61 = arith.constant 0 : i32
        %dma_wait3A_62 = tpu.memref_slice %arg7[%dma_wait3A, %dma_wait3A_61] : memref<2048x40xf32, #tpu.memory_space<vmem>> -> memref<2048x40xf32, #tpu.memory_space<vmem>>
        %dma_wait3A_63 = arith.constant 0 : i32
        %dma_wait3A_64 = tpu.memref_slice %arg2[%mul3A_34, %dma_wait3A_63] : memref<160000x40xf32, #tpu.memory_space<hbm>> -> memref<2048x40xf32, #tpu.memory_space<hbm>>
        %dma_wait3A_65 = arith.constant 0 : i32
        %dma_wait3A_66 = arith.constant 0 : i32
        %dma_wait3A_67 = tpu.memref_slice %arg7[%dma_wait3A_65, %dma_wait3A_66] : memref<2048x40xf32, #tpu.memory_space<vmem>> -> memref<2048x40xf32, #tpu.memory_space<vmem>>
        %dma_wait3A_68 = arith.constant 0 : i32
        %dma_wait3A_69 = tpu.memref_slice %arg2[%mul3A_34, %dma_wait3A_68] : memref<160000x40xf32, #tpu.memory_space<hbm>> -> memref<2048x40xf32, #tpu.memory_space<hbm>>
        tpu.wait_dma2 semaphore(%run_scoped3A_51 : memref<!tpu.dma_semaphore, #tpu.memory_space<semaphore_mem>>) src(%dma_wait3A_69 : memref<2048x40xf32, #tpu.memory_space<hbm>>) dst(%dma_wait3A_67 : memref<2048x40xf32, #tpu.memory_space<vmem>>)
        tpu.yield
      }) : () -> ()
      %run_scoped3A_35 = arith.constant 0 : i32
      "tpu.region"() ({
        %run_scoped3A_51 = tpu.sem_alloc : memref<!tpu.dma_semaphore, #tpu.memory_space<semaphore_mem>>
        %dma_start3A = arith.constant 0 : i32
        %dma_start3A_52 = arith.constant 0 : i32
        %dma_start3A_53 = tpu.memref_slice %arg7[%dma_start3A, %dma_start3A_52] : memref<2048x40xf32, #tpu.memory_space<vmem>> -> memref<128x40xf32, #tpu.memory_space<vmem>>
        %dma_start3A_54 = arith.constant 0 : i32
        %dma_start3A_55 = tpu.memref_slice %arg6[%run_scoped3A_35, %dma_start3A_54] : memref<16x128xi32, #tpu.memory_space<vmem>> -> memref<1x128xi32, #tpu.memory_space<vmem>>
        %dma_start3A_56 = tpu.memref_squeeze %dma_start3A_55 : memref<1x128xi32, #tpu.memory_space<vmem>> -> memref<128xi32, #tpu.memory_space<vmem>>
        %dma_start3A_57 = arith.constant 0 : i32
        %dma_start3A_58 = arith.constant 0 : i32
        %dma_start3A_59 = tpu.memref_slice %arg8[%dma_start3A_57, %dma_start3A_58] : memref<10000x40xf32, #tpu.memory_space<vmem_shared>> -> memref<10000x40xf32, #tpu.memory_space<vmem_shared>>
        tpu.enqueue_indirect_dma source(%dma_start3A_53 : memref<128x40xf32, #tpu.memory_space<vmem>>) target(%dma_start3A_59 : memref<10000x40xf32, #tpu.memory_space<vmem_shared>>) offsets(%dma_start3A_56 : memref<128xi32, #tpu.memory_space<vmem>>) semaphore(%run_scoped3A_51 : memref<!tpu.dma_semaphore, #tpu.memory_space<semaphore_mem>>) {add = true}
        %dma_wait3A = arith.constant 0 : i32
        %dma_wait3A_60 = arith.constant 0 : i32
        %dma_wait3A_61 = tpu.memref_slice %arg7[%dma_wait3A, %dma_wait3A_60] : memref<2048x40xf32, #tpu.memory_space<vmem>> -> memref<128x40xf32, #tpu.memory_space<vmem>>
        %dma_wait3A_62 = arith.constant 0 : i32
        %dma_wait3A_63 = tpu.memref_slice %arg6[%run_scoped3A_35, %dma_wait3A_62] : memref<16x128xi32, #tpu.memory_space<vmem>> -> memref<1x128xi32, #tpu.memory_space<vmem>>
        %dma_wait3A_64 = tpu.memref_squeeze %dma_wait3A_63 : memref<1x128xi32, #tpu.memory_space<vmem>> -> memref<128xi32, #tpu.memory_space<vmem>>
        %dma_wait3A_65 = arith.constant 0 : i32
        %dma_wait3A_66 = arith.constant 0 : i32
        %dma_wait3A_67 = tpu.memref_slice %arg8[%dma_wait3A_65, %dma_wait3A_66] : memref<10000x40xf32, #tpu.memory_space<vmem_shared>> -> memref<10000x40xf32, #tpu.memory_space<vmem_shared>>
        tpu.wait_indirect_dma semaphore(%run_scoped3A_51 : memref<!tpu.dma_semaphore, #tpu.memory_space<semaphore_mem>>) src(%dma_wait3A_61 : memref<128x40xf32, #tpu.memory_space<vmem>>) dst(%dma_wait3A_67 : memref<10000x40xf32, #tpu.memory_space<vmem_shared>>)
        tpu.yield
      }) : () -> ()
      %run_scoped3A_36 = arith.constant 1 : i32
      "tpu.region"() ({
        %run_scoped3A_51 = tpu.sem_alloc : memref<!tpu.dma_semaphore, #tpu.memory_space<semaphore_mem>>
        %dma_start3A = arith.constant 128 : i32
        %dma_start3A_52 = arith.constant 0 : i32
        %dma_start3A_53 = tpu.memref_slice %arg7[%dma_start3A, %dma_start3A_52] : memref<2048x40xf32, #tpu.memory_space<vmem>> -> memref<128x40xf32, #tpu.memory_space<vmem>>
        %dma_start3A_54 = arith.constant 0 : i32
        %dma_start3A_55 = tpu.memref_slice %arg6[%run_scoped3A_36, %dma_start3A_54] : memref<16x128xi32, #tpu.memory_space<vmem>> -> memref<1x128xi32, #tpu.memory_space<vmem>>
        %dma_start3A_56 = tpu.memref_squeeze %dma_start3A_55 : memref<1x128xi32, #tpu.memory_space<vmem>> -> memref<128xi32, #tpu.memory_space<vmem>>
        %dma_start3A_57 = arith.constant 0 : i32
        %dma_start3A_58 = arith.constant 0 : i32
        %dma_start3A_59 = tpu.memref_slice %arg8[%dma_start3A_57, %dma_start3A_58] : memref<10000x40xf32, #tpu.memory_space<vmem_shared>> -> memref<10000x40xf32, #tpu.memory_space<vmem_shared>>
        tpu.enqueue_indirect_dma source(%dma_start3A_53 : memref<128x40xf32, #tpu.memory_space<vmem>>) target(%dma_start3A_59 : memref<10000x40xf32, #tpu.memory_space<vmem_shared>>) offsets(%dma_start3A_56 : memref<128xi32, #tpu.memory_space<vmem>>) semaphore(%run_scoped3A_51 : memref<!tpu.dma_semaphore, #tpu.memory_space<semaphore_mem>>) {add = true}
        %dma_wait3A = arith.constant 128 : i32
        %dma_wait3A_60 = arith.constant 0 : i32
        %dma_wait3A_61 = tpu.memref_slice %arg7[%dma_wait3A, %dma_wait3A_60] : memref<2048x40xf32, #tpu.memory_space<vmem>> -> memref<128x40xf32, #tpu.memory_space<vmem>>
        %dma_wait3A_62 = arith.constant 0 : i32
        %dma_wait3A_63 = tpu.memref_slice %arg6[%run_scoped3A_36, %dma_wait3A_62] : memref<16x128xi32, #tpu.memory_space<vmem>> -> memref<1x128xi32, #tpu.memory_space<vmem>>
        %dma_wait3A_64 = tpu.memref_squeeze %dma_wait3A_63 : memref<1x128xi32, #tpu.memory_space<vmem>> -> memref<128xi32, #tpu.memory_space<vmem>>
        %dma_wait3A_65 = arith.constant 0 : i32
        %dma_wait3A_66 = arith.constant 0 : i32
        %dma_wait3A_67 = tpu.memref_slice %arg8[%dma_wait3A_65, %dma_wait3A_66] : memref<10000x40xf32, #tpu.memory_space<vmem_shared>> -> memref<10000x40xf32, #tpu.memory_space<vmem_shared>>
        tpu.wait_indirect_dma semaphore(%run_scoped3A_51 : memref<!tpu.dma_semaphore, #tpu.memory_space<semaphore_mem>>) src(%dma_wait3A_61 : memref<128x40xf32, #tpu.memory_space<vmem>>) dst(%dma_wait3A_67 : memref<10000x40xf32, #tpu.memory_space<vmem_shared>>)
        tpu.yield
      }) : () -> ()
      %run_scoped3A_37 = arith.constant 2 : i32
      "tpu.region"() ({
        %run_scoped3A_51 = tpu.sem_alloc : memref<!tpu.dma_semaphore, #tpu.memory_space<semaphore_mem>>
        %dma_start3A = arith.constant 256 : i32
        %dma_start3A_52 = arith.constant 0 : i32
        %dma_start3A_53 = tpu.memref_slice %arg7[%dma_start3A, %dma_start3A_52] : memref<2048x40xf32, #tpu.memory_space<vmem>> -> memref<128x40xf32, #tpu.memory_space<vmem>>
        %dma_start3A_54 = arith.constant 0 : i32
        %dma_start3A_55 = tpu.memref_slice %arg6[%run_scoped3A_37, %dma_start3A_54] : memref<16x128xi32, #tpu.memory_space<vmem>> -> memref<1x128xi32, #tpu.memory_space<vmem>>
        %dma_start3A_56 = tpu.memref_squeeze %dma_start3A_55 : memref<1x128xi32, #tpu.memory_space<vmem>> -> memref<128xi32, #tpu.memory_space<vmem>>
        %dma_start3A_57 = arith.constant 0 : i32
        %dma_start3A_58 = arith.constant 0 : i32
        %dma_start3A_59 = tpu.memref_slice %arg8[%dma_start3A_57, %dma_start3A_58] : memref<10000x40xf32, #tpu.memory_space<vmem_shared>> -> memref<10000x40xf32, #tpu.memory_space<vmem_shared>>
        tpu.enqueue_indirect_dma source(%dma_start3A_53 : memref<128x40xf32, #tpu.memory_space<vmem>>) target(%dma_start3A_59 : memref<10000x40xf32, #tpu.memory_space<vmem_shared>>) offsets(%dma_start3A_56 : memref<128xi32, #tpu.memory_space<vmem>>) semaphore(%run_scoped3A_51 : memref<!tpu.dma_semaphore, #tpu.memory_space<semaphore_mem>>) {add = true}
        %dma_wait3A = arith.constant 256 : i32
        %dma_wait3A_60 = arith.constant 0 : i32
        %dma_wait3A_61 = tpu.memref_slice %arg7[%dma_wait3A, %dma_wait3A_60] : memref<2048x40xf32, #tpu.memory_space<vmem>> -> memref<128x40xf32, #tpu.memory_space<vmem>>
        %dma_wait3A_62 = arith.constant 0 : i32
        %dma_wait3A_63 = tpu.memref_slice %arg6[%run_scoped3A_37, %dma_wait3A_62] : memref<16x128xi32, #tpu.memory_space<vmem>> -> memref<1x128xi32, #tpu.memory_space<vmem>>
        %dma_wait3A_64 = tpu.memref_squeeze %dma_wait3A_63 : memref<1x128xi32, #tpu.memory_space<vmem>> -> memref<128xi32, #tpu.memory_space<vmem>>
        %dma_wait3A_65 = arith.constant 0 : i32
        %dma_wait3A_66 = arith.constant 0 : i32
        %dma_wait3A_67 = tpu.memref_slice %arg8[%dma_wait3A_65, %dma_wait3A_66] : memref<10000x40xf32, #tpu.memory_space<vmem_shared>> -> memref<10000x40xf32, #tpu.memory_space<vmem_shared>>
        tpu.wait_indirect_dma semaphore(%run_scoped3A_51 : memref<!tpu.dma_semaphore, #tpu.memory_space<semaphore_mem>>) src(%dma_wait3A_61 : memref<128x40xf32, #tpu.memory_space<vmem>>) dst(%dma_wait3A_67 : memref<10000x40xf32, #tpu.memory_space<vmem_shared>>)
        tpu.yield
      }) : () -> ()
      %run_scoped3A_38 = arith.constant 3 : i32
      "tpu.region"() ({
        %run_scoped3A_51 = tpu.sem_alloc : memref<!tpu.dma_semaphore, #tpu.memory_space<semaphore_mem>>
        %dma_start3A = arith.constant 384 : i32
        %dma_start3A_52 = arith.constant 0 : i32
        %dma_start3A_53 = tpu.memref_slice %arg7[%dma_start3A, %dma_start3A_52] : memref<2048x40xf32, #tpu.memory_space<vmem>> -> memref<128x40xf32, #tpu.memory_space<vmem>>
        %dma_start3A_54 = arith.constant 0 : i32
        %dma_start3A_55 = tpu.memref_slice %arg6[%run_scoped3A_38, %dma_start3A_54] : memref<16x128xi32, #tpu.memory_space<vmem>> -> memref<1x128xi32, #tpu.memory_space<vmem>>
        %dma_start3A_56 = tpu.memref_squeeze %dma_start3A_55 : memref<1x128xi32, #tpu.memory_space<vmem>> -> memref<128xi32, #tpu.memory_space<vmem>>
        %dma_start3A_57 = arith.constant 0 : i32
        %dma_start3A_58 = arith.constant 0 : i32
        %dma_start3A_59 = tpu.memref_slice %arg8[%dma_start3A_57, %dma_start3A_58] : memref<10000x40xf32, #tpu.memory_space<vmem_shared>> -> memref<10000x40xf32, #tpu.memory_space<vmem_shared>>
        tpu.enqueue_indirect_dma source(%dma_start3A_53 : memref<128x40xf32, #tpu.memory_space<vmem>>) target(%dma_start3A_59 : memref<10000x40xf32, #tpu.memory_space<vmem_shared>>) offsets(%dma_start3A_56 : memref<128xi32, #tpu.memory_space<vmem>>) semaphore(%run_scoped3A_51 : memref<!tpu.dma_semaphore, #tpu.memory_space<semaphore_mem>>) {add = true}
        %dma_wait3A = arith.constant 384 : i32
        %dma_wait3A_60 = arith.constant 0 : i32
        %dma_wait3A_61 = tpu.memref_slice %arg7[%dma_wait3A, %dma_wait3A_60] : memref<2048x40xf32, #tpu.memory_space<vmem>> -> memref<128x40xf32, #tpu.memory_space<vmem>>
        %dma_wait3A_62 = arith.constant 0 : i32
        %dma_wait3A_63 = tpu.memref_slice %arg6[%run_scoped3A_38, %dma_wait3A_62] : memref<16x128xi32, #tpu.memory_space<vmem>> -> memref<1x128xi32, #tpu.memory_space<vmem>>
        %dma_wait3A_64 = tpu.memref_squeeze %dma_wait3A_63 : memref<1x128xi32, #tpu.memory_space<vmem>> -> memref<128xi32, #tpu.memory_space<vmem>>
        %dma_wait3A_65 = arith.constant 0 : i32
        %dma_wait3A_66 = arith.constant 0 : i32
        %dma_wait3A_67 = tpu.memref_slice %arg8[%dma_wait3A_65, %dma_wait3A_66] : memref<10000x40xf32, #tpu.memory_space<vmem_shared>> -> memref<10000x40xf32, #tpu.memory_space<vmem_shared>>
        tpu.wait_indirect_dma semaphore(%run_scoped3A_51 : memref<!tpu.dma_semaphore, #tpu.memory_space<semaphore_mem>>) src(%dma_wait3A_61 : memref<128x40xf32, #tpu.memory_space<vmem>>) dst(%dma_wait3A_67 : memref<10000x40xf32, #tpu.memory_space<vmem_shared>>)
        tpu.yield
      }) : () -> ()
      %run_scoped3A_39 = arith.constant 4 : i32
      "tpu.region"() ({
        %run_scoped3A_51 = tpu.sem_alloc : memref<!tpu.dma_semaphore, #tpu.memory_space<semaphore_mem>>
        %dma_start3A = arith.constant 512 : i32
        %dma_start3A_52 = arith.constant 0 : i32
        %dma_start3A_53 = tpu.memref_slice %arg7[%dma_start3A, %dma_start3A_52] : memref<2048x40xf32, #tpu.memory_space<vmem>> -> memref<128x40xf32, #tpu.memory_space<vmem>>
        %dma_start3A_54 = arith.constant 0 : i32
        %dma_start3A_55 = tpu.memref_slice %arg6[%run_scoped3A_39, %dma_start3A_54] : memref<16x128xi32, #tpu.memory_space<vmem>> -> memref<1x128xi32, #tpu.memory_space<vmem>>
        %dma_start3A_56 = tpu.memref_squeeze %dma_start3A_55 : memref<1x128xi32, #tpu.memory_space<vmem>> -> memref<128xi32, #tpu.memory_space<vmem>>
        %dma_start3A_57 = arith.constant 0 : i32
        %dma_start3A_58 = arith.constant 0 : i32
        %dma_start3A_59 = tpu.memref_slice %arg8[%dma_start3A_57, %dma_start3A_58] : memref<10000x40xf32, #tpu.memory_space<vmem_shared>> -> memref<10000x40xf32, #tpu.memory_space<vmem_shared>>
        tpu.enqueue_indirect_dma source(%dma_start3A_53 : memref<128x40xf32, #tpu.memory_space<vmem>>) target(%dma_start3A_59 : memref<10000x40xf32, #tpu.memory_space<vmem_shared>>) offsets(%dma_start3A_56 : memref<128xi32, #tpu.memory_space<vmem>>) semaphore(%run_scoped3A_51 : memref<!tpu.dma_semaphore, #tpu.memory_space<semaphore_mem>>) {add = true}
        %dma_wait3A = arith.constant 512 : i32
        %dma_wait3A_60 = arith.constant 0 : i32
        %dma_wait3A_61 = tpu.memref_slice %arg7[%dma_wait3A, %dma_wait3A_60] : memref<2048x40xf32, #tpu.memory_space<vmem>> -> memref<128x40xf32, #tpu.memory_space<vmem>>
        %dma_wait3A_62 = arith.constant 0 : i32
        %dma_wait3A_63 = tpu.memref_slice %arg6[%run_scoped3A_39, %dma_wait3A_62] : memref<16x128xi32, #tpu.memory_space<vmem>> -> memref<1x128xi32, #tpu.memory_space<vmem>>
        %dma_wait3A_64 = tpu.memref_squeeze %dma_wait3A_63 : memref<1x128xi32, #tpu.memory_space<vmem>> -> memref<128xi32, #tpu.memory_space<vmem>>
        %dma_wait3A_65 = arith.constant 0 : i32
        %dma_wait3A_66 = arith.constant 0 : i32
        %dma_wait3A_67 = tpu.memref_slice %arg8[%dma_wait3A_65, %dma_wait3A_66] : memref<10000x40xf32, #tpu.memory_space<vmem_shared>> -> memref<10000x40xf32, #tpu.memory_space<vmem_shared>>
        tpu.wait_indirect_dma semaphore(%run_scoped3A_51 : memref<!tpu.dma_semaphore, #tpu.memory_space<semaphore_mem>>) src(%dma_wait3A_61 : memref<128x40xf32, #tpu.memory_space<vmem>>) dst(%dma_wait3A_67 : memref<10000x40xf32, #tpu.memory_space<vmem_shared>>)
        tpu.yield
      }) : () -> ()
      %run_scoped3A_40 = arith.constant 5 : i32
      "tpu.region"() ({
        %run_scoped3A_51 = tpu.sem_alloc : memref<!tpu.dma_semaphore, #tpu.memory_space<semaphore_mem>>
        %dma_start3A = arith.constant 640 : i32
        %dma_start3A_52 = arith.constant 0 : i32
        %dma_start3A_53 = tpu.memref_slice %arg7[%dma_start3A, %dma_start3A_52] : memref<2048x40xf32, #tpu.memory_space<vmem>> -> memref<128x40xf32, #tpu.memory_space<vmem>>
        %dma_start3A_54 = arith.constant 0 : i32
        %dma_start3A_55 = tpu.memref_slice %arg6[%run_scoped3A_40, %dma_start3A_54] : memref<16x128xi32, #tpu.memory_space<vmem>> -> memref<1x128xi32, #tpu.memory_space<vmem>>
        %dma_start3A_56 = tpu.memref_squeeze %dma_start3A_55 : memref<1x128xi32, #tpu.memory_space<vmem>> -> memref<128xi32, #tpu.memory_space<vmem>>
        %dma_start3A_57 = arith.constant 0 : i32
        %dma_start3A_58 = arith.constant 0 : i32
        %dma_start3A_59 = tpu.memref_slice %arg8[%dma_start3A_57, %dma_start3A_58] : memref<10000x40xf32, #tpu.memory_space<vmem_shared>> -> memref<10000x40xf32, #tpu.memory_space<vmem_shared>>
        tpu.enqueue_indirect_dma source(%dma_start3A_53 : memref<128x40xf32, #tpu.memory_space<vmem>>) target(%dma_start3A_59 : memref<10000x40xf32, #tpu.memory_space<vmem_shared>>) offsets(%dma_start3A_56 : memref<128xi32, #tpu.memory_space<vmem>>) semaphore(%run_scoped3A_51 : memref<!tpu.dma_semaphore, #tpu.memory_space<semaphore_mem>>) {add = true}
        %dma_wait3A = arith.constant 640 : i32
        %dma_wait3A_60 = arith.constant 0 : i32
        %dma_wait3A_61 = tpu.memref_slice %arg7[%dma_wait3A, %dma_wait3A_60] : memref<2048x40xf32, #tpu.memory_space<vmem>> -> memref<128x40xf32, #tpu.memory_space<vmem>>
        %dma_wait3A_62 = arith.constant 0 : i32
        %dma_wait3A_63 = tpu.memref_slice %arg6[%run_scoped3A_40, %dma_wait3A_62] : memref<16x128xi32, #tpu.memory_space<vmem>> -> memref<1x128xi32, #tpu.memory_space<vmem>>
        %dma_wait3A_64 = tpu.memref_squeeze %dma_wait3A_63 : memref<1x128xi32, #tpu.memory_space<vmem>> -> memref<128xi32, #tpu.memory_space<vmem>>
        %dma_wait3A_65 = arith.constant 0 : i32
        %dma_wait3A_66 = arith.constant 0 : i32
        %dma_wait3A_67 = tpu.memref_slice %arg8[%dma_wait3A_65, %dma_wait3A_66] : memref<10000x40xf32, #tpu.memory_space<vmem_shared>> -> memref<10000x40xf32, #tpu.memory_space<vmem_shared>>
        tpu.wait_indirect_dma semaphore(%run_scoped3A_51 : memref<!tpu.dma_semaphore, #tpu.memory_space<semaphore_mem>>) src(%dma_wait3A_61 : memref<128x40xf32, #tpu.memory_space<vmem>>) dst(%dma_wait3A_67 : memref<10000x40xf32, #tpu.memory_space<vmem_shared>>)
        tpu.yield
      }) : () -> ()
      %run_scoped3A_41 = arith.constant 6 : i32
      "tpu.region"() ({
        %run_scoped3A_51 = tpu.sem_alloc : memref<!tpu.dma_semaphore, #tpu.memory_space<semaphore_mem>>
        %dma_start3A = arith.constant 768 : i32
        %dma_start3A_52 = arith.constant 0 : i32
        %dma_start3A_53 = tpu.memref_slice %arg7[%dma_start3A, %dma_start3A_52] : memref<2048x40xf32, #tpu.memory_space<vmem>> -> memref<128x40xf32, #tpu.memory_space<vmem>>
        %dma_start3A_54 = arith.constant 0 : i32
        %dma_start3A_55 = tpu.memref_slice %arg6[%run_scoped3A_41, %dma_start3A_54] : memref<16x128xi32, #tpu.memory_space<vmem>> -> memref<1x128xi32, #tpu.memory_space<vmem>>
        %dma_start3A_56 = tpu.memref_squeeze %dma_start3A_55 : memref<1x128xi32, #tpu.memory_space<vmem>> -> memref<128xi32, #tpu.memory_space<vmem>>
        %dma_start3A_57 = arith.constant 0 : i32
        %dma_start3A_58 = arith.constant 0 : i32
        %dma_start3A_59 = tpu.memref_slice %arg8[%dma_start3A_57, %dma_start3A_58] : memref<10000x40xf32, #tpu.memory_space<vmem_shared>> -> memref<10000x40xf32, #tpu.memory_space<vmem_shared>>
        tpu.enqueue_indirect_dma source(%dma_start3A_53 : memref<128x40xf32, #tpu.memory_space<vmem>>) target(%dma_start3A_59 : memref<10000x40xf32, #tpu.memory_space<vmem_shared>>) offsets(%dma_start3A_56 : memref<128xi32, #tpu.memory_space<vmem>>) semaphore(%run_scoped3A_51 : memref<!tpu.dma_semaphore, #tpu.memory_space<semaphore_mem>>) {add = true}
        %dma_wait3A = arith.constant 768 : i32
        %dma_wait3A_60 = arith.constant 0 : i32
        %dma_wait3A_61 = tpu.memref_slice %arg7[%dma_wait3A, %dma_wait3A_60] : memref<2048x40xf32, #tpu.memory_space<vmem>> -> memref<128x40xf32, #tpu.memory_space<vmem>>
        %dma_wait3A_62 = arith.constant 0 : i32
        %dma_wait3A_63 = tpu.memref_slice %arg6[%run_scoped3A_41, %dma_wait3A_62] : memref<16x128xi32, #tpu.memory_space<vmem>> -> memref<1x128xi32, #tpu.memory_space<vmem>>
        %dma_wait3A_64 = tpu.memref_squeeze %dma_wait3A_63 : memref<1x128xi32, #tpu.memory_space<vmem>> -> memref<128xi32, #tpu.memory_space<vmem>>
        %dma_wait3A_65 = arith.constant 0 : i32
        %dma_wait3A_66 = arith.constant 0 : i32
        %dma_wait3A_67 = tpu.memref_slice %arg8[%dma_wait3A_65, %dma_wait3A_66] : memref<10000x40xf32, #tpu.memory_space<vmem_shared>> -> memref<10000x40xf32, #tpu.memory_space<vmem_shared>>
        tpu.wait_indirect_dma semaphore(%run_scoped3A_51 : memref<!tpu.dma_semaphore, #tpu.memory_space<semaphore_mem>>) src(%dma_wait3A_61 : memref<128x40xf32, #tpu.memory_space<vmem>>) dst(%dma_wait3A_67 : memref<10000x40xf32, #tpu.memory_space<vmem_shared>>)
        tpu.yield
      }) : () -> ()
      %run_scoped3A_42 = arith.constant 7 : i32
      "tpu.region"() ({
        %run_scoped3A_51 = tpu.sem_alloc : memref<!tpu.dma_semaphore, #tpu.memory_space<semaphore_mem>>
        %dma_start3A = arith.constant 896 : i32
        %dma_start3A_52 = arith.constant 0 : i32
        %dma_start3A_53 = tpu.memref_slice %arg7[%dma_start3A, %dma_start3A_52] : memref<2048x40xf32, #tpu.memory_space<vmem>> -> memref<128x40xf32, #tpu.memory_space<vmem>>
        %dma_start3A_54 = arith.constant 0 : i32
        %dma_start3A_55 = tpu.memref_slice %arg6[%run_scoped3A_42, %dma_start3A_54] : memref<16x128xi32, #tpu.memory_space<vmem>> -> memref<1x128xi32, #tpu.memory_space<vmem>>
        %dma_start3A_56 = tpu.memref_squeeze %dma_start3A_55 : memref<1x128xi32, #tpu.memory_space<vmem>> -> memref<128xi32, #tpu.memory_space<vmem>>
        %dma_start3A_57 = arith.constant 0 : i32
        %dma_start3A_58 = arith.constant 0 : i32
        %dma_start3A_59 = tpu.memref_slice %arg8[%dma_start3A_57, %dma_start3A_58] : memref<10000x40xf32, #tpu.memory_space<vmem_shared>> -> memref<10000x40xf32, #tpu.memory_space<vmem_shared>>
        tpu.enqueue_indirect_dma source(%dma_start3A_53 : memref<128x40xf32, #tpu.memory_space<vmem>>) target(%dma_start3A_59 : memref<10000x40xf32, #tpu.memory_space<vmem_shared>>) offsets(%dma_start3A_56 : memref<128xi32, #tpu.memory_space<vmem>>) semaphore(%run_scoped3A_51 : memref<!tpu.dma_semaphore, #tpu.memory_space<semaphore_mem>>) {add = true}
        %dma_wait3A = arith.constant 896 : i32
        %dma_wait3A_60 = arith.constant 0 : i32
        %dma_wait3A_61 = tpu.memref_slice %arg7[%dma_wait3A, %dma_wait3A_60] : memref<2048x40xf32, #tpu.memory_space<vmem>> -> memref<128x40xf32, #tpu.memory_space<vmem>>
        %dma_wait3A_62 = arith.constant 0 : i32
        %dma_wait3A_63 = tpu.memref_slice %arg6[%run_scoped3A_42, %dma_wait3A_62] : memref<16x128xi32, #tpu.memory_space<vmem>> -> memref<1x128xi32, #tpu.memory_space<vmem>>
        %dma_wait3A_64 = tpu.memref_squeeze %dma_wait3A_63 : memref<1x128xi32, #tpu.memory_space<vmem>> -> memref<128xi32, #tpu.memory_space<vmem>>
        %dma_wait3A_65 = arith.constant 0 : i32
        %dma_wait3A_66 = arith.constant 0 : i32
        %dma_wait3A_67 = tpu.memref_slice %arg8[%dma_wait3A_65, %dma_wait3A_66] : memref<10000x40xf32, #tpu.memory_space<vmem_shared>> -> memref<10000x40xf32, #tpu.memory_space<vmem_shared>>
        tpu.wait_indirect_dma semaphore(%run_scoped3A_51 : memref<!tpu.dma_semaphore, #tpu.memory_space<semaphore_mem>>) src(%dma_wait3A_61 : memref<128x40xf32, #tpu.memory_space<vmem>>) dst(%dma_wait3A_67 : memref<10000x40xf32, #tpu.memory_space<vmem_shared>>)
        tpu.yield
      }) : () -> ()
      %run_scoped3A_43 = arith.constant 8 : i32
      "tpu.region"() ({
        %run_scoped3A_51 = tpu.sem_alloc : memref<!tpu.dma_semaphore, #tpu.memory_space<semaphore_mem>>
        %dma_start3A = arith.constant 1024 : i32
        %dma_start3A_52 = arith.constant 0 : i32
        %dma_start3A_53 = tpu.memref_slice %arg7[%dma_start3A, %dma_start3A_52] : memref<2048x40xf32, #tpu.memory_space<vmem>> -> memref<128x40xf32, #tpu.memory_space<vmem>>
        %dma_start3A_54 = arith.constant 0 : i32
        %dma_start3A_55 = tpu.memref_slice %arg6[%run_scoped3A_43, %dma_start3A_54] : memref<16x128xi32, #tpu.memory_space<vmem>> -> memref<1x128xi32, #tpu.memory_space<vmem>>
        %dma_start3A_56 = tpu.memref_squeeze %dma_start3A_55 : memref<1x128xi32, #tpu.memory_space<vmem>> -> memref<128xi32, #tpu.memory_space<vmem>>
        %dma_start3A_57 = arith.constant 0 : i32
        %dma_start3A_58 = arith.constant 0 : i32
        %dma_start3A_59 = tpu.memref_slice %arg8[%dma_start3A_57, %dma_start3A_58] : memref<10000x40xf32, #tpu.memory_space<vmem_shared>> -> memref<10000x40xf32, #tpu.memory_space<vmem_shared>>
        tpu.enqueue_indirect_dma source(%dma_start3A_53 : memref<128x40xf32, #tpu.memory_space<vmem>>) target(%dma_start3A_59 : memref<10000x40xf32, #tpu.memory_space<vmem_shared>>) offsets(%dma_start3A_56 : memref<128xi32, #tpu.memory_space<vmem>>) semaphore(%run_scoped3A_51 : memref<!tpu.dma_semaphore, #tpu.memory_space<semaphore_mem>>) {add = true}
        %dma_wait3A = arith.constant 1024 : i32
        %dma_wait3A_60 = arith.constant 0 : i32
        %dma_wait3A_61 = tpu.memref_slice %arg7[%dma_wait3A, %dma_wait3A_60] : memref<2048x40xf32, #tpu.memory_space<vmem>> -> memref<128x40xf32, #tpu.memory_space<vmem>>
        %dma_wait3A_62 = arith.constant 0 : i32
        %dma_wait3A_63 = tpu.memref_slice %arg6[%run_scoped3A_43, %dma_wait3A_62] : memref<16x128xi32, #tpu.memory_space<vmem>> -> memref<1x128xi32, #tpu.memory_space<vmem>>
        %dma_wait3A_64 = tpu.memref_squeeze %dma_wait3A_63 : memref<1x128xi32, #tpu.memory_space<vmem>> -> memref<128xi32, #tpu.memory_space<vmem>>
        %dma_wait3A_65 = arith.constant 0 : i32
        %dma_wait3A_66 = arith.constant 0 : i32
        %dma_wait3A_67 = tpu.memref_slice %arg8[%dma_wait3A_65, %dma_wait3A_66] : memref<10000x40xf32, #tpu.memory_space<vmem_shared>> -> memref<10000x40xf32, #tpu.memory_space<vmem_shared>>
        tpu.wait_indirect_dma semaphore(%run_scoped3A_51 : memref<!tpu.dma_semaphore, #tpu.memory_space<semaphore_mem>>) src(%dma_wait3A_61 : memref<128x40xf32, #tpu.memory_space<vmem>>) dst(%dma_wait3A_67 : memref<10000x40xf32, #tpu.memory_space<vmem_shared>>)
        tpu.yield
      }) : () -> ()
      %run_scoped3A_44 = arith.constant 9 : i32
      "tpu.region"() ({
        %run_scoped3A_51 = tpu.sem_alloc : memref<!tpu.dma_semaphore, #tpu.memory_space<semaphore_mem>>
        %dma_start3A = arith.constant 1152 : i32
        %dma_start3A_52 = arith.constant 0 : i32
        %dma_start3A_53 = tpu.memref_slice %arg7[%dma_start3A, %dma_start3A_52] : memref<2048x40xf32, #tpu.memory_space<vmem>> -> memref<128x40xf32, #tpu.memory_space<vmem>>
        %dma_start3A_54 = arith.constant 0 : i32
        %dma_start3A_55 = tpu.memref_slice %arg6[%run_scoped3A_44, %dma_start3A_54] : memref<16x128xi32, #tpu.memory_space<vmem>> -> memref<1x128xi32, #tpu.memory_space<vmem>>
        %dma_start3A_56 = tpu.memref_squeeze %dma_start3A_55 : memref<1x128xi32, #tpu.memory_space<vmem>> -> memref<128xi32, #tpu.memory_space<vmem>>
        %dma_start3A_57 = arith.constant 0 : i32
        %dma_start3A_58 = arith.constant 0 : i32
        %dma_start3A_59 = tpu.memref_slice %arg8[%dma_start3A_57, %dma_start3A_58] : memref<10000x40xf32, #tpu.memory_space<vmem_shared>> -> memref<10000x40xf32, #tpu.memory_space<vmem_shared>>
        tpu.enqueue_indirect_dma source(%dma_start3A_53 : memref<128x40xf32, #tpu.memory_space<vmem>>) target(%dma_start3A_59 : memref<10000x40xf32, #tpu.memory_space<vmem_shared>>) offsets(%dma_start3A_56 : memref<128xi32, #tpu.memory_space<vmem>>) semaphore(%run_scoped3A_51 : memref<!tpu.dma_semaphore, #tpu.memory_space<semaphore_mem>>) {add = true}
        %dma_wait3A = arith.constant 1152 : i32
        %dma_wait3A_60 = arith.constant 0 : i32
        %dma_wait3A_61 = tpu.memref_slice %arg7[%dma_wait3A, %dma_wait3A_60] : memref<2048x40xf32, #tpu.memory_space<vmem>> -> memref<128x40xf32, #tpu.memory_space<vmem>>
        %dma_wait3A_62 = arith.constant 0 : i32
        %dma_wait3A_63 = tpu.memref_slice %arg6[%run_scoped3A_44, %dma_wait3A_62] : memref<16x128xi32, #tpu.memory_space<vmem>> -> memref<1x128xi32, #tpu.memory_space<vmem>>
        %dma_wait3A_64 = tpu.memref_squeeze %dma_wait3A_63 : memref<1x128xi32, #tpu.memory_space<vmem>> -> memref<128xi32, #tpu.memory_space<vmem>>
        %dma_wait3A_65 = arith.constant 0 : i32
        %dma_wait3A_66 = arith.constant 0 : i32
        %dma_wait3A_67 = tpu.memref_slice %arg8[%dma_wait3A_65, %dma_wait3A_66] : memref<10000x40xf32, #tpu.memory_space<vmem_shared>> -> memref<10000x40xf32, #tpu.memory_space<vmem_shared>>
        tpu.wait_indirect_dma semaphore(%run_scoped3A_51 : memref<!tpu.dma_semaphore, #tpu.memory_space<semaphore_mem>>) src(%dma_wait3A_61 : memref<128x40xf32, #tpu.memory_space<vmem>>) dst(%dma_wait3A_67 : memref<10000x40xf32, #tpu.memory_space<vmem_shared>>)
        tpu.yield
      }) : () -> ()
      %run_scoped3A_45 = arith.constant 10 : i32
      "tpu.region"() ({
        %run_scoped3A_51 = tpu.sem_alloc : memref<!tpu.dma_semaphore, #tpu.memory_space<semaphore_mem>>
        %dma_start3A = arith.constant 1280 : i32
        %dma_start3A_52 = arith.constant 0 : i32
        %dma_start3A_53 = tpu.memref_slice %arg7[%dma_start3A, %dma_start3A_52] : memref<2048x40xf32, #tpu.memory_space<vmem>> -> memref<128x40xf32, #tpu.memory_space<vmem>>
        %dma_start3A_54 = arith.constant 0 : i32
        %dma_start3A_55 = tpu.memref_slice %arg6[%run_scoped3A_45, %dma_start3A_54] : memref<16x128xi32, #tpu.memory_space<vmem>> -> memref<1x128xi32, #tpu.memory_space<vmem>>
        %dma_start3A_56 = tpu.memref_squeeze %dma_start3A_55 : memref<1x128xi32, #tpu.memory_space<vmem>> -> memref<128xi32, #tpu.memory_space<vmem>>
        %dma_start3A_57 = arith.constant 0 : i32
        %dma_start3A_58 = arith.constant 0 : i32
        %dma_start3A_59 = tpu.memref_slice %arg8[%dma_start3A_57, %dma_start3A_58] : memref<10000x40xf32, #tpu.memory_space<vmem_shared>> -> memref<10000x40xf32, #tpu.memory_space<vmem_shared>>
        tpu.enqueue_indirect_dma source(%dma_start3A_53 : memref<128x40xf32, #tpu.memory_space<vmem>>) target(%dma_start3A_59 : memref<10000x40xf32, #tpu.memory_space<vmem_shared>>) offsets(%dma_start3A_56 : memref<128xi32, #tpu.memory_space<vmem>>) semaphore(%run_scoped3A_51 : memref<!tpu.dma_semaphore, #tpu.memory_space<semaphore_mem>>) {add = true}
        %dma_wait3A = arith.constant 1280 : i32
        %dma_wait3A_60 = arith.constant 0 : i32
        %dma_wait3A_61 = tpu.memref_slice %arg7[%dma_wait3A, %dma_wait3A_60] : memref<2048x40xf32, #tpu.memory_space<vmem>> -> memref<128x40xf32, #tpu.memory_space<vmem>>
        %dma_wait3A_62 = arith.constant 0 : i32
        %dma_wait3A_63 = tpu.memref_slice %arg6[%run_scoped3A_45, %dma_wait3A_62] : memref<16x128xi32, #tpu.memory_space<vmem>> -> memref<1x128xi32, #tpu.memory_space<vmem>>
        %dma_wait3A_64 = tpu.memref_squeeze %dma_wait3A_63 : memref<1x128xi32, #tpu.memory_space<vmem>> -> memref<128xi32, #tpu.memory_space<vmem>>
        %dma_wait3A_65 = arith.constant 0 : i32
        %dma_wait3A_66 = arith.constant 0 : i32
        %dma_wait3A_67 = tpu.memref_slice %arg8[%dma_wait3A_65, %dma_wait3A_66] : memref<10000x40xf32, #tpu.memory_space<vmem_shared>> -> memref<10000x40xf32, #tpu.memory_space<vmem_shared>>
        tpu.wait_indirect_dma semaphore(%run_scoped3A_51 : memref<!tpu.dma_semaphore, #tpu.memory_space<semaphore_mem>>) src(%dma_wait3A_61 : memref<128x40xf32, #tpu.memory_space<vmem>>) dst(%dma_wait3A_67 : memref<10000x40xf32, #tpu.memory_space<vmem_shared>>)
        tpu.yield
      }) : () -> ()
      %run_scoped3A_46 = arith.constant 11 : i32
      "tpu.region"() ({
        %run_scoped3A_51 = tpu.sem_alloc : memref<!tpu.dma_semaphore, #tpu.memory_space<semaphore_mem>>
        %dma_start3A = arith.constant 1408 : i32
        %dma_start3A_52 = arith.constant 0 : i32
        %dma_start3A_53 = tpu.memref_slice %arg7[%dma_start3A, %dma_start3A_52] : memref<2048x40xf32, #tpu.memory_space<vmem>> -> memref<128x40xf32, #tpu.memory_space<vmem>>
        %dma_start3A_54 = arith.constant 0 : i32
        %dma_start3A_55 = tpu.memref_slice %arg6[%run_scoped3A_46, %dma_start3A_54] : memref<16x128xi32, #tpu.memory_space<vmem>> -> memref<1x128xi32, #tpu.memory_space<vmem>>
        %dma_start3A_56 = tpu.memref_squeeze %dma_start3A_55 : memref<1x128xi32, #tpu.memory_space<vmem>> -> memref<128xi32, #tpu.memory_space<vmem>>
        %dma_start3A_57 = arith.constant 0 : i32
        %dma_start3A_58 = arith.constant 0 : i32
        %dma_start3A_59 = tpu.memref_slice %arg8[%dma_start3A_57, %dma_start3A_58] : memref<10000x40xf32, #tpu.memory_space<vmem_shared>> -> memref<10000x40xf32, #tpu.memory_space<vmem_shared>>
        tpu.enqueue_indirect_dma source(%dma_start3A_53 : memref<128x40xf32, #tpu.memory_space<vmem>>) target(%dma_start3A_59 : memref<10000x40xf32, #tpu.memory_space<vmem_shared>>) offsets(%dma_start3A_56 : memref<128xi32, #tpu.memory_space<vmem>>) semaphore(%run_scoped3A_51 : memref<!tpu.dma_semaphore, #tpu.memory_space<semaphore_mem>>) {add = true}
        %dma_wait3A = arith.constant 1408 : i32
        %dma_wait3A_60 = arith.constant 0 : i32
        %dma_wait3A_61 = tpu.memref_slice %arg7[%dma_wait3A, %dma_wait3A_60] : memref<2048x40xf32, #tpu.memory_space<vmem>> -> memref<128x40xf32, #tpu.memory_space<vmem>>
        %dma_wait3A_62 = arith.constant 0 : i32
        %dma_wait3A_63 = tpu.memref_slice %arg6[%run_scoped3A_46, %dma_wait3A_62] : memref<16x128xi32, #tpu.memory_space<vmem>> -> memref<1x128xi32, #tpu.memory_space<vmem>>
        %dma_wait3A_64 = tpu.memref_squeeze %dma_wait3A_63 : memref<1x128xi32, #tpu.memory_space<vmem>> -> memref<128xi32, #tpu.memory_space<vmem>>
        %dma_wait3A_65 = arith.constant 0 : i32
        %dma_wait3A_66 = arith.constant 0 : i32
        %dma_wait3A_67 = tpu.memref_slice %arg8[%dma_wait3A_65, %dma_wait3A_66] : memref<10000x40xf32, #tpu.memory_space<vmem_shared>> -> memref<10000x40xf32, #tpu.memory_space<vmem_shared>>
        tpu.wait_indirect_dma semaphore(%run_scoped3A_51 : memref<!tpu.dma_semaphore, #tpu.memory_space<semaphore_mem>>) src(%dma_wait3A_61 : memref<128x40xf32, #tpu.memory_space<vmem>>) dst(%dma_wait3A_67 : memref<10000x40xf32, #tpu.memory_space<vmem_shared>>)
        tpu.yield
      }) : () -> ()
      %run_scoped3A_47 = arith.constant 12 : i32
      "tpu.region"() ({
        %run_scoped3A_51 = tpu.sem_alloc : memref<!tpu.dma_semaphore, #tpu.memory_space<semaphore_mem>>
        %dma_start3A = arith.constant 1536 : i32
        %dma_start3A_52 = arith.constant 0 : i32
        %dma_start3A_53 = tpu.memref_slice %arg7[%dma_start3A, %dma_start3A_52] : memref<2048x40xf32, #tpu.memory_space<vmem>> -> memref<128x40xf32, #tpu.memory_space<vmem>>
        %dma_start3A_54 = arith.constant 0 : i32
        %dma_start3A_55 = tpu.memref_slice %arg6[%run_scoped3A_47, %dma_start3A_54] : memref<16x128xi32, #tpu.memory_space<vmem>> -> memref<1x128xi32, #tpu.memory_space<vmem>>
        %dma_start3A_56 = tpu.memref_squeeze %dma_start3A_55 : memref<1x128xi32, #tpu.memory_space<vmem>> -> memref<128xi32, #tpu.memory_space<vmem>>
        %dma_start3A_57 = arith.constant 0 : i32
        %dma_start3A_58 = arith.constant 0 : i32
        %dma_start3A_59 = tpu.memref_slice %arg8[%dma_start3A_57, %dma_start3A_58] : memref<10000x40xf32, #tpu.memory_space<vmem_shared>> -> memref<10000x40xf32, #tpu.memory_space<vmem_shared>>
        tpu.enqueue_indirect_dma source(%dma_start3A_53 : memref<128x40xf32, #tpu.memory_space<vmem>>) target(%dma_start3A_59 : memref<10000x40xf32, #tpu.memory_space<vmem_shared>>) offsets(%dma_start3A_56 : memref<128xi32, #tpu.memory_space<vmem>>) semaphore(%run_scoped3A_51 : memref<!tpu.dma_semaphore, #tpu.memory_space<semaphore_mem>>) {add = true}
        %dma_wait3A = arith.constant 1536 : i32
        %dma_wait3A_60 = arith.constant 0 : i32
        %dma_wait3A_61 = tpu.memref_slice %arg7[%dma_wait3A, %dma_wait3A_60] : memref<2048x40xf32, #tpu.memory_space<vmem>> -> memref<128x40xf32, #tpu.memory_space<vmem>>
        %dma_wait3A_62 = arith.constant 0 : i32
        %dma_wait3A_63 = tpu.memref_slice %arg6[%run_scoped3A_47, %dma_wait3A_62] : memref<16x128xi32, #tpu.memory_space<vmem>> -> memref<1x128xi32, #tpu.memory_space<vmem>>
        %dma_wait3A_64 = tpu.memref_squeeze %dma_wait3A_63 : memref<1x128xi32, #tpu.memory_space<vmem>> -> memref<128xi32, #tpu.memory_space<vmem>>
        %dma_wait3A_65 = arith.constant 0 : i32
        %dma_wait3A_66 = arith.constant 0 : i32
        %dma_wait3A_67 = tpu.memref_slice %arg8[%dma_wait3A_65, %dma_wait3A_66] : memref<10000x40xf32, #tpu.memory_space<vmem_shared>> -> memref<10000x40xf32, #tpu.memory_space<vmem_shared>>
        tpu.wait_indirect_dma semaphore(%run_scoped3A_51 : memref<!tpu.dma_semaphore, #tpu.memory_space<semaphore_mem>>) src(%dma_wait3A_61 : memref<128x40xf32, #tpu.memory_space<vmem>>) dst(%dma_wait3A_67 : memref<10000x40xf32, #tpu.memory_space<vmem_shared>>)
        tpu.yield
      }) : () -> ()
      %run_scoped3A_48 = arith.constant 13 : i32
      "tpu.region"() ({
        %run_scoped3A_51 = tpu.sem_alloc : memref<!tpu.dma_semaphore, #tpu.memory_space<semaphore_mem>>
        %dma_start3A = arith.constant 1664 : i32
        %dma_start3A_52 = arith.constant 0 : i32
        %dma_start3A_53 = tpu.memref_slice %arg7[%dma_start3A, %dma_start3A_52] : memref<2048x40xf32, #tpu.memory_space<vmem>> -> memref<128x40xf32, #tpu.memory_space<vmem>>
        %dma_start3A_54 = arith.constant 0 : i32
        %dma_start3A_55 = tpu.memref_slice %arg6[%run_scoped3A_48, %dma_start3A_54] : memref<16x128xi32, #tpu.memory_space<vmem>> -> memref<1x128xi32, #tpu.memory_space<vmem>>
        %dma_start3A_56 = tpu.memref_squeeze %dma_start3A_55 : memref<1x128xi32, #tpu.memory_space<vmem>> -> memref<128xi32, #tpu.memory_space<vmem>>
        %dma_start3A_57 = arith.constant 0 : i32
        %dma_start3A_58 = arith.constant 0 : i32
        %dma_start3A_59 = tpu.memref_slice %arg8[%dma_start3A_57, %dma_start3A_58] : memref<10000x40xf32, #tpu.memory_space<vmem_shared>> -> memref<10000x40xf32, #tpu.memory_space<vmem_shared>>
        tpu.enqueue_indirect_dma source(%dma_start3A_53 : memref<128x40xf32, #tpu.memory_space<vmem>>) target(%dma_start3A_59 : memref<10000x40xf32, #tpu.memory_space<vmem_shared>>) offsets(%dma_start3A_56 : memref<128xi32, #tpu.memory_space<vmem>>) semaphore(%run_scoped3A_51 : memref<!tpu.dma_semaphore, #tpu.memory_space<semaphore_mem>>) {add = true}
        %dma_wait3A = arith.constant 1664 : i32
        %dma_wait3A_60 = arith.constant 0 : i32
        %dma_wait3A_61 = tpu.memref_slice %arg7[%dma_wait3A, %dma_wait3A_60] : memref<2048x40xf32, #tpu.memory_space<vmem>> -> memref<128x40xf32, #tpu.memory_space<vmem>>
        %dma_wait3A_62 = arith.constant 0 : i32
        %dma_wait3A_63 = tpu.memref_slice %arg6[%run_scoped3A_48, %dma_wait3A_62] : memref<16x128xi32, #tpu.memory_space<vmem>> -> memref<1x128xi32, #tpu.memory_space<vmem>>
        %dma_wait3A_64 = tpu.memref_squeeze %dma_wait3A_63 : memref<1x128xi32, #tpu.memory_space<vmem>> -> memref<128xi32, #tpu.memory_space<vmem>>
        %dma_wait3A_65 = arith.constant 0 : i32
        %dma_wait3A_66 = arith.constant 0 : i32
        %dma_wait3A_67 = tpu.memref_slice %arg8[%dma_wait3A_65, %dma_wait3A_66] : memref<10000x40xf32, #tpu.memory_space<vmem_shared>> -> memref<10000x40xf32, #tpu.memory_space<vmem_shared>>
        tpu.wait_indirect_dma semaphore(%run_scoped3A_51 : memref<!tpu.dma_semaphore, #tpu.memory_space<semaphore_mem>>) src(%dma_wait3A_61 : memref<128x40xf32, #tpu.memory_space<vmem>>) dst(%dma_wait3A_67 : memref<10000x40xf32, #tpu.memory_space<vmem_shared>>)
        tpu.yield
      }) : () -> ()
      %run_scoped3A_49 = arith.constant 14 : i32
      "tpu.region"() ({
        %run_scoped3A_51 = tpu.sem_alloc : memref<!tpu.dma_semaphore, #tpu.memory_space<semaphore_mem>>
        %dma_start3A = arith.constant 1792 : i32
        %dma_start3A_52 = arith.constant 0 : i32
        %dma_start3A_53 = tpu.memref_slice %arg7[%dma_start3A, %dma_start3A_52] : memref<2048x40xf32, #tpu.memory_space<vmem>> -> memref<128x40xf32, #tpu.memory_space<vmem>>
        %dma_start3A_54 = arith.constant 0 : i32
        %dma_start3A_55 = tpu.memref_slice %arg6[%run_scoped3A_49, %dma_start3A_54] : memref<16x128xi32, #tpu.memory_space<vmem>> -> memref<1x128xi32, #tpu.memory_space<vmem>>
        %dma_start3A_56 = tpu.memref_squeeze %dma_start3A_55 : memref<1x128xi32, #tpu.memory_space<vmem>> -> memref<128xi32, #tpu.memory_space<vmem>>
        %dma_start3A_57 = arith.constant 0 : i32
        %dma_start3A_58 = arith.constant 0 : i32
        %dma_start3A_59 = tpu.memref_slice %arg8[%dma_start3A_57, %dma_start3A_58] : memref<10000x40xf32, #tpu.memory_space<vmem_shared>> -> memref<10000x40xf32, #tpu.memory_space<vmem_shared>>
        tpu.enqueue_indirect_dma source(%dma_start3A_53 : memref<128x40xf32, #tpu.memory_space<vmem>>) target(%dma_start3A_59 : memref<10000x40xf32, #tpu.memory_space<vmem_shared>>) offsets(%dma_start3A_56 : memref<128xi32, #tpu.memory_space<vmem>>) semaphore(%run_scoped3A_51 : memref<!tpu.dma_semaphore, #tpu.memory_space<semaphore_mem>>) {add = true}
        %dma_wait3A = arith.constant 1792 : i32
        %dma_wait3A_60 = arith.constant 0 : i32
        %dma_wait3A_61 = tpu.memref_slice %arg7[%dma_wait3A, %dma_wait3A_60] : memref<2048x40xf32, #tpu.memory_space<vmem>> -> memref<128x40xf32, #tpu.memory_space<vmem>>
        %dma_wait3A_62 = arith.constant 0 : i32
        %dma_wait3A_63 = tpu.memref_slice %arg6[%run_scoped3A_49, %dma_wait3A_62] : memref<16x128xi32, #tpu.memory_space<vmem>> -> memref<1x128xi32, #tpu.memory_space<vmem>>
        %dma_wait3A_64 = tpu.memref_squeeze %dma_wait3A_63 : memref<1x128xi32, #tpu.memory_space<vmem>> -> memref<128xi32, #tpu.memory_space<vmem>>
        %dma_wait3A_65 = arith.constant 0 : i32
        %dma_wait3A_66 = arith.constant 0 : i32
        %dma_wait3A_67 = tpu.memref_slice %arg8[%dma_wait3A_65, %dma_wait3A_66] : memref<10000x40xf32, #tpu.memory_space<vmem_shared>> -> memref<10000x40xf32, #tpu.memory_space<vmem_shared>>
        tpu.wait_indirect_dma semaphore(%run_scoped3A_51 : memref<!tpu.dma_semaphore, #tpu.memory_space<semaphore_mem>>) src(%dma_wait3A_61 : memref<128x40xf32, #tpu.memory_space<vmem>>) dst(%dma_wait3A_67 : memref<10000x40xf32, #tpu.memory_space<vmem_shared>>)
        tpu.yield
      }) : () -> ()
      %run_scoped3A_50 = arith.constant 15 : i32
      "tpu.region"() ({
        %run_scoped3A_51 = tpu.sem_alloc : memref<!tpu.dma_semaphore, #tpu.memory_space<semaphore_mem>>
        %dma_start3A = arith.constant 1920 : i32
        %dma_start3A_52 = arith.constant 0 : i32
        %dma_start3A_53 = tpu.memref_slice %arg7[%dma_start3A, %dma_start3A_52] : memref<2048x40xf32, #tpu.memory_space<vmem>> -> memref<128x40xf32, #tpu.memory_space<vmem>>
        %dma_start3A_54 = arith.constant 0 : i32
        %dma_start3A_55 = tpu.memref_slice %arg6[%run_scoped3A_50, %dma_start3A_54] : memref<16x128xi32, #tpu.memory_space<vmem>> -> memref<1x128xi32, #tpu.memory_space<vmem>>
        %dma_start3A_56 = tpu.memref_squeeze %dma_start3A_55 : memref<1x128xi32, #tpu.memory_space<vmem>> -> memref<128xi32, #tpu.memory_space<vmem>>
        %dma_start3A_57 = arith.constant 0 : i32
        %dma_start3A_58 = arith.constant 0 : i32
        %dma_start3A_59 = tpu.memref_slice %arg8[%dma_start3A_57, %dma_start3A_58] : memref<10000x40xf32, #tpu.memory_space<vmem_shared>> -> memref<10000x40xf32, #tpu.memory_space<vmem_shared>>
        tpu.enqueue_indirect_dma source(%dma_start3A_53 : memref<128x40xf32, #tpu.memory_space<vmem>>) target(%dma_start3A_59 : memref<10000x40xf32, #tpu.memory_space<vmem_shared>>) offsets(%dma_start3A_56 : memref<128xi32, #tpu.memory_space<vmem>>) semaphore(%run_scoped3A_51 : memref<!tpu.dma_semaphore, #tpu.memory_space<semaphore_mem>>) {add = true}
        %dma_wait3A = arith.constant 1920 : i32
        %dma_wait3A_60 = arith.constant 0 : i32
        %dma_wait3A_61 = tpu.memref_slice %arg7[%dma_wait3A, %dma_wait3A_60] : memref<2048x40xf32, #tpu.memory_space<vmem>> -> memref<128x40xf32, #tpu.memory_space<vmem>>
        %dma_wait3A_62 = arith.constant 0 : i32
        %dma_wait3A_63 = tpu.memref_slice %arg6[%run_scoped3A_50, %dma_wait3A_62] : memref<16x128xi32, #tpu.memory_space<vmem>> -> memref<1x128xi32, #tpu.memory_space<vmem>>
        %dma_wait3A_64 = tpu.memref_squeeze %dma_wait3A_63 : memref<1x128xi32, #tpu.memory_space<vmem>> -> memref<128xi32, #tpu.memory_space<vmem>>
        %dma_wait3A_65 = arith.constant 0 : i32
        %dma_wait3A_66 = arith.constant 0 : i32
        %dma_wait3A_67 = tpu.memref_slice %arg8[%dma_wait3A_65, %dma_wait3A_66] : memref<10000x40xf32, #tpu.memory_space<vmem_shared>> -> memref<10000x40xf32, #tpu.memory_space<vmem_shared>>
        tpu.wait_indirect_dma semaphore(%run_scoped3A_51 : memref<!tpu.dma_semaphore, #tpu.memory_space<semaphore_mem>>) src(%dma_wait3A_61 : memref<128x40xf32, #tpu.memory_space<vmem>>) dst(%dma_wait3A_67 : memref<10000x40xf32, #tpu.memory_space<vmem_shared>>)
        tpu.yield
      }) : () -> ()
    }
    %scan3A_11 = arith.constant 2 : i32
    %add3A_12 = arith.constant 32 : i32
    %add3A_13 = arith.addi %mul3A_2, %add3A_12 : i32
    "tpu.region"() ({
      %run_scoped3A_29 = tpu.sem_alloc : memref<!tpu.dma_semaphore, #tpu.memory_space<semaphore_mem>>
      %dma_start3A = arith.constant 0 : i32
      %dma_start3A_30 = arith.constant 0 : i32
      %dma_start3A_31 = tpu.memref_slice %arg6[%dma_start3A, %dma_start3A_30] : memref<16x128xi32, #tpu.memory_space<vmem>> -> memref<7x128xi32, #tpu.memory_space<vmem>>
      %dma_start3A_32 = arith.constant 0 : i32
      %dma_start3A_33 = tpu.memref_slice %arg3[%add3A_13, %dma_start3A_32] : memref<1250x128xi32, #tpu.memory_space<hbm>> -> memref<7x128xi32, #tpu.memory_space<hbm>>
      %dma_start3A_34 = arith.constant 0 : i32
      %dma_start3A_35 = arith.constant 0 : i32
      %dma_start3A_36 = tpu.memref_slice %arg6[%dma_start3A_34, %dma_start3A_35] : memref<16x128xi32, #tpu.memory_space<vmem>> -> memref<7x128xi32, #tpu.memory_space<vmem>>
      %dma_start3A_37 = arith.constant 0 : i32
      %dma_start3A_38 = tpu.memref_slice %arg3[%add3A_13, %dma_start3A_37] : memref<1250x128xi32, #tpu.memory_space<hbm>> -> memref<7x128xi32, #tpu.memory_space<hbm>>
      tpu.enqueue_dma source(%dma_start3A_38 : memref<7x128xi32, #tpu.memory_space<hbm>>) target(%dma_start3A_36 : memref<7x128xi32, #tpu.memory_space<vmem>>) target_semaphore(%run_scoped3A_29 : memref<!tpu.dma_semaphore, #tpu.memory_space<semaphore_mem>>)
      %dma_wait3A = arith.constant 0 : i32
      %dma_wait3A_39 = arith.constant 0 : i32
      %dma_wait3A_40 = tpu.memref_slice %arg6[%dma_wait3A, %dma_wait3A_39] : memref<16x128xi32, #tpu.memory_space<vmem>> -> memref<7x128xi32, #tpu.memory_space<vmem>>
      %dma_wait3A_41 = arith.constant 0 : i32
      %dma_wait3A_42 = tpu.memref_slice %arg3[%add3A_13, %dma_wait3A_41] : memref<1250x128xi32, #tpu.memory_space<hbm>> -> memref<7x128xi32, #tpu.memory_space<hbm>>
      %dma_wait3A_43 = arith.constant 0 : i32
      %dma_wait3A_44 = arith.constant 0 : i32
      %dma_wait3A_45 = tpu.memref_slice %arg6[%dma_wait3A_43, %dma_wait3A_44] : memref<16x128xi32, #tpu.memory_space<vmem>> -> memref<7x128xi32, #tpu.memory_space<vmem>>
      %dma_wait3A_46 = arith.constant 0 : i32
      %dma_wait3A_47 = tpu.memref_slice %arg3[%add3A_13, %dma_wait3A_46] : memref<1250x128xi32, #tpu.memory_space<hbm>> -> memref<7x128xi32, #tpu.memory_space<hbm>>
      tpu.wait_dma2 semaphore(%run_scoped3A_29 : memref<!tpu.dma_semaphore, #tpu.memory_space<semaphore_mem>>) src(%dma_wait3A_47 : memref<7x128xi32, #tpu.memory_space<hbm>>) dst(%dma_wait3A_45 : memref<7x128xi32, #tpu.memory_space<vmem>>)
      tpu.yield
    }) : () -> ()
    %mul3A_14 = arith.constant 128 : i32
    %mul3A_15 = arith.muli %add3A_13, %mul3A_14 : i32
    "tpu.region"() ({
      %run_scoped3A_29 = tpu.sem_alloc : memref<!tpu.dma_semaphore, #tpu.memory_space<semaphore_mem>>
      %dma_start3A = arith.constant 0 : i32
      %dma_start3A_30 = arith.constant 0 : i32
      %dma_start3A_31 = tpu.memref_slice %arg7[%dma_start3A, %dma_start3A_30] : memref<2048x40xf32, #tpu.memory_space<vmem>> -> memref<896x40xf32, #tpu.memory_space<vmem>>
      %dma_start3A_32 = arith.constant 0 : i32
      %dma_start3A_33 = tpu.memref_slice %arg2[%mul3A_15, %dma_start3A_32] : memref<160000x40xf32, #tpu.memory_space<hbm>> -> memref<896x40xf32, #tpu.memory_space<hbm>>
      %dma_start3A_34 = arith.constant 0 : i32
      %dma_start3A_35 = arith.constant 0 : i32
      %dma_start3A_36 = tpu.memref_slice %arg7[%dma_start3A_34, %dma_start3A_35] : memref<2048x40xf32, #tpu.memory_space<vmem>> -> memref<896x40xf32, #tpu.memory_space<vmem>>
      %dma_start3A_37 = arith.constant 0 : i32
      %dma_start3A_38 = tpu.memref_slice %arg2[%mul3A_15, %dma_start3A_37] : memref<160000x40xf32, #tpu.memory_space<hbm>> -> memref<896x40xf32, #tpu.memory_space<hbm>>
      tpu.enqueue_dma source(%dma_start3A_38 : memref<896x40xf32, #tpu.memory_space<hbm>>) target(%dma_start3A_36 : memref<896x40xf32, #tpu.memory_space<vmem>>) target_semaphore(%run_scoped3A_29 : memref<!tpu.dma_semaphore, #tpu.memory_space<semaphore_mem>>)
      %dma_wait3A = arith.constant 0 : i32
      %dma_wait3A_39 = arith.constant 0 : i32
      %dma_wait3A_40 = tpu.memref_slice %arg7[%dma_wait3A, %dma_wait3A_39] : memref<2048x40xf32, #tpu.memory_space<vmem>> -> memref<896x40xf32, #tpu.memory_space<vmem>>
      %dma_wait3A_41 = arith.constant 0 : i32
      %dma_wait3A_42 = tpu.memref_slice %arg2[%mul3A_15, %dma_wait3A_41] : memref<160000x40xf32, #tpu.memory_space<hbm>> -> memref<896x40xf32, #tpu.memory_space<hbm>>
      %dma_wait3A_43 = arith.constant 0 : i32
      %dma_wait3A_44 = arith.constant 0 : i32
      %dma_wait3A_45 = tpu.memref_slice %arg7[%dma_wait3A_43, %dma_wait3A_44] : memref<2048x40xf32, #tpu.memory_space<vmem>> -> memref<896x40xf32, #tpu.memory_space<vmem>>
      %dma_wait3A_46 = arith.constant 0 : i32
      %dma_wait3A_47 = tpu.memref_slice %arg2[%mul3A_15, %dma_wait3A_46] : memref<160000x40xf32, #tpu.memory_space<hbm>> -> memref<896x40xf32, #tpu.memory_space<hbm>>
      tpu.wait_dma2 semaphore(%run_scoped3A_29 : memref<!tpu.dma_semaphore, #tpu.memory_space<semaphore_mem>>) src(%dma_wait3A_47 : memref<896x40xf32, #tpu.memory_space<hbm>>) dst(%dma_wait3A_45 : memref<896x40xf32, #tpu.memory_space<vmem>>)
      tpu.yield
    }) : () -> ()
    %run_scoped3A = arith.constant 0 : i32
    "tpu.region"() ({
      %run_scoped3A_29 = tpu.sem_alloc : memref<!tpu.dma_semaphore, #tpu.memory_space<semaphore_mem>>
      %dma_start3A = arith.constant 0 : i32
      %dma_start3A_30 = arith.constant 0 : i32
      %dma_start3A_31 = tpu.memref_slice %arg7[%dma_start3A, %dma_start3A_30] : memref<2048x40xf32, #tpu.memory_space<vmem>> -> memref<128x40xf32, #tpu.memory_space<vmem>>
      %dma_start3A_32 = arith.constant 0 : i32
      %dma_start3A_33 = tpu.memref_slice %arg6[%run_scoped3A, %dma_start3A_32] : memref<16x128xi32, #tpu.memory_space<vmem>> -> memref<1x128xi32, #tpu.memory_space<vmem>>
      %dma_start3A_34 = tpu.memref_squeeze %dma_start3A_33 : memref<1x128xi32, #tpu.memory_space<vmem>> -> memref<128xi32, #tpu.memory_space<vmem>>
      %dma_start3A_35 = arith.constant 0 : i32
      %dma_start3A_36 = arith.constant 0 : i32
      %dma_start3A_37 = tpu.memref_slice %arg8[%dma_start3A_35, %dma_start3A_36] : memref<10000x40xf32, #tpu.memory_space<vmem_shared>> -> memref<10000x40xf32, #tpu.memory_space<vmem_shared>>
      tpu.enqueue_indirect_dma source(%dma_start3A_31 : memref<128x40xf32, #tpu.memory_space<vmem>>) target(%dma_start3A_37 : memref<10000x40xf32, #tpu.memory_space<vmem_shared>>) offsets(%dma_start3A_34 : memref<128xi32, #tpu.memory_space<vmem>>) semaphore(%run_scoped3A_29 : memref<!tpu.dma_semaphore, #tpu.memory_space<semaphore_mem>>) {add = true}
      %dma_wait3A = arith.constant 0 : i32
      %dma_wait3A_38 = arith.constant 0 : i32
      %dma_wait3A_39 = tpu.memref_slice %arg7[%dma_wait3A, %dma_wait3A_38] : memref<2048x40xf32, #tpu.memory_space<vmem>> -> memref<128x40xf32, #tpu.memory_space<vmem>>
      %dma_wait3A_40 = arith.constant 0 : i32
      %dma_wait3A_41 = tpu.memref_slice %arg6[%run_scoped3A, %dma_wait3A_40] : memref<16x128xi32, #tpu.memory_space<vmem>> -> memref<1x128xi32, #tpu.memory_space<vmem>>
      %dma_wait3A_42 = tpu.memref_squeeze %dma_wait3A_41 : memref<1x128xi32, #tpu.memory_space<vmem>> -> memref<128xi32, #tpu.memory_space<vmem>>
      %dma_wait3A_43 = arith.constant 0 : i32
      %dma_wait3A_44 = arith.constant 0 : i32
      %dma_wait3A_45 = tpu.memref_slice %arg8[%dma_wait3A_43, %dma_wait3A_44] : memref<10000x40xf32, #tpu.memory_space<vmem_shared>> -> memref<10000x40xf32, #tpu.memory_space<vmem_shared>>
      tpu.wait_indirect_dma semaphore(%run_scoped3A_29 : memref<!tpu.dma_semaphore, #tpu.memory_space<semaphore_mem>>) src(%dma_wait3A_39 : memref<128x40xf32, #tpu.memory_space<vmem>>) dst(%dma_wait3A_45 : memref<10000x40xf32, #tpu.memory_space<vmem_shared>>)
      tpu.yield
    }) : () -> ()
    %run_scoped3A_16 = arith.constant 1 : i32
    "tpu.region"() ({
      %run_scoped3A_29 = tpu.sem_alloc : memref<!tpu.dma_semaphore, #tpu.memory_space<semaphore_mem>>
      %dma_start3A = arith.constant 128 : i32
      %dma_start3A_30 = arith.constant 0 : i32
      %dma_start3A_31 = tpu.memref_slice %arg7[%dma_start3A, %dma_start3A_30] : memref<2048x40xf32, #tpu.memory_space<vmem>> -> memref<128x40xf32, #tpu.memory_space<vmem>>
      %dma_start3A_32 = arith.constant 0 : i32
      %dma_start3A_33 = tpu.memref_slice %arg6[%run_scoped3A_16, %dma_start3A_32] : memref<16x128xi32, #tpu.memory_space<vmem>> -> memref<1x128xi32, #tpu.memory_space<vmem>>
      %dma_start3A_34 = tpu.memref_squeeze %dma_start3A_33 : memref<1x128xi32, #tpu.memory_space<vmem>> -> memref<128xi32, #tpu.memory_space<vmem>>
      %dma_start3A_35 = arith.constant 0 : i32
      %dma_start3A_36 = arith.constant 0 : i32
      %dma_start3A_37 = tpu.memref_slice %arg8[%dma_start3A_35, %dma_start3A_36] : memref<10000x40xf32, #tpu.memory_space<vmem_shared>> -> memref<10000x40xf32, #tpu.memory_space<vmem_shared>>
      tpu.enqueue_indirect_dma source(%dma_start3A_31 : memref<128x40xf32, #tpu.memory_space<vmem>>) target(%dma_start3A_37 : memref<10000x40xf32, #tpu.memory_space<vmem_shared>>) offsets(%dma_start3A_34 : memref<128xi32, #tpu.memory_space<vmem>>) semaphore(%run_scoped3A_29 : memref<!tpu.dma_semaphore, #tpu.memory_space<semaphore_mem>>) {add = true}
      %dma_wait3A = arith.constant 128 : i32
      %dma_wait3A_38 = arith.constant 0 : i32
      %dma_wait3A_39 = tpu.memref_slice %arg7[%dma_wait3A, %dma_wait3A_38] : memref<2048x40xf32, #tpu.memory_space<vmem>> -> memref<128x40xf32, #tpu.memory_space<vmem>>
      %dma_wait3A_40 = arith.constant 0 : i32
      %dma_wait3A_41 = tpu.memref_slice %arg6[%run_scoped3A_16, %dma_wait3A_40] : memref<16x128xi32, #tpu.memory_space<vmem>> -> memref<1x128xi32, #tpu.memory_space<vmem>>
      %dma_wait3A_42 = tpu.memref_squeeze %dma_wait3A_41 : memref<1x128xi32, #tpu.memory_space<vmem>> -> memref<128xi32, #tpu.memory_space<vmem>>
      %dma_wait3A_43 = arith.constant 0 : i32
      %dma_wait3A_44 = arith.constant 0 : i32
      %dma_wait3A_45 = tpu.memref_slice %arg8[%dma_wait3A_43, %dma_wait3A_44] : memref<10000x40xf32, #tpu.memory_space<vmem_shared>> -> memref<10000x40xf32, #tpu.memory_space<vmem_shared>>
      tpu.wait_indirect_dma semaphore(%run_scoped3A_29 : memref<!tpu.dma_semaphore, #tpu.memory_space<semaphore_mem>>) src(%dma_wait3A_39 : memref<128x40xf32, #tpu.memory_space<vmem>>) dst(%dma_wait3A_45 : memref<10000x40xf32, #tpu.memory_space<vmem_shared>>)
      tpu.yield
    }) : () -> ()
    %run_scoped3A_17 = arith.constant 2 : i32
    "tpu.region"() ({
      %run_scoped3A_29 = tpu.sem_alloc : memref<!tpu.dma_semaphore, #tpu.memory_space<semaphore_mem>>
      %dma_start3A = arith.constant 256 : i32
      %dma_start3A_30 = arith.constant 0 : i32
      %dma_start3A_31 = tpu.memref_slice %arg7[%dma_start3A, %dma_start3A_30] : memref<2048x40xf32, #tpu.memory_space<vmem>> -> memref<128x40xf32, #tpu.memory_space<vmem>>
      %dma_start3A_32 = arith.constant 0 : i32
      %dma_start3A_33 = tpu.memref_slice %arg6[%run_scoped3A_17, %dma_start3A_32] : memref<16x128xi32, #tpu.memory_space<vmem>> -> memref<1x128xi32, #tpu.memory_space<vmem>>
      %dma_start3A_34 = tpu.memref_squeeze %dma_start3A_33 : memref<1x128xi32, #tpu.memory_space<vmem>> -> memref<128xi32, #tpu.memory_space<vmem>>
      %dma_start3A_35 = arith.constant 0 : i32
      %dma_start3A_36 = arith.constant 0 : i32
      %dma_start3A_37 = tpu.memref_slice %arg8[%dma_start3A_35, %dma_start3A_36] : memref<10000x40xf32, #tpu.memory_space<vmem_shared>> -> memref<10000x40xf32, #tpu.memory_space<vmem_shared>>
      tpu.enqueue_indirect_dma source(%dma_start3A_31 : memref<128x40xf32, #tpu.memory_space<vmem>>) target(%dma_start3A_37 : memref<10000x40xf32, #tpu.memory_space<vmem_shared>>) offsets(%dma_start3A_34 : memref<128xi32, #tpu.memory_space<vmem>>) semaphore(%run_scoped3A_29 : memref<!tpu.dma_semaphore, #tpu.memory_space<semaphore_mem>>) {add = true}
      %dma_wait3A = arith.constant 256 : i32
      %dma_wait3A_38 = arith.constant 0 : i32
      %dma_wait3A_39 = tpu.memref_slice %arg7[%dma_wait3A, %dma_wait3A_38] : memref<2048x40xf32, #tpu.memory_space<vmem>> -> memref<128x40xf32, #tpu.memory_space<vmem>>
      %dma_wait3A_40 = arith.constant 0 : i32
      %dma_wait3A_41 = tpu.memref_slice %arg6[%run_scoped3A_17, %dma_wait3A_40] : memref<16x128xi32, #tpu.memory_space<vmem>> -> memref<1x128xi32, #tpu.memory_space<vmem>>
      %dma_wait3A_42 = tpu.memref_squeeze %dma_wait3A_41 : memref<1x128xi32, #tpu.memory_space<vmem>> -> memref<128xi32, #tpu.memory_space<vmem>>
      %dma_wait3A_43 = arith.constant 0 : i32
      %dma_wait3A_44 = arith.constant 0 : i32
      %dma_wait3A_45 = tpu.memref_slice %arg8[%dma_wait3A_43, %dma_wait3A_44] : memref<10000x40xf32, #tpu.memory_space<vmem_shared>> -> memref<10000x40xf32, #tpu.memory_space<vmem_shared>>
      tpu.wait_indirect_dma semaphore(%run_scoped3A_29 : memref<!tpu.dma_semaphore, #tpu.memory_space<semaphore_mem>>) src(%dma_wait3A_39 : memref<128x40xf32, #tpu.memory_space<vmem>>) dst(%dma_wait3A_45 : memref<10000x40xf32, #tpu.memory_space<vmem_shared>>)
      tpu.yield
    }) : () -> ()
    %run_scoped3A_18 = arith.constant 3 : i32
    "tpu.region"() ({
      %run_scoped3A_29 = tpu.sem_alloc : memref<!tpu.dma_semaphore, #tpu.memory_space<semaphore_mem>>
      %dma_start3A = arith.constant 384 : i32
      %dma_start3A_30 = arith.constant 0 : i32
      %dma_start3A_31 = tpu.memref_slice %arg7[%dma_start3A, %dma_start3A_30] : memref<2048x40xf32, #tpu.memory_space<vmem>> -> memref<128x40xf32, #tpu.memory_space<vmem>>
      %dma_start3A_32 = arith.constant 0 : i32
      %dma_start3A_33 = tpu.memref_slice %arg6[%run_scoped3A_18, %dma_start3A_32] : memref<16x128xi32, #tpu.memory_space<vmem>> -> memref<1x128xi32, #tpu.memory_space<vmem>>
      %dma_start3A_34 = tpu.memref_squeeze %dma_start3A_33 : memref<1x128xi32, #tpu.memory_space<vmem>> -> memref<128xi32, #tpu.memory_space<vmem>>
      %dma_start3A_35 = arith.constant 0 : i32
      %dma_start3A_36 = arith.constant 0 : i32
      %dma_start3A_37 = tpu.memref_slice %arg8[%dma_start3A_35, %dma_start3A_36] : memref<10000x40xf32, #tpu.memory_space<vmem_shared>> -> memref<10000x40xf32, #tpu.memory_space<vmem_shared>>
      tpu.enqueue_indirect_dma source(%dma_start3A_31 : memref<128x40xf32, #tpu.memory_space<vmem>>) target(%dma_start3A_37 : memref<10000x40xf32, #tpu.memory_space<vmem_shared>>) offsets(%dma_start3A_34 : memref<128xi32, #tpu.memory_space<vmem>>) semaphore(%run_scoped3A_29 : memref<!tpu.dma_semaphore, #tpu.memory_space<semaphore_mem>>) {add = true}
      %dma_wait3A = arith.constant 384 : i32
      %dma_wait3A_38 = arith.constant 0 : i32
      %dma_wait3A_39 = tpu.memref_slice %arg7[%dma_wait3A, %dma_wait3A_38] : memref<2048x40xf32, #tpu.memory_space<vmem>> -> memref<128x40xf32, #tpu.memory_space<vmem>>
      %dma_wait3A_40 = arith.constant 0 : i32
      %dma_wait3A_41 = tpu.memref_slice %arg6[%run_scoped3A_18, %dma_wait3A_40] : memref<16x128xi32, #tpu.memory_space<vmem>> -> memref<1x128xi32, #tpu.memory_space<vmem>>
      %dma_wait3A_42 = tpu.memref_squeeze %dma_wait3A_41 : memref<1x128xi32, #tpu.memory_space<vmem>> -> memref<128xi32, #tpu.memory_space<vmem>>
      %dma_wait3A_43 = arith.constant 0 : i32
      %dma_wait3A_44 = arith.constant 0 : i32
      %dma_wait3A_45 = tpu.memref_slice %arg8[%dma_wait3A_43, %dma_wait3A_44] : memref<10000x40xf32, #tpu.memory_space<vmem_shared>> -> memref<10000x40xf32, #tpu.memory_space<vmem_shared>>
      tpu.wait_indirect_dma semaphore(%run_scoped3A_29 : memref<!tpu.dma_semaphore, #tpu.memory_space<semaphore_mem>>) src(%dma_wait3A_39 : memref<128x40xf32, #tpu.memory_space<vmem>>) dst(%dma_wait3A_45 : memref<10000x40xf32, #tpu.memory_space<vmem_shared>>)
      tpu.yield
    }) : () -> ()
    %run_scoped3A_19 = arith.constant 4 : i32
    "tpu.region"() ({
      %run_scoped3A_29 = tpu.sem_alloc : memref<!tpu.dma_semaphore, #tpu.memory_space<semaphore_mem>>
      %dma_start3A = arith.constant 512 : i32
      %dma_start3A_30 = arith.constant 0 : i32
      %dma_start3A_31 = tpu.memref_slice %arg7[%dma_start3A, %dma_start3A_30] : memref<2048x40xf32, #tpu.memory_space<vmem>> -> memref<128x40xf32, #tpu.memory_space<vmem>>
      %dma_start3A_32 = arith.constant 0 : i32
      %dma_start3A_33 = tpu.memref_slice %arg6[%run_scoped3A_19, %dma_start3A_32] : memref<16x128xi32, #tpu.memory_space<vmem>> -> memref<1x128xi32, #tpu.memory_space<vmem>>
      %dma_start3A_34 = tpu.memref_squeeze %dma_start3A_33 : memref<1x128xi32, #tpu.memory_space<vmem>> -> memref<128xi32, #tpu.memory_space<vmem>>
      %dma_start3A_35 = arith.constant 0 : i32
      %dma_start3A_36 = arith.constant 0 : i32
      %dma_start3A_37 = tpu.memref_slice %arg8[%dma_start3A_35, %dma_start3A_36] : memref<10000x40xf32, #tpu.memory_space<vmem_shared>> -> memref<10000x40xf32, #tpu.memory_space<vmem_shared>>
      tpu.enqueue_indirect_dma source(%dma_start3A_31 : memref<128x40xf32, #tpu.memory_space<vmem>>) target(%dma_start3A_37 : memref<10000x40xf32, #tpu.memory_space<vmem_shared>>) offsets(%dma_start3A_34 : memref<128xi32, #tpu.memory_space<vmem>>) semaphore(%run_scoped3A_29 : memref<!tpu.dma_semaphore, #tpu.memory_space<semaphore_mem>>) {add = true}
      %dma_wait3A = arith.constant 512 : i32
      %dma_wait3A_38 = arith.constant 0 : i32
      %dma_wait3A_39 = tpu.memref_slice %arg7[%dma_wait3A, %dma_wait3A_38] : memref<2048x40xf32, #tpu.memory_space<vmem>> -> memref<128x40xf32, #tpu.memory_space<vmem>>
      %dma_wait3A_40 = arith.constant 0 : i32
      %dma_wait3A_41 = tpu.memref_slice %arg6[%run_scoped3A_19, %dma_wait3A_40] : memref<16x128xi32, #tpu.memory_space<vmem>> -> memref<1x128xi32, #tpu.memory_space<vmem>>
      %dma_wait3A_42 = tpu.memref_squeeze %dma_wait3A_41 : memref<1x128xi32, #tpu.memory_space<vmem>> -> memref<128xi32, #tpu.memory_space<vmem>>
      %dma_wait3A_43 = arith.constant 0 : i32
      %dma_wait3A_44 = arith.constant 0 : i32
      %dma_wait3A_45 = tpu.memref_slice %arg8[%dma_wait3A_43, %dma_wait3A_44] : memref<10000x40xf32, #tpu.memory_space<vmem_shared>> -> memref<10000x40xf32, #tpu.memory_space<vmem_shared>>
      tpu.wait_indirect_dma semaphore(%run_scoped3A_29 : memref<!tpu.dma_semaphore, #tpu.memory_space<semaphore_mem>>) src(%dma_wait3A_39 : memref<128x40xf32, #tpu.memory_space<vmem>>) dst(%dma_wait3A_45 : memref<10000x40xf32, #tpu.memory_space<vmem_shared>>)
      tpu.yield
    }) : () -> ()
    %run_scoped3A_20 = arith.constant 5 : i32
    "tpu.region"() ({
      %run_scoped3A_29 = tpu.sem_alloc : memref<!tpu.dma_semaphore, #tpu.memory_space<semaphore_mem>>
      %dma_start3A = arith.constant 640 : i32
      %dma_start3A_30 = arith.constant 0 : i32
      %dma_start3A_31 = tpu.memref_slice %arg7[%dma_start3A, %dma_start3A_30] : memref<2048x40xf32, #tpu.memory_space<vmem>> -> memref<128x40xf32, #tpu.memory_space<vmem>>
      %dma_start3A_32 = arith.constant 0 : i32
      %dma_start3A_33 = tpu.memref_slice %arg6[%run_scoped3A_20, %dma_start3A_32] : memref<16x128xi32, #tpu.memory_space<vmem>> -> memref<1x128xi32, #tpu.memory_space<vmem>>
      %dma_start3A_34 = tpu.memref_squeeze %dma_start3A_33 : memref<1x128xi32, #tpu.memory_space<vmem>> -> memref<128xi32, #tpu.memory_space<vmem>>
      %dma_start3A_35 = arith.constant 0 : i32
      %dma_start3A_36 = arith.constant 0 : i32
      %dma_start3A_37 = tpu.memref_slice %arg8[%dma_start3A_35, %dma_start3A_36] : memref<10000x40xf32, #tpu.memory_space<vmem_shared>> -> memref<10000x40xf32, #tpu.memory_space<vmem_shared>>
      tpu.enqueue_indirect_dma source(%dma_start3A_31 : memref<128x40xf32, #tpu.memory_space<vmem>>) target(%dma_start3A_37 : memref<10000x40xf32, #tpu.memory_space<vmem_shared>>) offsets(%dma_start3A_34 : memref<128xi32, #tpu.memory_space<vmem>>) semaphore(%run_scoped3A_29 : memref<!tpu.dma_semaphore, #tpu.memory_space<semaphore_mem>>) {add = true}
      %dma_wait3A = arith.constant 640 : i32
      %dma_wait3A_38 = arith.constant 0 : i32
      %dma_wait3A_39 = tpu.memref_slice %arg7[%dma_wait3A, %dma_wait3A_38] : memref<2048x40xf32, #tpu.memory_space<vmem>> -> memref<128x40xf32, #tpu.memory_space<vmem>>
      %dma_wait3A_40 = arith.constant 0 : i32
      %dma_wait3A_41 = tpu.memref_slice %arg6[%run_scoped3A_20, %dma_wait3A_40] : memref<16x128xi32, #tpu.memory_space<vmem>> -> memref<1x128xi32, #tpu.memory_space<vmem>>
      %dma_wait3A_42 = tpu.memref_squeeze %dma_wait3A_41 : memref<1x128xi32, #tpu.memory_space<vmem>> -> memref<128xi32, #tpu.memory_space<vmem>>
      %dma_wait3A_43 = arith.constant 0 : i32
      %dma_wait3A_44 = arith.constant 0 : i32
      %dma_wait3A_45 = tpu.memref_slice %arg8[%dma_wait3A_43, %dma_wait3A_44] : memref<10000x40xf32, #tpu.memory_space<vmem_shared>> -> memref<10000x40xf32, #tpu.memory_space<vmem_shared>>
      tpu.wait_indirect_dma semaphore(%run_scoped3A_29 : memref<!tpu.dma_semaphore, #tpu.memory_space<semaphore_mem>>) src(%dma_wait3A_39 : memref<128x40xf32, #tpu.memory_space<vmem>>) dst(%dma_wait3A_45 : memref<10000x40xf32, #tpu.memory_space<vmem_shared>>)
      tpu.yield
    }) : () -> ()
    %run_scoped3A_21 = arith.constant 6 : i32
    "tpu.region"() ({
      %run_scoped3A_29 = tpu.sem_alloc : memref<!tpu.dma_semaphore, #tpu.memory_space<semaphore_mem>>
      %dma_start3A = arith.constant 768 : i32
      %dma_start3A_30 = arith.constant 0 : i32
      %dma_start3A_31 = tpu.memref_slice %arg7[%dma_start3A, %dma_start3A_30] : memref<2048x40xf32, #tpu.memory_space<vmem>> -> memref<128x40xf32, #tpu.memory_space<vmem>>
      %dma_start3A_32 = arith.constant 0 : i32
      %dma_start3A_33 = tpu.memref_slice %arg6[%run_scoped3A_21, %dma_start3A_32] : memref<16x128xi32, #tpu.memory_space<vmem>> -> memref<1x128xi32, #tpu.memory_space<vmem>>
      %dma_start3A_34 = tpu.memref_squeeze %dma_start3A_33 : memref<1x128xi32, #tpu.memory_space<vmem>> -> memref<128xi32, #tpu.memory_space<vmem>>
      %dma_start3A_35 = arith.constant 0 : i32
      %dma_start3A_36 = arith.constant 0 : i32
      %dma_start3A_37 = tpu.memref_slice %arg8[%dma_start3A_35, %dma_start3A_36] : memref<10000x40xf32, #tpu.memory_space<vmem_shared>> -> memref<10000x40xf32, #tpu.memory_space<vmem_shared>>
      tpu.enqueue_indirect_dma source(%dma_start3A_31 : memref<128x40xf32, #tpu.memory_space<vmem>>) target(%dma_start3A_37 : memref<10000x40xf32, #tpu.memory_space<vmem_shared>>) offsets(%dma_start3A_34 : memref<128xi32, #tpu.memory_space<vmem>>) semaphore(%run_scoped3A_29 : memref<!tpu.dma_semaphore, #tpu.memory_space<semaphore_mem>>) {add = true}
      %dma_wait3A = arith.constant 768 : i32
      %dma_wait3A_38 = arith.constant 0 : i32
      %dma_wait3A_39 = tpu.memref_slice %arg7[%dma_wait3A, %dma_wait3A_38] : memref<2048x40xf32, #tpu.memory_space<vmem>> -> memref<128x40xf32, #tpu.memory_space<vmem>>
      %dma_wait3A_40 = arith.constant 0 : i32
      %dma_wait3A_41 = tpu.memref_slice %arg6[%run_scoped3A_21, %dma_wait3A_40] : memref<16x128xi32, #tpu.memory_space<vmem>> -> memref<1x128xi32, #tpu.memory_space<vmem>>
      %dma_wait3A_42 = tpu.memref_squeeze %dma_wait3A_41 : memref<1x128xi32, #tpu.memory_space<vmem>> -> memref<128xi32, #tpu.memory_space<vmem>>
      %dma_wait3A_43 = arith.constant 0 : i32
      %dma_wait3A_44 = arith.constant 0 : i32
      %dma_wait3A_45 = tpu.memref_slice %arg8[%dma_wait3A_43, %dma_wait3A_44] : memref<10000x40xf32, #tpu.memory_space<vmem_shared>> -> memref<10000x40xf32, #tpu.memory_space<vmem_shared>>
      tpu.wait_indirect_dma semaphore(%run_scoped3A_29 : memref<!tpu.dma_semaphore, #tpu.memory_space<semaphore_mem>>) src(%dma_wait3A_39 : memref<128x40xf32, #tpu.memory_space<vmem>>) dst(%dma_wait3A_45 : memref<10000x40xf32, #tpu.memory_space<vmem_shared>>)
      tpu.yield
    }) : () -> ()
    %lt3A = arith.constant 2 : i32
    %lt3A_22 = arith.cmpi slt, %add3A, %lt3A : i32
    %convert_element_type3A = arith.extui %lt3A_22 : i1 to i32
    %cond3A = arith.constant 0 : i32
    %cond3A_23 = arith.cmpi ne, %convert_element_type3A, %cond3A : i32
    scf.if %cond3A_23 {
      %add3A_29 = arith.constant 1248 : i32
      %add3A_30 = arith.addi %add3A_29, %add3A : i32
      "tpu.region"() ({
        %run_scoped3A_34 = tpu.sem_alloc : memref<!tpu.dma_semaphore, #tpu.memory_space<semaphore_mem>>
        %dma_start3A = arith.constant 0 : i32
        %dma_start3A_35 = arith.constant 0 : i32
        %dma_start3A_36 = tpu.memref_slice %arg6[%dma_start3A, %dma_start3A_35] : memref<16x128xi32, #tpu.memory_space<vmem>> -> memref<1x128xi32, #tpu.memory_space<vmem>>
        %dma_start3A_37 = arith.constant 0 : i32
        %dma_start3A_38 = tpu.memref_slice %arg3[%add3A_30, %dma_start3A_37] : memref<1250x128xi32, #tpu.memory_space<hbm>> -> memref<1x128xi32, #tpu.memory_space<hbm>>
        %dma_start3A_39 = arith.constant 0 : i32
        %dma_start3A_40 = arith.constant 0 : i32
        %dma_start3A_41 = tpu.memref_slice %arg6[%dma_start3A_39, %dma_start3A_40] : memref<16x128xi32, #tpu.memory_space<vmem>> -> memref<1x128xi32, #tpu.memory_space<vmem>>
        %dma_start3A_42 = arith.constant 0 : i32
        %dma_start3A_43 = tpu.memref_slice %arg3[%add3A_30, %dma_start3A_42] : memref<1250x128xi32, #tpu.memory_space<hbm>> -> memref<1x128xi32, #tpu.memory_space<hbm>>
        tpu.enqueue_dma source(%dma_start3A_43 : memref<1x128xi32, #tpu.memory_space<hbm>>) target(%dma_start3A_41 : memref<1x128xi32, #tpu.memory_space<vmem>>) target_semaphore(%run_scoped3A_34 : memref<!tpu.dma_semaphore, #tpu.memory_space<semaphore_mem>>)
        %dma_wait3A = arith.constant 0 : i32
        %dma_wait3A_44 = arith.constant 0 : i32
        %dma_wait3A_45 = tpu.memref_slice %arg6[%dma_wait3A, %dma_wait3A_44] : memref<16x128xi32, #tpu.memory_space<vmem>> -> memref<1x128xi32, #tpu.memory_space<vmem>>
        %dma_wait3A_46 = arith.constant 0 : i32
        %dma_wait3A_47 = tpu.memref_slice %arg3[%add3A_30, %dma_wait3A_46] : memref<1250x128xi32, #tpu.memory_space<hbm>> -> memref<1x128xi32, #tpu.memory_space<hbm>>
        %dma_wait3A_48 = arith.constant 0 : i32
        %dma_wait3A_49 = arith.constant 0 : i32
        %dma_wait3A_50 = tpu.memref_slice %arg6[%dma_wait3A_48, %dma_wait3A_49] : memref<16x128xi32, #tpu.memory_space<vmem>> -> memref<1x128xi32, #tpu.memory_space<vmem>>
        %dma_wait3A_51 = arith.constant 0 : i32
        %dma_wait3A_52 = tpu.memref_slice %arg3[%add3A_30, %dma_wait3A_51] : memref<1250x128xi32, #tpu.memory_space<hbm>> -> memref<1x128xi32, #tpu.memory_space<hbm>>
        tpu.wait_dma2 semaphore(%run_scoped3A_34 : memref<!tpu.dma_semaphore, #tpu.memory_space<semaphore_mem>>) src(%dma_wait3A_52 : memref<1x128xi32, #tpu.memory_space<hbm>>) dst(%dma_wait3A_50 : memref<1x128xi32, #tpu.memory_space<vmem>>)
        tpu.yield
      }) : () -> ()
      %mul3A_31 = arith.constant 128 : i32
      %mul3A_32 = arith.muli %add3A_30, %mul3A_31 : i32
      "tpu.region"() ({
        %run_scoped3A_34 = tpu.sem_alloc : memref<!tpu.dma_semaphore, #tpu.memory_space<semaphore_mem>>
        %dma_start3A = arith.constant 0 : i32
        %dma_start3A_35 = arith.constant 0 : i32
        %dma_start3A_36 = tpu.memref_slice %arg7[%dma_start3A, %dma_start3A_35] : memref<2048x40xf32, #tpu.memory_space<vmem>> -> memref<128x40xf32, #tpu.memory_space<vmem>>
        %dma_start3A_37 = arith.constant 0 : i32
        %dma_start3A_38 = tpu.memref_slice %arg2[%mul3A_32, %dma_start3A_37] : memref<160000x40xf32, #tpu.memory_space<hbm>> -> memref<128x40xf32, #tpu.memory_space<hbm>>
        %dma_start3A_39 = arith.constant 0 : i32
        %dma_start3A_40 = arith.constant 0 : i32
        %dma_start3A_41 = tpu.memref_slice %arg7[%dma_start3A_39, %dma_start3A_40] : memref<2048x40xf32, #tpu.memory_space<vmem>> -> memref<128x40xf32, #tpu.memory_space<vmem>>
        %dma_start3A_42 = arith.constant 0 : i32
        %dma_start3A_43 = tpu.memref_slice %arg2[%mul3A_32, %dma_start3A_42] : memref<160000x40xf32, #tpu.memory_space<hbm>> -> memref<128x40xf32, #tpu.memory_space<hbm>>
        tpu.enqueue_dma source(%dma_start3A_43 : memref<128x40xf32, #tpu.memory_space<hbm>>) target(%dma_start3A_41 : memref<128x40xf32, #tpu.memory_space<vmem>>) target_semaphore(%run_scoped3A_34 : memref<!tpu.dma_semaphore, #tpu.memory_space<semaphore_mem>>)
        %dma_wait3A = arith.constant 0 : i32
        %dma_wait3A_44 = arith.constant 0 : i32
        %dma_wait3A_45 = tpu.memref_slice %arg7[%dma_wait3A, %dma_wait3A_44] : memref<2048x40xf32, #tpu.memory_space<vmem>> -> memref<128x40xf32, #tpu.memory_space<vmem>>
        %dma_wait3A_46 = arith.constant 0 : i32
        %dma_wait3A_47 = tpu.memref_slice %arg2[%mul3A_32, %dma_wait3A_46] : memref<160000x40xf32, #tpu.memory_space<hbm>> -> memref<128x40xf32, #tpu.memory_space<hbm>>
        %dma_wait3A_48 = arith.constant 0 : i32
        %dma_wait3A_49 = arith.constant 0 : i32
        %dma_wait3A_50 = tpu.memref_slice %arg7[%dma_wait3A_48, %dma_wait3A_49] : memref<2048x40xf32, #tpu.memory_space<vmem>> -> memref<128x40xf32, #tpu.memory_space<vmem>>
        %dma_wait3A_51 = arith.constant 0 : i32
        %dma_wait3A_52 = tpu.memref_slice %arg2[%mul3A_32, %dma_wait3A_51] : memref<160000x40xf32, #tpu.memory_space<hbm>> -> memref<128x40xf32, #tpu.memory_space<hbm>>
        tpu.wait_dma2 semaphore(%run_scoped3A_34 : memref<!tpu.dma_semaphore, #tpu.memory_space<semaphore_mem>>) src(%dma_wait3A_52 : memref<128x40xf32, #tpu.memory_space<hbm>>) dst(%dma_wait3A_50 : memref<128x40xf32, #tpu.memory_space<vmem>>)
        tpu.yield
      }) : () -> ()
      %run_scoped3A_33 = arith.constant 0 : i32
      "tpu.region"() ({
        %run_scoped3A_34 = tpu.sem_alloc : memref<!tpu.dma_semaphore, #tpu.memory_space<semaphore_mem>>
        %dma_start3A = arith.constant 0 : i32
        %dma_start3A_35 = arith.constant 0 : i32
        %dma_start3A_36 = tpu.memref_slice %arg7[%dma_start3A, %dma_start3A_35] : memref<2048x40xf32, #tpu.memory_space<vmem>> -> memref<128x40xf32, #tpu.memory_space<vmem>>
        %dma_start3A_37 = arith.constant 0 : i32
        %dma_start3A_38 = tpu.memref_slice %arg6[%run_scoped3A_33, %dma_start3A_37] : memref<16x128xi32, #tpu.memory_space<vmem>> -> memref<1x128xi32, #tpu.memory_space<vmem>>
        %dma_start3A_39 = tpu.memref_squeeze %dma_start3A_38 : memref<1x128xi32, #tpu.memory_space<vmem>> -> memref<128xi32, #tpu.memory_space<vmem>>
        %dma_start3A_40 = arith.constant 0 : i32
        %dma_start3A_41 = arith.constant 0 : i32
        %dma_start3A_42 = tpu.memref_slice %arg8[%dma_start3A_40, %dma_start3A_41] : memref<10000x40xf32, #tpu.memory_space<vmem_shared>> -> memref<10000x40xf32, #tpu.memory_space<vmem_shared>>
        tpu.enqueue_indirect_dma source(%dma_start3A_36 : memref<128x40xf32, #tpu.memory_space<vmem>>) target(%dma_start3A_42 : memref<10000x40xf32, #tpu.memory_space<vmem_shared>>) offsets(%dma_start3A_39 : memref<128xi32, #tpu.memory_space<vmem>>) semaphore(%run_scoped3A_34 : memref<!tpu.dma_semaphore, #tpu.memory_space<semaphore_mem>>) {add = true}
        %dma_wait3A = arith.constant 0 : i32
        %dma_wait3A_43 = arith.constant 0 : i32
        %dma_wait3A_44 = tpu.memref_slice %arg7[%dma_wait3A, %dma_wait3A_43] : memref<2048x40xf32, #tpu.memory_space<vmem>> -> memref<128x40xf32, #tpu.memory_space<vmem>>
        %dma_wait3A_45 = arith.constant 0 : i32
        %dma_wait3A_46 = tpu.memref_slice %arg6[%run_scoped3A_33, %dma_wait3A_45] : memref<16x128xi32, #tpu.memory_space<vmem>> -> memref<1x128xi32, #tpu.memory_space<vmem>>
        %dma_wait3A_47 = tpu.memref_squeeze %dma_wait3A_46 : memref<1x128xi32, #tpu.memory_space<vmem>> -> memref<128xi32, #tpu.memory_space<vmem>>
        %dma_wait3A_48 = arith.constant 0 : i32
        %dma_wait3A_49 = arith.constant 0 : i32
        %dma_wait3A_50 = tpu.memref_slice %arg8[%dma_wait3A_48, %dma_wait3A_49] : memref<10000x40xf32, #tpu.memory_space<vmem_shared>> -> memref<10000x40xf32, #tpu.memory_space<vmem_shared>>
        tpu.wait_indirect_dma semaphore(%run_scoped3A_34 : memref<!tpu.dma_semaphore, #tpu.memory_space<semaphore_mem>>) src(%dma_wait3A_44 : memref<128x40xf32, #tpu.memory_space<vmem>>) dst(%dma_wait3A_50 : memref<10000x40xf32, #tpu.memory_space<vmem_shared>>)
        tpu.yield
      }) : () -> ()
    } else {
    }
    %barrier3A_24 = arith.constant 0 : index
    tpu.barrier barrier_id(%barrier3A_24)
    %mul3A_25 = arith.constant 625 : i32
    %mul3A_26 = arith.muli %arg1, %mul3A_25 : i32
    %mul3A_27 = arith.constant 625 : i32
    %mul3A_28 = arith.muli %arg1, %mul3A_27 : i32
    "tpu.region"() ({
      %run_scoped3A_29 = tpu.sem_alloc : memref<!tpu.dma_semaphore, #tpu.memory_space<semaphore_mem>>
      %dma_start3A = arith.constant 0 : i32
      %dma_start3A_30 = tpu.memref_slice %arg5[%arg0, %mul3A_28, %dma_start3A] : memref<2x10000x40xf32, #tpu.memory_space<hbm>> -> memref<1x625x40xf32, #tpu.memory_space<hbm>>
      %dma_start3A_31 = tpu.memref_squeeze %dma_start3A_30 : memref<1x625x40xf32, #tpu.memory_space<hbm>> -> memref<625x40xf32, #tpu.memory_space<hbm>>
      %dma_start3A_32 = arith.constant 0 : i32
      %dma_start3A_33 = tpu.memref_slice %arg8[%mul3A_26, %dma_start3A_32] : memref<10000x40xf32, #tpu.memory_space<vmem_shared>> -> memref<625x40xf32, #tpu.memory_space<vmem_shared>>
      tpu.enqueue_dma source(%dma_start3A_33 : memref<625x40xf32, #tpu.memory_space<vmem_shared>>) target(%dma_start3A_31 : memref<625x40xf32, #tpu.memory_space<hbm>>) target_semaphore(%run_scoped3A_29 : memref<!tpu.dma_semaphore, #tpu.memory_space<semaphore_mem>>)
      %dma_wait3A = arith.constant 0 : i32
      %dma_wait3A_34 = tpu.memref_slice %arg5[%arg0, %mul3A_28, %dma_wait3A] : memref<2x10000x40xf32, #tpu.memory_space<hbm>> -> memref<1x625x40xf32, #tpu.memory_space<hbm>>
      %dma_wait3A_35 = tpu.memref_squeeze %dma_wait3A_34 : memref<1x625x40xf32, #tpu.memory_space<hbm>> -> memref<625x40xf32, #tpu.memory_space<hbm>>
      %dma_wait3A_36 = arith.constant 0 : i32
      %dma_wait3A_37 = tpu.memref_slice %arg8[%mul3A_26, %dma_wait3A_36] : memref<10000x40xf32, #tpu.memory_space<vmem_shared>> -> memref<625x40xf32, #tpu.memory_space<vmem_shared>>
      tpu.wait_dma2 semaphore(%run_scoped3A_29 : memref<!tpu.dma_semaphore, #tpu.memory_space<semaphore_mem>>) src(%dma_wait3A_37 : memref<625x40xf32, #tpu.memory_space<vmem_shared>>) dst(%dma_wait3A_35 : memref<625x40xf32, #tpu.memory_space<hbm>>)
      tpu.yield
    }) : () -> ()
    return
  }
}

module attributes {stable_mosaic.version = 14 : i64} {
  func.func @_msg_body(%arg0: i32, %arg1: memref<4000x16xf32, #tpu.memory_space<vmem>>, %arg2: memref<4000x4xf32, #tpu.memory_space<vmem>>, %arg3: memref<4000x40xf32, #tpu.memory_space<vmem>>, %arg4: memref<16x64xf32, #tpu.memory_space<vmem>>, %arg5: memref<64x704xbf16, #tpu.memory_space<vmem>>, %arg6: memref<40x80xf32, #tpu.memory_space<vmem>>, %arg7: memref<4x80xf32, #tpu.memory_space<vmem>>, %arg8: memref<1x80xf32, #tpu.memory_space<vmem>>, %arg9: memref<80x704xbf16, #tpu.memory_space<vmem>>, %arg10: memref<704x64xbf16, #tpu.memory_space<vmem>>, %arg11: memref<4x24xf32, #tpu.memory_space<vmem>>, %arg12: memref<4000x40xf32, #tpu.memory_space<vmem>>) attributes {dimension_semantics = [#tpu.dimension_semantics<arbitrary>], iteration_bounds = array<i64: 40>, scalar_prefetch = 0 : i64, scratch_operands = 0 : i64, tpu.core_type = #tpu.core_type<tc>, window_params = [{transform_indices = @transform_0, window_bounds = array<i64: 4000, 16>}, {transform_indices = @transform_1, window_bounds = array<i64: 4000, 4>}, {transform_indices = @transform_2, window_bounds = array<i64: 4000, 40>}, {pipeline_mode = #tpu.pipeline_mode<synchronous>, transform_indices = @transform_3, window_bounds = array<i64: 16, 64>}, {pipeline_mode = #tpu.pipeline_mode<synchronous>, transform_indices = @transform_4, window_bounds = array<i64: 64, 704>}, {pipeline_mode = #tpu.pipeline_mode<synchronous>, transform_indices = @transform_5, window_bounds = array<i64: 40, 80>}, {pipeline_mode = #tpu.pipeline_mode<synchronous>, transform_indices = @transform_6, window_bounds = array<i64: 4, 80>}, {pipeline_mode = #tpu.pipeline_mode<synchronous>, transform_indices = @transform_7, window_bounds = array<i64: 1, 80>}, {pipeline_mode = #tpu.pipeline_mode<synchronous>, transform_indices = @transform_8, window_bounds = array<i64: 80, 704>}, {pipeline_mode = #tpu.pipeline_mode<synchronous>, transform_indices = @transform_9, window_bounds = array<i64: 704, 64>}, {pipeline_mode = #tpu.pipeline_mode<synchronous>, transform_indices = @transform_10, window_bounds = array<i64: 4, 24>}, {transform_indices = @transform_11, window_bounds = array<i64: 4000, 40>}]} {
    %get3A = arith.constant 0 : index
    %get3A_0 = arith.constant 0 : index
    %get3A_1 = vector.load %arg1[%get3A, %get3A_0] : memref<4000x16xf32, #tpu.memory_space<vmem>>, vector<4000x16xf32>
    %get3A_2 = arith.constant 0 : index
    %get3A_3 = arith.constant 0 : index
    %get3A_4 = vector.load %arg4[%get3A_2, %get3A_3] : memref<16x64xf32, #tpu.memory_space<vmem>>, vector<16x64xf32>
    %dot_general3A = arith.constant dense<0.000000e+00> : vector<4000x64xf32>
    %dot_general3A_5 = tpu.matmul %get3A_1, %get3A_4, %dot_general3A {dimension_numbers = #tpu.dot_dimension_numbers<[1], [0], [0], [1], [0, 0, 1, 1], [], []>, transpose_lhs_hint = false} : vector<4000x16xf32>, vector<16x64xf32>, vector<4000x64xf32> -> vector<4000x64xf32>
    %neg3A = arith.constant 0.000000e+00 : f32
    %neg3A_6 = vector.broadcast %neg3A : f32 to vector<4000x64xf32>
    %neg3A_7 = arith.subf %neg3A_6, %dot_general3A_5 : vector<4000x64xf32>
    %exp3A = math.exp %neg3A_7 : vector<4000x64xf32>
    %add3A = arith.constant 1.000000e+00 : f32
    %add3A_8 = vector.broadcast %add3A : f32 to vector<4000x64xf32>
    %add3A_9 = arith.addf %add3A_8, %exp3A : vector<4000x64xf32>
    %div3A = arith.constant 1.000000e+00 : f32
    %div3A_10 = vector.broadcast %div3A : f32 to vector<4000x64xf32>
    %div3A_11 = arith.divf %div3A_10, %add3A_9 : vector<4000x64xf32>
    %mul3A = arith.mulf %dot_general3A_5, %div3A_11 : vector<4000x64xf32>
    %convert_element_type3A = arith.truncf %mul3A : vector<4000x64xf32> to vector<4000x64xbf16>
    %get3A_12 = arith.constant 0 : index
    %get3A_13 = arith.constant 0 : index
    %get3A_14 = vector.load %arg5[%get3A_12, %get3A_13] : memref<64x704xbf16, #tpu.memory_space<vmem>>, vector<64x704xbf16>
    %dot_general3A_15 = arith.constant dense<0.000000e+00> : vector<4000x704xf32>
    %dot_general3A_16 = tpu.matmul %convert_element_type3A, %get3A_14, %dot_general3A_15 {dimension_numbers = #tpu.dot_dimension_numbers<[1], [0], [0], [1], [0, 0, 1, 1], [], []>, transpose_lhs_hint = false} : vector<4000x64xbf16>, vector<64x704xbf16>, vector<4000x704xf32> -> vector<4000x704xf32>
    %convert_element_type3A_17 = arith.truncf %dot_general3A_16 : vector<4000x704xf32> to vector<4000x704xbf16>
    %get3A_18 = arith.constant 0 : index
    %get3A_19 = arith.constant 0 : index
    %get3A_20 = vector.load %arg3[%get3A_18, %get3A_19] : memref<4000x40xf32, #tpu.memory_space<vmem>>, vector<4000x40xf32>
    %get3A_21 = arith.constant 0 : index
    %get3A_22 = arith.constant 0 : index
    %get3A_23 = vector.load %arg2[%get3A_21, %get3A_22] : memref<4000x4xf32, #tpu.memory_space<vmem>>, vector<4000x4xf32>
    %get3A_24 = arith.constant 0 : index
    %get3A_25 = arith.constant 0 : index
    %get3A_26 = vector.load %arg6[%get3A_24, %get3A_25] : memref<40x80xf32, #tpu.memory_space<vmem>>, vector<40x80xf32>
    %dot_general3A_27 = arith.constant dense<0.000000e+00> : vector<4000x80xf32>
    %dot_general3A_28 = tpu.matmul %get3A_20, %get3A_26, %dot_general3A_27 {dimension_numbers = #tpu.dot_dimension_numbers<[1], [0], [0], [1], [0, 0, 1, 1], [], []>, transpose_lhs_hint = false} : vector<4000x40xf32>, vector<40x80xf32>, vector<4000x80xf32> -> vector<4000x80xf32>
    %get3A_29 = arith.constant 0 : index
    %get3A_30 = arith.constant 0 : index
    %get3A_31 = vector.load %arg7[%get3A_29, %get3A_30] : memref<4x80xf32, #tpu.memory_space<vmem>>, vector<4x80xf32>
    %dot_general3A_32 = arith.constant dense<0.000000e+00> : vector<4000x80xf32>
    %dot_general3A_33 = tpu.matmul %get3A_23, %get3A_31, %dot_general3A_32 {dimension_numbers = #tpu.dot_dimension_numbers<[1], [0], [0], [1], [0, 0, 1, 1], [], []>, transpose_lhs_hint = false} : vector<4000x4xf32>, vector<4x80xf32>, vector<4000x80xf32> -> vector<4000x80xf32>
    %get3A_34 = arith.constant 0 : index
    %get3A_35 = arith.constant 0 : index
    %get3A_36 = vector.load %arg8[%get3A_34, %get3A_35] : memref<1x80xf32, #tpu.memory_space<vmem>>, vector<1x80xf32>
    %add3A_37 = vector.broadcast %get3A_36 : vector<1x80xf32> to vector<4000x80xf32>
    %add3A_38 = arith.addf %dot_general3A_33, %add3A_37 : vector<4000x80xf32>
    %mul3A_39 = arith.mulf %dot_general3A_28, %add3A_38 : vector<4000x80xf32>
    %convert_element_type3A_40 = arith.truncf %mul3A_39 : vector<4000x80xf32> to vector<4000x80xbf16>
    %get3A_41 = arith.constant 0 : index
    %get3A_42 = arith.constant 0 : index
    %get3A_43 = vector.load %arg9[%get3A_41, %get3A_42] : memref<80x704xbf16, #tpu.memory_space<vmem>>, vector<80x704xbf16>
    %dot_general3A_44 = arith.constant dense<0.000000e+00> : vector<4000x704xf32>
    %dot_general3A_45 = tpu.matmul %convert_element_type3A_40, %get3A_43, %dot_general3A_44 {dimension_numbers = #tpu.dot_dimension_numbers<[1], [0], [0], [1], [0, 0, 1, 1], [], []>, transpose_lhs_hint = false} : vector<4000x80xbf16>, vector<80x704xbf16>, vector<4000x704xf32> -> vector<4000x704xf32>
    %convert_element_type3A_46 = arith.truncf %dot_general3A_45 : vector<4000x704xf32> to vector<4000x704xbf16>
    %mul3A_47 = arith.mulf %convert_element_type3A_17, %convert_element_type3A_46 : vector<4000x704xbf16>
    %get3A_48 = arith.constant 0 : index
    %get3A_49 = arith.constant 0 : index
    %get3A_50 = vector.load %arg10[%get3A_48, %get3A_49] : memref<704x64xbf16, #tpu.memory_space<vmem>>, vector<704x64xbf16>
    %dot_general3A_51 = arith.constant dense<0.000000e+00> : vector<4000x64xf32>
    %dot_general3A_52 = tpu.matmul %mul3A_47, %get3A_50, %dot_general3A_51 {dimension_numbers = #tpu.dot_dimension_numbers<[1], [0], [0], [1], [0, 0, 1, 1], [], []>, transpose_lhs_hint = false} : vector<4000x704xbf16>, vector<704x64xbf16>, vector<4000x64xf32> -> vector<4000x64xf32>
    %get3A_53 = arith.constant 0 : index
    %get3A_54 = arith.constant 0 : index
    %get3A_55 = vector.load %arg11[%get3A_53, %get3A_54] : memref<4x24xf32, #tpu.memory_space<vmem>>, vector<4x24xf32>
    %dot_general3A_56 = arith.constant dense<0.000000e+00> : vector<4000x24xf32>
    %dot_general3A_57 = tpu.matmul %get3A_23, %get3A_55, %dot_general3A_56 {dimension_numbers = #tpu.dot_dimension_numbers<[1], [0], [0], [1], [0, 0, 1, 1], [], []>, transpose_lhs_hint = false} : vector<4000x4xf32>, vector<4x24xf32>, vector<4000x24xf32> -> vector<4000x24xf32>
    %slice3A = vector.extract_strided_slice %dot_general3A_52 {offsets = [0, 16], sizes = [4000, 24], strides = [1, 1]} : vector<4000x64xf32> to vector<4000x24xf32>
    %mul3A_58 = arith.mulf %slice3A, %dot_general3A_57 : vector<4000x24xf32>
    %slice3A_59 = vector.extract_strided_slice %dot_general3A_52 {offsets = [0, 40], sizes = [4000, 24], strides = [1, 1]} : vector<4000x64xf32> to vector<4000x24xf32>
    %add3A_60 = arith.addf %mul3A_58, %slice3A_59 : vector<4000x24xf32>
    %slice3A_61 = vector.extract_strided_slice %dot_general3A_52 {offsets = [0, 0], sizes = [4000, 16], strides = [1, 1]} : vector<4000x64xf32> to vector<4000x16xf32>
    %concatenate3A = tpu.concatenate %slice3A_61, %add3A_60 in 1 : vector<4000x16xf32>, vector<4000x24xf32> -> vector<4000x40xf32>
    %swap3A = arith.constant 0 : index
    %swap3A_62 = arith.constant 0 : index
    %swap3A_63 = vector.load %arg12[%swap3A, %swap3A_62] : memref<4000x40xf32, #tpu.memory_space<vmem>>, vector<4000x40xf32>
    tpu.vector_store %arg12[%swap3A, %swap3A_62], %concatenate3A {strides = array<i32>} : memref<4000x40xf32, #tpu.memory_space<vmem>>, vector<4000x40xf32>,
    return
  }
  func.func @transform_0(%arg0: i32) -> (i32, i32) {
    %c0_i32 = arith.constant 0 : i32
    %c0_i32_0 = arith.constant 0 : i32
    return %arg0, %c0_i32 : i32, i32
  }
  func.func @transform_1(%arg0: i32) -> (i32, i32) {
    %c0_i32 = arith.constant 0 : i32
    %c0_i32_0 = arith.constant 0 : i32
    return %arg0, %c0_i32 : i32, i32
  }
  func.func @transform_2(%arg0: i32) -> (i32, i32) {
    %c0_i32 = arith.constant 0 : i32
    %c0_i32_0 = arith.constant 0 : i32
    return %arg0, %c0_i32 : i32, i32
  }
  func.func @transform_3(%arg0: i32) -> (i32, i32) {
    %c0_i32 = arith.constant 0 : i32
    %c0_i32_0 = arith.constant 0 : i32
    %c0_i32_1 = arith.constant 0 : i32
    return %c0_i32, %c0_i32_0 : i32, i32
  }
  func.func @transform_4(%arg0: i32) -> (i32, i32) {
    %c0_i32 = arith.constant 0 : i32
    %c0_i32_0 = arith.constant 0 : i32
    %c0_i32_1 = arith.constant 0 : i32
    return %c0_i32, %c0_i32_0 : i32, i32
  }
  func.func @transform_5(%arg0: i32) -> (i32, i32) {
    %c0_i32 = arith.constant 0 : i32
    %c0_i32_0 = arith.constant 0 : i32
    %c0_i32_1 = arith.constant 0 : i32
    return %c0_i32, %c0_i32_0 : i32, i32
  }
  func.func @transform_6(%arg0: i32) -> (i32, i32) {
    %c0_i32 = arith.constant 0 : i32
    %c0_i32_0 = arith.constant 0 : i32
    %c0_i32_1 = arith.constant 0 : i32
    return %c0_i32, %c0_i32_0 : i32, i32
  }
  func.func @transform_7(%arg0: i32) -> (i32, i32) {
    %c0_i32 = arith.constant 0 : i32
    %c0_i32_0 = arith.constant 0 : i32
    %c0_i32_1 = arith.constant 0 : i32
    return %c0_i32, %c0_i32_0 : i32, i32
  }
  func.func @transform_8(%arg0: i32) -> (i32, i32) {
    %c0_i32 = arith.constant 0 : i32
    %c0_i32_0 = arith.constant 0 : i32
    %c0_i32_1 = arith.constant 0 : i32
    return %c0_i32, %c0_i32_0 : i32, i32
  }
  func.func @transform_9(%arg0: i32) -> (i32, i32) {
    %c0_i32 = arith.constant 0 : i32
    %c0_i32_0 = arith.constant 0 : i32
    %c0_i32_1 = arith.constant 0 : i32
    return %c0_i32, %c0_i32_0 : i32, i32
  }
  func.func @transform_10(%arg0: i32) -> (i32, i32) {
    %c0_i32 = arith.constant 0 : i32
    %c0_i32_0 = arith.constant 0 : i32
    %c0_i32_1 = arith.constant 0 : i32
    return %c0_i32, %c0_i32_0 : i32, i32
  }
  func.func @transform_11(%arg0: i32) -> (i32, i32) {
    %c0_i32 = arith.constant 0 : i32
    %c0_i32_0 = arith.constant 0 : i32
    return %arg0, %c0_i32 : i32, i32
  }
}

module attributes {stable_mosaic.version = 14 : i64} {
  func.func @_final_body(%arg0: i32, %arg1: memref<2000x40xf32, #tpu.memory_space<vmem>>, %arg2: memref<2000x40xf32, #tpu.memory_space<vmem>>, %arg3: memref<2000x40xf32, #tpu.memory_space<vmem>>, %arg4: memref<16x16xf32, #tpu.memory_space<vmem>>, %arg5: memref<8x8xf32, #tpu.memory_space<vmem>>, %arg6: memref<24x24xf32, #tpu.memory_space<vmem>>, %arg7: memref<2000x40xf32, #tpu.memory_space<vmem>>) attributes {dimension_semantics = [#tpu.dimension_semantics<arbitrary>], iteration_bounds = array<i64: 5>, scalar_prefetch = 0 : i64, scratch_operands = 0 : i64, tpu.core_type = #tpu.core_type<tc>, window_params = [{transform_indices = @transform_0, window_bounds = array<i64: 2000, 40>}, {transform_indices = @transform_1, window_bounds = array<i64: 2000, 40>}, {transform_indices = @transform_2, window_bounds = array<i64: 2000, 40>}, {pipeline_mode = #tpu.pipeline_mode<synchronous>, transform_indices = @transform_3, window_bounds = array<i64: 16, 16>}, {pipeline_mode = #tpu.pipeline_mode<synchronous>, transform_indices = @transform_4, window_bounds = array<i64: 8, 8>}, {pipeline_mode = #tpu.pipeline_mode<synchronous>, transform_indices = @transform_5, window_bounds = array<i64: 24, 24>}, {transform_indices = @transform_6, window_bounds = array<i64: 2000, 40>}]} {
    %get3A = arith.constant 0 : index
    %get3A_0 = arith.constant 0 : index
    %get3A_1 = vector.load %arg1[%get3A, %get3A_0] : memref<2000x40xf32, #tpu.memory_space<vmem>>, vector<2000x40xf32>
    %get3A_2 = arith.constant 0 : index
    %get3A_3 = arith.constant 0 : index
    %get3A_4 = vector.load %arg2[%get3A_2, %get3A_3] : memref<2000x40xf32, #tpu.memory_space<vmem>>, vector<2000x40xf32>
    %add3A = arith.addf %get3A_1, %get3A_4 : vector<2000x40xf32>
    %slice3A = vector.extract_strided_slice %add3A {offsets = [0, 0], sizes = [2000, 16], strides = [1, 1]} : vector<2000x40xf32> to vector<2000x16xf32>
    %get3A_5 = arith.constant 0 : index
    %get3A_6 = arith.constant 0 : index
    %get3A_7 = vector.load %arg4[%get3A_5, %get3A_6] : memref<16x16xf32, #tpu.memory_space<vmem>>, vector<16x16xf32>
    %dot_general3A = arith.constant dense<0.000000e+00> : vector<2000x16xf32>
    %dot_general3A_8 = tpu.matmul %slice3A, %get3A_7, %dot_general3A {dimension_numbers = #tpu.dot_dimension_numbers<[1], [0], [0], [1], [0, 0, 1, 1], [], []>, transpose_lhs_hint = false} : vector<2000x16xf32>, vector<16x16xf32>, vector<2000x16xf32> -> vector<2000x16xf32>
    %mul3A = arith.constant 2.500000e-01 : f32
    %mul3A_9 = vector.broadcast %mul3A : f32 to vector<2000x16xf32>
    %mul3A_10 = arith.mulf %dot_general3A_8, %mul3A_9 : vector<2000x16xf32>
    %get3A_11 = arith.constant 0 : index
    %get3A_12 = arith.constant 0 : index
    %get3A_13 = vector.load %arg5[%get3A_11, %get3A_12] : memref<8x8xf32, #tpu.memory_space<vmem>>, vector<8x8xf32>
    %slice3A_14 = vector.extract_strided_slice %add3A {offsets = [0, 16], sizes = [2000, 8], strides = [1, 1]} : vector<2000x40xf32> to vector<2000x8xf32>
    %dot_general3A_15 = arith.constant dense<0.000000e+00> : vector<2000x8xf32>
    %dot_general3A_16 = tpu.matmul %slice3A_14, %get3A_13, %dot_general3A_15 {dimension_numbers = #tpu.dot_dimension_numbers<[1], [0], [0], [1], [0, 0, 1, 1], [], []>, transpose_lhs_hint = false} : vector<2000x8xf32>, vector<8x8xf32>, vector<2000x8xf32> -> vector<2000x8xf32>
    %mul3A_17 = arith.constant 0.353553385 : f32
    %mul3A_18 = vector.broadcast %mul3A_17 : f32 to vector<2000x8xf32>
    %mul3A_19 = arith.mulf %dot_general3A_16, %mul3A_18 : vector<2000x8xf32>
    %slice3A_20 = vector.extract_strided_slice %add3A {offsets = [0, 24], sizes = [2000, 8], strides = [1, 1]} : vector<2000x40xf32> to vector<2000x8xf32>
    %dot_general3A_21 = arith.constant dense<0.000000e+00> : vector<2000x8xf32>
    %dot_general3A_22 = tpu.matmul %slice3A_20, %get3A_13, %dot_general3A_21 {dimension_numbers = #tpu.dot_dimension_numbers<[1], [0], [0], [1], [0, 0, 1, 1], [], []>, transpose_lhs_hint = false} : vector<2000x8xf32>, vector<8x8xf32>, vector<2000x8xf32> -> vector<2000x8xf32>
    %mul3A_23 = arith.constant 0.353553385 : f32
    %mul3A_24 = vector.broadcast %mul3A_23 : f32 to vector<2000x8xf32>
    %mul3A_25 = arith.mulf %dot_general3A_22, %mul3A_24 : vector<2000x8xf32>
    %slice3A_26 = vector.extract_strided_slice %add3A {offsets = [0, 32], sizes = [2000, 8], strides = [1, 1]} : vector<2000x40xf32> to vector<2000x8xf32>
    %dot_general3A_27 = arith.constant dense<0.000000e+00> : vector<2000x8xf32>
    %dot_general3A_28 = tpu.matmul %slice3A_26, %get3A_13, %dot_general3A_27 {dimension_numbers = #tpu.dot_dimension_numbers<[1], [0], [0], [1], [0, 0, 1, 1], [], []>, transpose_lhs_hint = false} : vector<2000x8xf32>, vector<8x8xf32>, vector<2000x8xf32> -> vector<2000x8xf32>
    %mul3A_29 = arith.constant 0.353553385 : f32
    %mul3A_30 = vector.broadcast %mul3A_29 : f32 to vector<2000x8xf32>
    %mul3A_31 = arith.mulf %dot_general3A_28, %mul3A_30 : vector<2000x8xf32>
    %mul3A_32 = arith.mulf %mul3A_19, %mul3A_19 : vector<2000x8xf32>
    %mul3A_33 = arith.mulf %mul3A_25, %mul3A_25 : vector<2000x8xf32>
    %add3A_34 = arith.addf %mul3A_32, %mul3A_33 : vector<2000x8xf32>
    %mul3A_35 = arith.mulf %mul3A_31, %mul3A_31 : vector<2000x8xf32>
    %add3A_36 = arith.addf %add3A_34, %mul3A_35 : vector<2000x8xf32>
    %sqrt3A = math.sqrt %add3A_36 : vector<2000x8xf32>
    %max3A = arith.constant 9.99999993E-9 : f32
    %max3A_37 = vector.broadcast %max3A : f32 to vector<2000x8xf32>
    %max3A_38 = arith.maximumf %sqrt3A, %max3A_37 : vector<2000x8xf32>
    %lt3A = arith.constant 9.99999993E-9 : f32
    %lt3A_39 = vector.broadcast %lt3A : f32 to vector<2000x8xf32>
    %lt3A_40 = arith.cmpf olt, %sqrt3A, %lt3A_39 : vector<2000x8xf32>
    %neg3A = arith.constant 0.000000e+00 : f32
    %neg3A_41 = vector.broadcast %neg3A : f32 to vector<2000x8xf32>
    %neg3A_42 = arith.subf %neg3A_41, %sqrt3A : vector<2000x8xf32>
    %exp3A = math.exp %neg3A_42 : vector<2000x8xf32>
    %add3A_43 = arith.constant 1.000000e+00 : f32
    %add3A_44 = vector.broadcast %add3A_43 : f32 to vector<2000x8xf32>
    %add3A_45 = arith.addf %add3A_44, %exp3A : vector<2000x8xf32>
    %div3A = arith.constant 1.000000e+00 : f32
    %div3A_46 = vector.broadcast %div3A : f32 to vector<2000x8xf32>
    %div3A_47 = arith.divf %div3A_46, %add3A_45 : vector<2000x8xf32>
    %mul3A_48 = arith.mulf %sqrt3A, %div3A_47 : vector<2000x8xf32>
    %div3A_49 = arith.divf %mul3A_48, %max3A_38 : vector<2000x8xf32>
    %jit3A = arith.constant 0.000000e+00 : f32
    %broadcast_in_dim3A = vector.broadcast %jit3A : f32 to vector<2000x8xf32>
    %select_n3A = arith.select %lt3A_40, %broadcast_in_dim3A, %div3A_49 : vector<2000x8xi1>, vector<2000x8xf32>
    %neg3A_50 = arith.constant 0.000000e+00 : f32
    %neg3A_51 = vector.broadcast %neg3A_50 : f32 to vector<2000x16xf32>
    %neg3A_52 = arith.subf %neg3A_51, %mul3A_10 : vector<2000x16xf32>
    %exp3A_53 = math.exp %neg3A_52 : vector<2000x16xf32>
    %add3A_54 = arith.constant 1.000000e+00 : f32
    %add3A_55 = vector.broadcast %add3A_54 : f32 to vector<2000x16xf32>
    %add3A_56 = arith.addf %add3A_55, %exp3A_53 : vector<2000x16xf32>
    %div3A_57 = arith.constant 1.000000e+00 : f32
    %div3A_58 = vector.broadcast %div3A_57 : f32 to vector<2000x16xf32>
    %div3A_59 = arith.divf %div3A_58, %add3A_56 : vector<2000x16xf32>
    %mul3A_60 = arith.mulf %mul3A_10, %div3A_59 : vector<2000x16xf32>
    %mul3A_61 = arith.mulf %mul3A_19, %select_n3A : vector<2000x8xf32>
    %mul3A_62 = arith.mulf %mul3A_25, %select_n3A : vector<2000x8xf32>
    %mul3A_63 = arith.mulf %mul3A_31, %select_n3A : vector<2000x8xf32>
    %concatenate3A = tpu.concatenate %mul3A_61, %mul3A_62, %mul3A_63 in 1 : vector<2000x8xf32>, vector<2000x8xf32>, vector<2000x8xf32> -> vector<2000x24xf32>
    %get3A_64 = arith.constant 0 : index
    %get3A_65 = arith.constant 0 : index
    %get3A_66 = vector.load %arg6[%get3A_64, %get3A_65] : memref<24x24xf32, #tpu.memory_space<vmem>>, vector<24x24xf32>
    %dot_general3A_67 = arith.constant dense<0.000000e+00> : vector<2000x24xf32>
    %dot_general3A_68 = tpu.matmul %concatenate3A, %get3A_66, %dot_general3A_67 {dimension_numbers = #tpu.dot_dimension_numbers<[1], [0], [0], [1], [0, 0, 1, 1], [], []>, transpose_lhs_hint = false} : vector<2000x24xf32>, vector<24x24xf32>, vector<2000x24xf32> -> vector<2000x24xf32>
    %get3A_69 = arith.constant 0 : index
    %get3A_70 = arith.constant 0 : index
    %get3A_71 = vector.load %arg3[%get3A_69, %get3A_70] : memref<2000x40xf32, #tpu.memory_space<vmem>>, vector<2000x40xf32>
    %concatenate3A_72 = tpu.concatenate %mul3A_60, %dot_general3A_68 in 1 : vector<2000x16xf32>, vector<2000x24xf32> -> vector<2000x40xf32>
    %add3A_73 = arith.addf %get3A_71, %concatenate3A_72 : vector<2000x40xf32>
    %swap3A = arith.constant 0 : index
    %swap3A_74 = arith.constant 0 : index
    %swap3A_75 = vector.load %arg7[%swap3A, %swap3A_74] : memref<2000x40xf32, #tpu.memory_space<vmem>>, vector<2000x40xf32>
    tpu.vector_store %arg7[%swap3A, %swap3A_74], %add3A_73 {strides = array<i32>} : memref<2000x40xf32, #tpu.memory_space<vmem>>, vector<2000x40xf32>,
    return
  }
  func.func @transform_0(%arg0: i32) -> (i32, i32) {
    %c0_i32 = arith.constant 0 : i32
    %c0_i32_0 = arith.constant 0 : i32
    return %arg0, %c0_i32 : i32, i32
  }
  func.func @transform_1(%arg0: i32) -> (i32, i32) {
    %c0_i32 = arith.constant 0 : i32
    %c0_i32_0 = arith.constant 0 : i32
    return %arg0, %c0_i32 : i32, i32
  }
  func.func @transform_2(%arg0: i32) -> (i32, i32) {
    %c0_i32 = arith.constant 0 : i32
    %c0_i32_0 = arith.constant 0 : i32
    return %arg0, %c0_i32 : i32, i32
  }
  func.func @transform_3(%arg0: i32) -> (i32, i32) {
    %c0_i32 = arith.constant 0 : i32
    %c0_i32_0 = arith.constant 0 : i32
    %c0_i32_1 = arith.constant 0 : i32
    return %c0_i32, %c0_i32_0 : i32, i32
  }
  func.func @transform_4(%arg0: i32) -> (i32, i32) {
    %c0_i32 = arith.constant 0 : i32
    %c0_i32_0 = arith.constant 0 : i32
    %c0_i32_1 = arith.constant 0 : i32
    return %c0_i32, %c0_i32_0 : i32, i32
  }
  func.func @transform_5(%arg0: i32) -> (i32, i32) {
    %c0_i32 = arith.constant 0 : i32
    %c0_i32_0 = arith.constant 0 : i32
    %c0_i32_1 = arith.constant 0 : i32
    return %c0_i32, %c0_i32_0 : i32, i32
  }
  func.func @transform_6(%arg0: i32) -> (i32, i32) {
    %c0_i32 = arith.constant 0 : i32
    %c0_i32_0 = arith.constant 0 : i32
    return %arg0, %c0_i32 : i32, i32
  }
}

</mosaic_0001>

<sc_bundles>
// kernel: kernel.6.cloned.1.call-start
scs
__scs_entry_jumppad:
0x0: {  	(pc) =	sbr.rel $0x88, $3  }
0x1: {  	(tag) =	ssettag $0x0;
	lr =	simm.s32 $0x1  }
0x2: {  	[smem:$0x3F99] =	sst lr;
	_ =	strace $0xD0000000  }
0x3: {  	_ = 	snop  }
0x4: {  	_ = 	snop  }
0x5: {  	_ = 	snop  }
0x6: {  	_ = 	snop  }
0x7: {  	_ = 	snop  }
__scs_overlays_trampoline_lowered:
0x8: {  	[smem:$0x3FA8] =	sst s0  }
0x9: {  	[smem:$0x3FA9] =	sst s1  }
0xa: {  	[smem:$0x3FAA] =	sst s2  }
0xb: {  	[smem:$0x3FAB] =	sst s3  }
0xc: {  	[smem:$0x3FAC] =	sst s4  }
0xd: {  	[smem:$0x3FAD] =	sst s5  }
0xe: {  	[smem:$0x3FAE] =	sst s6  }
0xf: {  	[smem:$0x3FAF] =	sst s7  }
0x10: {  	[smem:$0x3FB0] =	sst s8  }
0x11: {  	[smem:$0x3FB1] =	sst s9;
	s0 =	simm.s32 @!p0 $0x0  }
0x12: {  	s1 =	sld [smem:$0x3F97];
	s0 =	simm.s32 @p0 $0x1  }
0x13: {  	[smem:$0x3FB2] =	sst s0;
	s0 =	simm.s32 @!p1 $0x0  }
0x14: {  	s2 =	sld [smem:$0x3F96];
	s0 =	simm.s32 @p1 $0x1  }
0x15: {  	[smem:$0x3FB3] =	sst s0;
	s0 =	simm.s32 @!p2 $0x0  }
0x16: {  	s3 =	sld [smem:$0x3FDB];
	s0 =	simm.s32 @p2 $0x1  }
0x17: {  	s4 =	simm.s32 $0x1BF5;
	[smem:$0x3FB5] =	sst s0  }
0x18: {  	s0 =	sld [smem:$0x3F98];
	_ =	swait.ge [sflag:s4], $0x0  }
0x19: {  	s7 =	sld [smem:$0x3F99]  }
0x1a: {  	s8 =	sadd.s32 $0xFFFFE003, lr  }
0x1b: {  	s9 =	sadd.s32 $0xFFFFFEF7, lr;
	s5 =	simm.s32 $0xFFFFFFFF;
	p2 =	slt.u32 s8, $0xFFFFF086  }
0x1c: {  	p1 =	slt.u32 s9, $0xF7A;
	s5 =	simm.s32 @!p2 $0x0  }
0x1d: {  	s5 =	simm.s32 @p1 $0x1;
	p0 =	seq.s32 s7, s2  }
0x1e: {  	s7 =	smul.u32 @!p0 $0xF7A, s2;
	p2 =	seq.s32 @!p0 s5, $0x0  }
0x1f: {  	s9 =	smul.u32 $0xF7A, s1;
	s8 =	simm.s32 @!p0 $0x1BF5;
	p2 =	por !p2, p0  }
0x20: {  	[sflag:s8] =	ssyncset.s32 @!p0 $0xFFFFF086;
	s6 =	sadd.s32 @!p0 s3, s7;
	s7 =	simm.s32 @!p0 $0x108  }
0x21: {  	s3 =	sadd.s32 s3, s9;
	s6 =	sadd.s32 @!p0 $0x88, s6;
	s7 =	simm.s32 @p2 $0x1082  }
0x22: {  	[simem:s7], [sflag:s8] =	dma.local @!p0 [hbm:s6], $0xF7A  }
0x23: {  	s9 =	sor.u32 $0xD0000000, s2;
	s6 =	simm.s32 $0x108;
	_ =	swait.ge @!p0 [sflag:s8], $0x0  }
0x24: {  	s3 =	sadd.s32 $0x88, s3;
	s6 =	simm.s32 @!p1 $0x1082;
	[sflag:s4] =	ssyncset.s32 $0xFFFFF086  }
0x25: {  	[simem:s6], [sflag:s4] =	dma.local [hbm:s3], $0xF7A  }
0x26: {  	[smem:$0x3F99] =	sst s1;
	(tag) =	ssettag s2;
	_ =	strace s9  }
0x27: {  	s1 =	sld [smem:$0x3FA9]  }
0x28: {  	s2 =	sld [smem:$0x3FAA]  }
0x29: {  	s4 =	sld [smem:$0x3FAC]  }
0x2a: {  	p0 =	seq.s32 s5, $0x0;
	s5 =	sld [smem:$0x3FAD]  }
0x2b: {  	s6 =	sld [smem:$0x3FAE]  }
0x2c: {  	s7 =	sld [smem:$0x3FAF]  }
0x2d: {  	s3 =	simm.s32 $0x108;
	s8 =	sld [smem:$0x3FB0]  }
0x2e: {  	s3 =	simm.s32 @!p0 $0x1082;
	s9 =	sld [smem:$0x3FB1]  }
0x2f: {  	lr =	sadd.s32 s0, s3;
	s0 =	sld [smem:$0x3FA8]  }
0x30: {  	s3 =	sld [smem:$0x3FAB]  }
0x31: {  	[smem:$0x3FB4] =	sst s10  }
0x32: {  	s10 =	sld [smem:$0x3FB2];
	_ =	sdelay $0x3  }
0x33: {  	p0 =	seq.s32 s10, $0x1;
	s10 =	sld [smem:$0x3FB4];
	_ =	sdelay $0x3  }
0x34: {  	[smem:$0x3FB4] =	sst s10  }
0x35: {  	s10 =	sld [smem:$0x3FB3];
	_ =	sdelay $0x3  }
0x36: {  	p1 =	seq.s32 s10, $0x1;
	s10 =	sld [smem:$0x3FB4];
	_ =	sdelay $0x3  }
0x37: {  	[smem:$0x3FB4] =	sst s10  }
0x38: {  	s10 =	sld [smem:$0x3FB5]  }
0x39: {  	_ = 	snop;
	(pc) =	sbr.ind lr, $3  }
0x3a: {  	_ = 	snop  }
0x3b: {  	_ = 	snop  }
0x3c: {  	p2 =	seq.s32 s10, $0x1;
	s10 =	sld [smem:$0x3FB4]  }
0x3d: {  	_ =	shalt  }
0x3e: {  	_ =	shalt  }
0x3f: {  	_ =	shalt  }
0x40: {  	_ =	shalt  }
0x41: {  	_ =	shalt  }
0x42: {  	_ =	shalt  }
0x43: {  	_ =	shalt  }
0x44: {  	_ =	shalt  }
0x45: {  	_ =	shalt  }
0x46: {  	_ =	shalt  }
0x47: {  	_ =	shalt  }
0x48: {  	_ =	shalt  }
0x49: {  	_ =	shalt  }
0x4a: {  	_ =	shalt  }
0x4b: {  	_ =	shalt  }
0x4c: {  	_ =	shalt  }
0x4d: {  	_ =	shalt  }
0x4e: {  	_ =	shalt  }
0x4f: {  	_ =	shalt  }
0x50: {  	_ =	shalt  }
0x51: {  	_ =	shalt  }
0x52: {  	_ =	shalt  }
0x53: {  	_ =	shalt  }
0x54: {  	_ =	shalt  }
0x55: {  	_ =	shalt  }
0x56: {  	_ =	shalt  }
0x57: {  	_ =	shalt  }
0x58: {  	_ =	shalt  }
0x59: {  	_ =	shalt  }
0x5a: {  	_ =	shalt  }
0x5b: {  	_ =	shalt  }
0x5c: {  	_ =	shalt  }
0x5d: {  	_ =	shalt  }
0x5e: {  	_ =	shalt  }
0x5f: {  	_ =	shalt  }
0x60: {  	_ =	shalt  }
0x61: {  	_ =	shalt  }
0x62: {  	_ =	shalt  }
0x63: {  	_ =	shalt  }
0x64: {  	_ =	shalt  }
0x65: {  	_ =	shalt  }
0x66: {  	_ =	shalt  }
0x67: {  	_ =	shalt  }
0x68: {  	_ =	shalt  }
0x69: {  	_ =	shalt  }
0x6a: {  	_ =	shalt  }
0x6b: {  	_ =	shalt  }
0x6c: {  	_ =	shalt  }
0x6d: {  	_ =	shalt  }
0x6e: {  	_ =	shalt  }
0x6f: {  	_ =	shalt  }
0x70: {  	_ =	shalt  }
0x71: {  	_ =	shalt  }
0x72: {  	_ =	shalt  }
0x73: {  	_ =	shalt  }
0x74: {  	_ =	shalt  }
0x75: {  	_ =	shalt  }
0x76: {  	_ =	shalt  }
0x77: {  	_ =	shalt  }
0x78: {  	_ =	shalt  }
0x79: {  	_ =	shalt  }
0x7a: {  	_ =	shalt  }
0x7b: {  	_ =	shalt  }
0x7c: {  	_ =	shalt  }
0x7d: {  	_ =	shalt  }
0x7e: {  	_ =	shalt  }
0x7f: {  	_ =	shalt  }
0x80: {  	_ =	shalt  }
0x81: {  	_ =	shalt  }
0x82: {  	_ =	shalt  }
0x83: {  	_ =	shalt  }
0x84: {  	_ =	shalt  }
0x85: {  	_ =	shalt  }
0x86: {  	_ =	shalt  }
0x87: {  	_ =	shalt  }
.Lfunc_end0:
.L_simem_size_0:
called_computation_lowered:
.L_overlay_start_0:
0x88: {  	s2 =	sld [smem:$0x3FD9]  }
0x89: {  	s3 =	sld [smem:$0x3FFE];
	_ =	sdelay $0x1  }
0x8a: {  	s1 =	srdreg.scid  }
0x8b: {  	s0 =	sand.u32 $0x1, s1  }
0x8c: {  	s17 =	sshll.u32 s0, $0xA;
	s2 =	sadd.s32 s3, s2  }
0x8d: {  	s2 =	sadd.s32 s2, s17  }
0x8e: {  	[smem:$0x3FC0] =	sst s2  }
0x8f: {  	_ = 	snop  }
0x90: {  	s2 =	sld [smem:$0x3FD0];
	(tm) =	ssettm $0x1  }
0x91: {  	s18 =	sld [smem:$0x3FFB];
	_ =	sdelay $0x3  }
0x92: {  	_ =	strace s18  }
0x93: {  	s3 =	sld [smem:$0x3FFC];
	_ =	sdelay $0x3  }
0x94: {  	_ =	strace s3  }
0x95: {  	s3 =	sld [smem:$0x3FFD];
	_ =	sdelay $0x3  }
0x96: {  	_ =	strace s3  }
0x97: {  	_ =	strace $0x8FFFFFFF  }
0x98: {  	s19 =	sld [smem:$0x3FDB];
	_ =	sdelay $0x1  }
0x99: {  	s4 =	simm.s32 $_scs_section_size  }
0x9a: {  	s5 =	simm.s32 $_size__tile_overlayer_lowered;
	s6 =	simm.s32 $_tile_overlayer_lowered  }
0x9b: {  	s22 =	simm.s32 $0x1BFF;
	s21 =	sshll.u32 s6, $0x1;
	s3 =	sadd.s32 s4, s19  }
0x9c: {  	s7 =	simm.s32 $0x0;
	s20 =	sshll.u32 s5, $0x1;
	s5 =	sadd.s32 s21, s3  }
0x9d: {  	[timem:s7], [sflag:s22] =	dma.local [hbm:s5], s20  }
0x9e: {  	_ =	swait.ge [sflag:s22], s20  }
0x9f: {  	s4 =	ssub.s32 $0x0, s20;
	[sflag:s22] =	ssyncset.done $0x0  }
0xa0: {  	[sflag:s22] =	ssyncadd.s32 s4;
	_ =	sdelay $0x1  }
0xa1: {  	s23 =	simm.s32 $0x1B8B  }
0xa2: {  	_ =	swait.ge [sflag:s23], $0x1  }
0xa3: {  	[sflag:s23] =	ssyncset.done $0x0  }
0xa4: {  	s25 =	simm.s32 $0x1B8E;
	s24 =	sld [smem:$0x3FFE];
	[sflag:s23] =	ssyncadd.s32 $0xFFFFFFFF  }
0xa5: {  	s26 =	simm.s32 $execute0_lowered;
	[smem:$0x3FD2] =	sst s25  }
0xa6: {  	s5 =	sshll.u32 s26, $0x1;
	_ =	strace $0x80000046;
	[dreg:$0x1] =	wrdreg $0xFFFFFFFF  }
0xa7: {  	s28 =	simm.s32 $_size_execute0_lowered;
	s3 =	sadd.s32 s3, s5;
	[dreg:$0x0] =	wrdreg $0x0  }
0xa8: {  	s5 =	sshll.u32 s28, $0x1;
	[dreg:$0x2] =	wrdreg s3  }
0xa9: {  	[dreg:$0x3] =	wrdreg s5  }
0xaa: {  	[dreg:$0x4] =	wrdreg $0xC0  }
0xab: {  	_ =	task [dreg:s7], $0x5FFFF  }
0xac: {  	[dreg:$0x1] =	wrdreg $0xFFFFFFFF  }
0xad: {  	[dreg:$0x0] =	wrdreg $0x60  }
0xae: {  	[dreg:$0x2] =	wrdreg s2  }
0xaf: {  	[dreg:$0x3] =	wrdreg s24  }
0xb0: {  	[dreg:$0x4] =	wrdreg $0x9  }
0xb1: {  	_ =	task.clear_ibuf [dreg:s7], $0x5FFFF;
	_ =	strace $0x90000046  }
0xb2: {  	s29 =	simm.s32 $0x9;
	_ =	strace $0x80000048  }
0xb3: {  	_ =	swait.ge [sflag:s29], $0x1  }
0xb4: {  	[sflag:s29] =	ssyncadd.s32 $0xFFFFFFFF  }
0xb5: {  	_ =	strace $0x90000048  }
0xb6: {  	_ =	sfence  }
0xb7: {  	s30 =	sld [smem:$0x0];
	_ =	sdelay $0x2  }
0xb8: {  	s31 =	sshll.u32 s1, $0xD;
	s1 =	sshrl.u32 s1, $0x2  }
0xb9: {  	s3 =	sand.u32 $0x4000, s31;
	s1 =	sadd.s32 s1, s30  }
0xba: {  	s0 =	sor.u32 s3, s0;
	s1 =	sshll.u32 s1, $0x11  }
0xbb: {  	s0 =	sor.u32 s1, s0  }
0xbc: {  	s0 =	sadd.s32 $0x8F2B, s0  }
0xbd: {  	[sflag:s0] =	ssyncadd.remote.s32 $0x1  }
0xbe: {  	_ =	sfence.sel $0xFFFF  }
0xbf: {  	[dreg:$0x0] =	wrdreg $0xFFFFFFFF;
	(pc) =	sbr.abs _section_cstart, $3  }
0xc0: {  	[dreg:$0x1] =	wrdreg $0xFFFFFFFF  }
0xc1: {  	_ =	task.clear_ibuf [dreg:s7], $0x2FFFF;
	_ =	strace $0x9FFFFFFF  }
0xc2: {  	(tm) =	ssettm $0x7FFFFFFF  }
0xc3: {  	_ =	shalt  }
tec
execute0_lowered:
.L_overlay_start_1:
0x0: {  	(tag) =	ssettag $0x1  }
0x1: {  	s0 =	rddreg [dreg:$0x0];
	s1 =	srdreg.scid  }
0x2: {  	s6 =	stileid.u32;
	s5 =	rddreg [dreg:$0x1];
	s2 =	simm.s32 $0x0  }
0x3: {  	s12 =	simm.s32 $0x80;
	s18 =	simm.s32 $0x1;
	s20 =	simm.s32 $0x1C00  }
0x4: {  	s13 =	simm.s32 $0xBC00;
	s14 =	simm.s32 $0x500;
	s15 =	simm.s32 $0xD000  }
0x5: {  	s16 =	simm.s32 $0x580;
	s17 =	simm.s32 $0xE400;
	s29 =	simm.s32 $0xF800  }
0x6: {  	s28 =	simm.s32 $0x10C00;
	s30 =	simm.s32 $0x12000;
	s23 =	simm.s32 $0x780  }
0x7: {  	s1 =	sand.u32 $0x1, s1;
	s3 =	sshll.u32 s6, $0x1;
	[smem:$0x7FF] =	sst s2  }
0x8: {  	s4 =	sadd.s32 $0x2AE00, s5;
	s5 =	sadd.s32 $0x34E00, s5;
	p0 =	sne.s32 s6, $0x0  }
0x9: {  	s6 =	simm.s32 $0x380;
	s3 =	sor.u32 s1, s3;
	_ =	strace $0x80000047  }
0xa: {  	s8 =	sshll.u32 s1, $0x7;
	s1 =	ssub.s32 $0x2, s1;
	[dreg:$0x9] =	wrdreg s4  }
0xb: {  	s3 =	smul.u32 $0x1380, s3;
	s8 =	sor.u32 $0x27000, s8;
	s10 =	sshrl.u32 s1, $0x1  }
0xc: {  	[dreg:$0xa] =	wrdreg s5;
	s11 =	smul.u32 $0x5, s8;
	s1 =	ssub.s32 s1, s10  }
0xd: {  	s25 =	sshrl.u32 s8, $0x3;
	s8 =	simm.s32 $0x400;
	s7 =	sadd.s32 $0x1000, s3  }
0xe: {  	[dreg:$0x8] =	wrdreg s3;
	s1 =	smax.u32 s1, $0x1;
	s9 =	smul.u32 $0x5, s7  }
0xf: {  	s7 =	sshrl.u32 s7, $0x3;
	s31 =	sadd.s32 s5, s11;
	[dreg:$0x7] =	wrdreg s1  }
0x10: {  	s10 =	simm.s32 $0x480;
	s7 =	sadd.s32 s4, s7;
	[dreg:$0x6] =	wrdreg s31  }
0x11: {  	s11 =	simm.s32 $0x2;
	s1 =	simm.s32 $0x0;
	[dreg:$0x3] =	wrdreg s7  }
0x12: {  	s26 =	sadd.s32 s5, s9;
	s7 =	sadd.s32 s4, s25;
	s9 =	simm.s32 $0xA800  }
0x13: {  	s5 =	simm.s32 $0x680;
	s25 =	simm.s32 $0x13400;
	[dreg:$0x4] =	wrdreg s26  }
0x14: {  	[dreg:$0x5] =	wrdreg s7;
	s7 =	simm.s32 $0x9400;
	s26 =	simm.s32 $0x700  }
.LBB2_1:
0x15: {  	[dreg:$0xb] =	wrdreg s1  }
0x16: {  	s4 =	rddreg [dreg:$0x8]  }
0x17: {  	p1 =	por $0x1, $0x1;
	s31 =	rddreg [dreg:$0x9]  }
0x18: {  	s24 =	simm.s32 $0x0;
	s3 =	simm.s32 $0x600;
	s1 =	rddreg [dreg:$0xa]  }
.LBB2_2:
0x19: {  	s19 =	sadd.s32 s4, s24  }
0x1a: {  	s24 =	sshrl.u32 s19, $0x3  }
0x1b: {  	s24 =	sadd.s32 s31, s24  }
0x1c: {  	[tilespmem:s2], [sflag:$0x2] =	stream.linear.gather [hbm4b:s24+s2], $0x800, $0x38;
	[tilespmem:$0x14800] =	vst v63  }
0x1d: {  	_ =	swait.ge [sflag:s11], $0x800  }
0x1e: {  	[sflag:s11] =	ssyncset.done $0x0  }
0x1f: {  	s24 =	simm.s32 $0x800;
	[sflag:s11] =	ssyncadd.s32 $0xFFFFF800  }
0x20: {  	[tilespmem:s24], [sflag:$0x1] =	stream.indirect.gather [hbm4b:s0+s12], $0x28, s2, s12, $0xb8;
	[tilespmem:$0x14800] =	vst v63  }
0x21: {  	_ = 	snop  }
0x22: {  	[tilespmem:s20], [sflag:$0x1] =	stream.indirect.gather [hbm4b:s0+s12], $0x28, s12, s12, $0xb8;
	[tilespmem:$0x14800] =	vst v63  }
0x23: {  	s22 =	simm.s32 $0x100;
	s21 =	simm.s32 $0x3000  }
0x24: {  	[tilespmem:s21], [sflag:$0x1] =	stream.indirect.gather [hbm4b:s0+s12], $0x28, s22, s12, $0xb8;
	[tilespmem:$0x14800] =	vst v63  }
0x25: {  	s22 =	simm.s32 $0x4400;
	s21 =	simm.s32 $0x180  }
0x26: {  	[tilespmem:s22], [sflag:$0x1] =	stream.indirect.gather [hbm4b:s0+s12], $0x28, s21, s12, $0xb8;
	[tilespmem:$0x14800] =	vst v63  }
0x27: {  	s22 =	simm.s32 $0x5800;
	s21 =	simm.s32 $0x200  }
0x28: {  	[tilespmem:s22], [sflag:$0x1] =	stream.indirect.gather [hbm4b:s0+s12], $0x28, s21, s12, $0xb8;
	[tilespmem:$0x14800] =	vst v63  }
0x29: {  	s21 =	simm.s32 $0x6C00;
	s22 =	simm.s32 $0x280  }
0x2a: {  	[tilespmem:s21], [sflag:$0x1] =	stream.indirect.gather [hbm4b:s0+s12], $0x28, s22, s12, $0xb8;
	[tilespmem:$0x14800] =	vst v63  }
0x2b: {  	s21 =	simm.s32 $0x8000;
	s22 =	simm.s32 $0x300  }
0x2c: {  	[tilespmem:s21], [sflag:$0x1] =	stream.indirect.gather [hbm4b:s0+s12], $0x28, s22, s12, $0xb8;
	[tilespmem:$0x14800] =	vst v63  }
0x2d: {  	_ = 	snop  }
0x2e: {  	[tilespmem:s7], [sflag:$0x1] =	stream.indirect.gather [hbm4b:s0+s12], $0x28, s6, s12, $0xb8;
	[tilespmem:$0x14800] =	vst v63  }
0x2f: {  	_ = 	snop  }
0x30: {  	[tilespmem:s9], [sflag:$0x1] =	stream.indirect.gather [hbm4b:s0+s12], $0x28, s8, s12, $0xb8;
	[tilespmem:$0x14800] =	vst v63  }
0x31: {  	_ = 	snop  }
0x32: {  	[tilespmem:s13], [sflag:$0x1] =	stream.indirect.gather [hbm4b:s0+s12], $0x28, s10, s12, $0xb8;
	[tilespmem:$0x14800] =	vst v63  }
0x33: {  	_ = 	snop  }
0x34: {  	[tilespmem:s15], [sflag:$0x1] =	stream.indirect.gather [hbm4b:s0+s12], $0x28, s14, s12, $0xb8;
	[tilespmem:$0x14800] =	vst v63  }
0x35: {  	_ = 	snop  }
0x36: {  	[tilespmem:s17], [sflag:$0x1] =	stream.indirect.gather [hbm4b:s0+s12], $0x28, s16, s12, $0xb8;
	[tilespmem:$0x14800] =	vst v63  }
0x37: {  	_ = 	snop  }
0x38: {  	[tilespmem:s29], [sflag:$0x1] =	stream.indirect.gather [hbm4b:s0+s12], $0x28, s3, s12, $0xb8;
	[tilespmem:$0x14800] =	vst v63  }
0x39: {  	_ = 	snop  }
0x3a: {  	[tilespmem:s28], [sflag:$0x1] =	stream.indirect.gather [hbm4b:s0+s12], $0x28, s5, s12, $0xb8;
	[tilespmem:$0x14800] =	vst v63  }
0x3b: {  	_ = 	snop  }
0x3c: {  	[tilespmem:s30], [sflag:$0x1] =	stream.indirect.gather [hbm4b:s0+s12], $0x28, s26, s12, $0xb8;
	[tilespmem:$0x14800] =	vst v63  }
0x3d: {  	_ = 	snop  }
0x3e: {  	[tilespmem:s25], [sflag:$0x1] =	stream.indirect.gather [hbm4b:s0+s12], $0x28, s23, s12, $0xb8;
	[tilespmem:$0x14800] =	vst v63  }
0x3f: {  	_ =	swait.ge [sflag:s18], $0x1400  }
0x40: {  	[sflag:s18] =	ssyncset.done $0x0  }
0x41: {  	[sflag:s18] =	ssyncadd.s32 $0xFFFFEC00  }
0x42: {  	_ =	swait.ge [sflag:s18], $0x1400  }
0x43: {  	[sflag:s18] =	ssyncset.done $0x0  }
0x44: {  	[sflag:s18] =	ssyncadd.s32 $0xFFFFEC00  }
0x45: {  	_ =	swait.ge [sflag:s18], $0x1400  }
0x46: {  	[sflag:s18] =	ssyncset.done $0x0  }
0x47: {  	[sflag:s18] =	ssyncadd.s32 $0xFFFFEC00  }
0x48: {  	_ =	swait.ge [sflag:s18], $0x1400  }
0x49: {  	[sflag:s18] =	ssyncset.done $0x0  }
0x4a: {  	[sflag:s18] =	ssyncadd.s32 $0xFFFFEC00  }
0x4b: {  	_ =	swait.ge [sflag:s18], $0x1400  }
0x4c: {  	[sflag:s18] =	ssyncset.done $0x0  }
0x4d: {  	[sflag:s18] =	ssyncadd.s32 $0xFFFFEC00  }
0x4e: {  	_ =	swait.ge [sflag:s18], $0x1400  }
0x4f: {  	[sflag:s18] =	ssyncset.done $0x0  }
0x50: {  	[sflag:s18] =	ssyncadd.s32 $0xFFFFEC00  }
0x51: {  	_ =	swait.ge [sflag:s18], $0x1400  }
0x52: {  	[sflag:s18] =	ssyncset.done $0x0  }
0x53: {  	[sflag:s18] =	ssyncadd.s32 $0xFFFFEC00  }
0x54: {  	_ =	swait.ge [sflag:s18], $0x1400  }
0x55: {  	[sflag:s18] =	ssyncset.done $0x0  }
0x56: {  	[sflag:s18] =	ssyncadd.s32 $0xFFFFEC00  }
0x57: {  	_ =	swait.ge [sflag:s18], $0x1400  }
0x58: {  	[sflag:s18] =	ssyncset.done $0x0  }
0x59: {  	[sflag:s18] =	ssyncadd.s32 $0xFFFFEC00  }
0x5a: {  	_ =	swait.ge [sflag:s18], $0x1400  }
0x5b: {  	[sflag:s18] =	ssyncset.done $0x0  }
0x5c: {  	[sflag:s18] =	ssyncadd.s32 $0xFFFFEC00  }
0x5d: {  	_ =	swait.ge [sflag:s18], $0x1400  }
0x5e: {  	[sflag:s18] =	ssyncset.done $0x0  }
0x5f: {  	[sflag:s18] =	ssyncadd.s32 $0xFFFFEC00  }
0x60: {  	_ =	swait.ge [sflag:s18], $0x1400  }
0x61: {  	[sflag:s18] =	ssyncset.done $0x0  }
0x62: {  	[sflag:s18] =	ssyncadd.s32 $0xFFFFEC00  }
0x63: {  	_ =	swait.ge [sflag:s18], $0x1400  }
0x64: {  	[sflag:s18] =	ssyncset.done $0x0  }
0x65: {  	[sflag:s18] =	ssyncadd.s32 $0xFFFFEC00  }
0x66: {  	_ =	swait.ge [sflag:s18], $0x1400  }
0x67: {  	[sflag:s18] =	ssyncset.done $0x0  }
0x68: {  	[sflag:s18] =	ssyncadd.s32 $0xFFFFEC00  }
0x69: {  	_ =	swait.ge [sflag:s18], $0x1400  }
0x6a: {  	[sflag:s18] =	ssyncset.done $0x0  }
0x6b: {  	[sflag:s18] =	ssyncadd.s32 $0xFFFFEC00  }
0x6c: {  	s19 =	smul.u32 $0x5, s19;
	_ =	swait.ge [sflag:s18], $0x1400  }
0x6d: {  	p2 =	por p1, p1;
	[sflag:s18] =	ssyncset.done $0x0  }
.Ltmp0:
0x6e: {  	s19 =	sadd.s32 s1, s19;
	[sflag:s18] =	ssyncadd.s32 $0xFFFFEC00;
	(pc) =	sbr.rel @p2 .LBB2_2-.Ltmp0, $4  }
0x6f: {  	[hbm4b:s19+s2] =	stream.linear.scatter [tilespmem:s24], [sflag:$0x2], $0x14000, $0x38;
	[tilespmem:$0x14800] =	vst v63  }
0x70: {  	_ =	swait.ge [sflag:s11], $0x14000  }
0x71: {  	[sflag:s11] =	ssyncset.done $0x0  }
0x72: {  	p1 =	por $0x0, $0x0;
	[sflag:s11] =	ssyncadd.s32 $0xFFFEC000  }
0x73: {  	s19 =	rddreg [dreg:$0x3]  }
0x74: {  	[tilespmem:s2], [sflag:$0x2] =	stream.linear.gather [hbm4b:s19+s2], $0x380, $0x38;
	[tilespmem:$0x14800] =	vst v63  }
0x75: {  	_ =	swait.ge [sflag:s11], $0x380  }
0x76: {  	[sflag:s11] =	ssyncset.done $0x0  }
0x77: {  	s1 =	simm.s32 $0x800;
	[sflag:s11] =	ssyncadd.s32 $0xFFFFFC80  }
0x78: {  	[tilespmem:s1], [sflag:$0x1] =	stream.indirect.gather [hbm4b:s0+s12], $0x28, s2, s12, $0xb8;
	[tilespmem:$0x14800] =	vst v63  }
0x79: {  	_ = 	snop  }
0x7a: {  	[tilespmem:s20], [sflag:$0x1] =	stream.indirect.gather [hbm4b:s0+s12], $0x28, s12, s12, $0xb8;
	[tilespmem:$0x14800] =	vst v63  }
0x7b: {  	s3 =	simm.s32 $0x100;
	s4 =	simm.s32 $0x3000  }
0x7c: {  	[tilespmem:s4], [sflag:$0x1] =	stream.indirect.gather [hbm4b:s0+s12], $0x28, s3, s12, $0xb8;
	[tilespmem:$0x14800] =	vst v63  }
0x7d: {  	s19 =	simm.s32 $0x180;
	s4 =	simm.s32 $0x4400  }
0x7e: {  	[tilespmem:s4], [sflag:$0x1] =	stream.indirect.gather [hbm4b:s0+s12], $0x28, s19, s12, $0xb8;
	[tilespmem:$0x14800] =	vst v63  }
0x7f: {  	s21 =	simm.s32 $0x5800;
	s22 =	simm.s32 $0x200  }
0x80: {  	[tilespmem:s21], [sflag:$0x1] =	stream.indirect.gather [hbm4b:s0+s12], $0x28, s22, s12, $0xb8;
	[tilespmem:$0x14800] =	vst v63  }
0x81: {  	s24 =	simm.s32 $0x6C00;
	s31 =	simm.s32 $0x280  }
0x82: {  	[tilespmem:s24], [sflag:$0x1] =	stream.indirect.gather [hbm4b:s0+s12], $0x28, s31, s12, $0xb8;
	[tilespmem:$0x14800] =	vst v63  }
0x83: {  	s4 =	simm.s32 $0x8000;
	s19 =	simm.s32 $0x300  }
0x84: {  	[tilespmem:s4], [sflag:$0x1] =	stream.indirect.gather [hbm4b:s0+s12], $0x28, s19, s12, $0xb8;
	[tilespmem:$0x14800] =	vst v63  }
0x85: {  	_ =	swait.ge [sflag:s18], $0x1400  }
0x86: {  	[sflag:s18] =	ssyncset.done $0x0  }
0x87: {  	[sflag:s18] =	ssyncadd.s32 $0xFFFFEC00  }
0x88: {  	_ =	swait.ge [sflag:s18], $0x1400  }
0x89: {  	[sflag:s18] =	ssyncset.done $0x0  }
0x8a: {  	[sflag:s18] =	ssyncadd.s32 $0xFFFFEC00  }
0x8b: {  	_ =	swait.ge [sflag:s18], $0x1400  }
0x8c: {  	[sflag:s18] =	ssyncset.done $0x0  }
0x8d: {  	[sflag:s18] =	ssyncadd.s32 $0xFFFFEC00  }
0x8e: {  	_ =	swait.ge [sflag:s18], $0x1400  }
0x8f: {  	[sflag:s18] =	ssyncset.done $0x0  }
0x90: {  	[sflag:s18] =	ssyncadd.s32 $0xFFFFEC00  }
0x91: {  	_ =	swait.ge [sflag:s18], $0x1400  }
0x92: {  	[sflag:s18] =	ssyncset.done $0x0  }
0x93: {  	[sflag:s18] =	ssyncadd.s32 $0xFFFFEC00  }
0x94: {  	_ =	swait.ge [sflag:s18], $0x1400  }
0x95: {  	[sflag:s18] =	ssyncset.done $0x0  }
0x96: {  	[sflag:s18] =	ssyncadd.s32 $0xFFFFEC00  }
0x97: {  	_ =	swait.ge [sflag:s18], $0x1400  }
0x98: {  	[sflag:s18] =	ssyncset.done $0x0  }
0x99: {  	s21 =	rddreg [dreg:$0x4];
	[sflag:s18] =	ssyncadd.s32 $0xFFFFEC00  }
0x9a: {  	[hbm4b:s21+s2] =	stream.linear.scatter [tilespmem:s1], [sflag:$0x2], $0x8C00, $0x38;
	[tilespmem:$0x14800] =	vst v63  }
0x9b: {  	_ =	swait.ge [sflag:s11], $0x8C00  }
0x9c: {  	s24 =	simm.s32 @!p0 $0x2;
	[sflag:s11] =	ssyncset.done $0x0  }
0x9d: {  	s1 =	simm.s32 @!p0 $0x0;
	s19 =	rddreg [dreg:$0x5];
	[sflag:s11] =	ssyncadd.s32 $0xFFFF7400  }
0x9e: {  	[tilespmem:s1], [sflag:$0x2] =	stream.linear.gather @!p0 [hbm4b:s19+s1], $0x80, $0x38;
	[tilespmem:$0x14800] =	vst v63  }
0x9f: {  	_ =	swait.ge @!p0 [sflag:s24], $0x80  }
0xa0: {  	s3 =	simm.s32 @!p0 $0x800;
	[sflag:s24] =	ssyncset.done @!p0 $0x0  }
0xa1: {  	s4 =	simm.s32 @!p0 $0x80;
	s19 =	simm.s32 @!p0 $0x1;
	[sflag:s24] =	ssyncadd.s32 @!p0 $0xFFFFFF80  }
0xa2: {  	[tilespmem:s3], [sflag:$0x1] =	stream.indirect.gather @!p0 [hbm4b:s0+s4], $0x28, s1, s4, $0xb8;
	[tilespmem:$0x14800] =	vst v63  }
0xa3: {  	_ =	swait.ge @!p0 [sflag:s19], $0x1400  }
0xa4: {  	[sflag:s19] =	ssyncset.done @!p0 $0x0  }
0xa5: {  	[sflag:s19] =	ssyncadd.s32 @!p0 $0xFFFFEC00;
	s19 =	rddreg [dreg:$0x6]  }
0xa6: {  	[hbm4b:s19+s1] =	stream.linear.scatter @!p0 [tilespmem:s3], [sflag:$0x2], $0x1400, $0x38;
	[tilespmem:$0x14800] =	vst v63  }
0xa7: {  	_ =	swait.ge @!p0 [sflag:s24], $0x1400  }
0xa8: {  	s22 =	rddreg [dreg:$0xb]  }
0xa9: {  	s31 =	rddreg [dreg:$0x7];
	s1 =	sadd.s32 $0x1, s22  }
0xaa: {  	p1 =	sne.s32 s1, s31  }
.Ltmp1:
0xab: {  	_ = 	snop;
	(pc) =	sbr.rel @p1 .LBB2_1-.Ltmp1, $3  }
0xac: {  	_ =	sdelay $0x1  }
0xad: {  	[sflag:s24] =	ssyncset.done @!p0 $0x0  }
0xae: {  	[sflag:s24] =	ssyncadd.s32 @!p0 $0xFFFFEC00  }
0xaf: {  	_ =	sfence.sel $0x180000  }
0xb0: {  	[bflag:$0x0] =	sbarrier.arrive $0xFFFF  }
0xb1: {  	_ =	strace $0x90000047  }
0xb2: {  	[bflag:$0x2] =	sbarrier.arrive $0xFFFF  }
0xb3: {  	s0 =	rddreg [dreg:$0x2]  }
0xb4: {  	s0 =	sadd.s32 @!p0 $0x100000, s0  }
0xb5: {  	[sflag:s0] =	ssyncadd.tile.s32 @!p0 $0x1;
	_ =	shalt  }
.Lfunc_end2:
_tile_overlayer_lowered:
.L_overlay_start_2:
0xb6: {  	(tag) =	ssettag $0x2  }
0xb7: {  	s0 =	rddreg [dreg:$0x0];
	s2 =	stileid.u32  }
0xb8: {  	s1 =	rddreg [dreg:$0x1];
	p0 =	sne.s32 s2, $0x0  }
0xb9: {  	s3 =	rddreg [dreg:$0x2];
	[bflag:$0x3] =	sbarrier.arrive $0xFFFF;
	s2 =	simm.s32 @!p0 $0x1C02  }
0xba: {  	[timem:s3], [sflag:s2] =	dma.local @!p0 [hbm:s0], s1  }
0xbb: {  	s0 =	simm.s32 @!p0 $0x2  }
0xbc: {  	_ =	swait.ge @!p0 [sflag:s0], s1  }
0xbd: {  	s1 =	ssub.s32 @!p0 $0x0, s1;
	[sflag:s0] =	ssyncset.done @!p0 $0x0  }
0xbe: {  	[sflag:s0] =	ssyncadd.s32 @!p0 s1  }
0xbf: {  	[bflag:$0x3] =	sbarrier.arrive $0xFFFF  }
0xc0: {  	_ =	shalt  }

// kernel: kernel.9.cloned.1.call-start
scs
__scs_entry_jumppad:
0x0: {  	(pc) =	sbr.rel $0x88, $3  }
0x1: {  	(tag) =	ssettag $0x0;
	lr =	simm.s32 $0x1  }
0x2: {  	[smem:$0x3F99] =	sst lr;
	_ =	strace $0xD0000000  }
0x3: {  	_ = 	snop  }
0x4: {  	_ = 	snop  }
0x5: {  	_ = 	snop  }
0x6: {  	_ = 	snop  }
0x7: {  	_ = 	snop  }
__scs_overlays_trampoline_lowered:
0x8: {  	[smem:$0x3FA8] =	sst s0  }
0x9: {  	[smem:$0x3FA9] =	sst s1  }
0xa: {  	[smem:$0x3FAA] =	sst s2  }
0xb: {  	[smem:$0x3FAB] =	sst s3  }
0xc: {  	[smem:$0x3FAC] =	sst s4  }
0xd: {  	[smem:$0x3FAD] =	sst s5  }
0xe: {  	[smem:$0x3FAE] =	sst s6  }
0xf: {  	[smem:$0x3FAF] =	sst s7  }
0x10: {  	[smem:$0x3FB0] =	sst s8  }
0x11: {  	[smem:$0x3FB1] =	sst s9;
	s0 =	simm.s32 @!p0 $0x0  }
0x12: {  	s1 =	sld [smem:$0x3F97];
	s0 =	simm.s32 @p0 $0x1  }
0x13: {  	[smem:$0x3FB2] =	sst s0;
	s0 =	simm.s32 @!p1 $0x0  }
0x14: {  	s2 =	sld [smem:$0x3F96];
	s0 =	simm.s32 @p1 $0x1  }
0x15: {  	[smem:$0x3FB3] =	sst s0;
	s0 =	simm.s32 @!p2 $0x0  }
0x16: {  	s3 =	sld [smem:$0x3FDB];
	s0 =	simm.s32 @p2 $0x1  }
0x17: {  	s4 =	simm.s32 $0x1BF5;
	[smem:$0x3FB5] =	sst s0  }
0x18: {  	s0 =	sld [smem:$0x3F98];
	_ =	swait.ge [sflag:s4], $0x0  }
0x19: {  	s7 =	sld [smem:$0x3F99]  }
0x1a: {  	s8 =	sadd.s32 $0xFFFFE003, lr  }
0x1b: {  	s9 =	sadd.s32 $0xFFFFFEF7, lr;
	s5 =	simm.s32 $0xFFFFFFFF;
	p2 =	slt.u32 s8, $0xFFFFF086  }
0x1c: {  	p1 =	slt.u32 s9, $0xF7A;
	s5 =	simm.s32 @!p2 $0x0  }
0x1d: {  	s5 =	simm.s32 @p1 $0x1;
	p0 =	seq.s32 s7, s2  }
0x1e: {  	s7 =	smul.u32 @!p0 $0xF7A, s2;
	p2 =	seq.s32 @!p0 s5, $0x0  }
0x1f: {  	s9 =	smul.u32 $0xF7A, s1;
	s8 =	simm.s32 @!p0 $0x1BF5;
	p2 =	por !p2, p0  }
0x20: {  	[sflag:s8] =	ssyncset.s32 @!p0 $0xFFFFF086;
	s6 =	sadd.s32 @!p0 s3, s7;
	s7 =	simm.s32 @!p0 $0x108  }
0x21: {  	s3 =	sadd.s32 s3, s9;
	s6 =	sadd.s32 @!p0 $0x88, s6;
	s7 =	simm.s32 @p2 $0x1082  }
0x22: {  	[simem:s7], [sflag:s8] =	dma.local @!p0 [hbm:s6], $0xF7A  }
0x23: {  	s9 =	sor.u32 $0xD0000000, s2;
	s6 =	simm.s32 $0x108;
	_ =	swait.ge @!p0 [sflag:s8], $0x0  }
0x24: {  	s3 =	sadd.s32 $0x88, s3;
	s6 =	simm.s32 @!p1 $0x1082;
	[sflag:s4] =	ssyncset.s32 $0xFFFFF086  }
0x25: {  	[simem:s6], [sflag:s4] =	dma.local [hbm:s3], $0xF7A  }
0x26: {  	[smem:$0x3F99] =	sst s1;
	(tag) =	ssettag s2;
	_ =	strace s9  }
0x27: {  	s1 =	sld [smem:$0x3FA9]  }
0x28: {  	s2 =	sld [smem:$0x3FAA]  }
0x29: {  	s4 =	sld [smem:$0x3FAC]  }
0x2a: {  	p0 =	seq.s32 s5, $0x0;
	s5 =	sld [smem:$0x3FAD]  }
0x2b: {  	s6 =	sld [smem:$0x3FAE]  }
0x2c: {  	s7 =	sld [smem:$0x3FAF]  }
0x2d: {  	s3 =	simm.s32 $0x108;
	s8 =	sld [smem:$0x3FB0]  }
0x2e: {  	s3 =	simm.s32 @!p0 $0x1082;
	s9 =	sld [smem:$0x3FB1]  }
0x2f: {  	lr =	sadd.s32 s0, s3;
	s0 =	sld [smem:$0x3FA8]  }
0x30: {  	s3 =	sld [smem:$0x3FAB]  }
0x31: {  	[smem:$0x3FB4] =	sst s10  }
0x32: {  	s10 =	sld [smem:$0x3FB2];
	_ =	sdelay $0x3  }
0x33: {  	p0 =	seq.s32 s10, $0x1;
	s10 =	sld [smem:$0x3FB4];
	_ =	sdelay $0x3  }
0x34: {  	[smem:$0x3FB4] =	sst s10  }
0x35: {  	s10 =	sld [smem:$0x3FB3];
	_ =	sdelay $0x3  }
0x36: {  	p1 =	seq.s32 s10, $0x1;
	s10 =	sld [smem:$0x3FB4];
	_ =	sdelay $0x3  }
0x37: {  	[smem:$0x3FB4] =	sst s10  }
0x38: {  	s10 =	sld [smem:$0x3FB5]  }
0x39: {  	_ = 	snop;
	(pc) =	sbr.ind lr, $3  }
0x3a: {  	_ = 	snop  }
0x3b: {  	_ = 	snop  }
0x3c: {  	p2 =	seq.s32 s10, $0x1;
	s10 =	sld [smem:$0x3FB4]  }
0x3d: {  	_ =	shalt  }
0x3e: {  	_ =	shalt  }
0x3f: {  	_ =	shalt  }
0x40: {  	_ =	shalt  }
0x41: {  	_ =	shalt  }
0x42: {  	_ =	shalt  }
0x43: {  	_ =	shalt  }
0x44: {  	_ =	shalt  }
0x45: {  	_ =	shalt  }
0x46: {  	_ =	shalt  }
0x47: {  	_ =	shalt  }
0x48: {  	_ =	shalt  }
0x49: {  	_ =	shalt  }
0x4a: {  	_ =	shalt  }
0x4b: {  	_ =	shalt  }
0x4c: {  	_ =	shalt  }
0x4d: {  	_ =	shalt  }
0x4e: {  	_ =	shalt  }
0x4f: {  	_ =	shalt  }
0x50: {  	_ =	shalt  }
0x51: {  	_ =	shalt  }
0x52: {  	_ =	shalt  }
0x53: {  	_ =	shalt  }
0x54: {  	_ =	shalt  }
0x55: {  	_ =	shalt  }
0x56: {  	_ =	shalt  }
0x57: {  	_ =	shalt  }
0x58: {  	_ =	shalt  }
0x59: {  	_ =	shalt  }
0x5a: {  	_ =	shalt  }
0x5b: {  	_ =	shalt  }
0x5c: {  	_ =	shalt  }
0x5d: {  	_ =	shalt  }
0x5e: {  	_ =	shalt  }
0x5f: {  	_ =	shalt  }
0x60: {  	_ =	shalt  }
0x61: {  	_ =	shalt  }
0x62: {  	_ =	shalt  }
0x63: {  	_ =	shalt  }
0x64: {  	_ =	shalt  }
0x65: {  	_ =	shalt  }
0x66: {  	_ =	shalt  }
0x67: {  	_ =	shalt  }
0x68: {  	_ =	shalt  }
0x69: {  	_ =	shalt  }
0x6a: {  	_ =	shalt  }
0x6b: {  	_ =	shalt  }
0x6c: {  	_ =	shalt  }
0x6d: {  	_ =	shalt  }
0x6e: {  	_ =	shalt  }
0x6f: {  	_ =	shalt  }
0x70: {  	_ =	shalt  }
0x71: {  	_ =	shalt  }
0x72: {  	_ =	shalt  }
0x73: {  	_ =	shalt  }
0x74: {  	_ =	shalt  }
0x75: {  	_ =	shalt  }
0x76: {  	_ =	shalt  }
0x77: {  	_ =	shalt  }
0x78: {  	_ =	shalt  }
0x79: {  	_ =	shalt  }
0x7a: {  	_ =	shalt  }
0x7b: {  	_ =	shalt  }
0x7c: {  	_ =	shalt  }
0x7d: {  	_ =	shalt  }
0x7e: {  	_ =	shalt  }
0x7f: {  	_ =	shalt  }
0x80: {  	_ =	shalt  }
0x81: {  	_ =	shalt  }
0x82: {  	_ =	shalt  }
0x83: {  	_ =	shalt  }
0x84: {  	_ =	shalt  }
0x85: {  	_ =	shalt  }
0x86: {  	_ =	shalt  }
0x87: {  	_ =	shalt  }
.Lfunc_end0:
.L_simem_size_0:
called_computation.1_lowered:
.L_overlay_start_0:
0x88: {  	s2 =	sld [smem:$0x3FD9]  }
0x89: {  	s3 =	sld [smem:$0x3FFE];
	_ =	sdelay $0x1  }
0x8a: {  	s1 =	srdreg.scid  }
0x8b: {  	s0 =	sand.u32 $0x1, s1  }
0x8c: {  	s17 =	sshll.u32 s0, $0xA;
	s2 =	sadd.s32 s3, s2  }
0x8d: {  	s2 =	sadd.s32 s2, s17  }
0x8e: {  	[smem:$0x3FC0] =	sst s2  }
0x8f: {  	_ = 	snop  }
0x90: {  	s2 =	sld [smem:$0x3FD0];
	(tm) =	ssettm $0x1  }
0x91: {  	s18 =	sld [smem:$0x3FFB];
	_ =	sdelay $0x3  }
0x92: {  	_ =	strace s18  }
0x93: {  	s3 =	sld [smem:$0x3FFC];
	_ =	sdelay $0x3  }
0x94: {  	_ =	strace s3  }
0x95: {  	s3 =	sld [smem:$0x3FFD];
	_ =	sdelay $0x3  }
0x96: {  	_ =	strace s3  }
0x97: {  	_ =	strace $0x8FFFFFFF  }
0x98: {  	s19 =	sld [smem:$0x3FDB];
	_ =	sdelay $0x1  }
0x99: {  	s4 =	simm.s32 $_scs_section_size  }
0x9a: {  	s5 =	simm.s32 $_size__tile_overlayer_lowered;
	s6 =	simm.s32 $_tile_overlayer_lowered  }
0x9b: {  	s22 =	simm.s32 $0x1BFF;
	s21 =	sshll.u32 s6, $0x1;
	s3 =	sadd.s32 s4, s19  }
0x9c: {  	s7 =	simm.s32 $0x0;
	s20 =	sshll.u32 s5, $0x1;
	s5 =	sadd.s32 s21, s3  }
0x9d: {  	[timem:s7], [sflag:s22] =	dma.local [hbm:s5], s20  }
0x9e: {  	_ =	swait.ge [sflag:s22], s20  }
0x9f: {  	s4 =	ssub.s32 $0x0, s20;
	[sflag:s22] =	ssyncset.done $0x0  }
0xa0: {  	[sflag:s22] =	ssyncadd.s32 s4;
	_ =	sdelay $0x1  }
0xa1: {  	s23 =	simm.s32 $0x1B8B  }
0xa2: {  	_ =	swait.ge [sflag:s23], $0x1  }
0xa3: {  	[sflag:s23] =	ssyncset.done $0x0  }
0xa4: {  	s25 =	simm.s32 $0x1B8E;
	s24 =	sld [smem:$0x3FFE];
	[sflag:s23] =	ssyncadd.s32 $0xFFFFFFFF  }
0xa5: {  	s26 =	simm.s32 $execute0_lowered;
	[smem:$0x3FD2] =	sst s25  }
0xa6: {  	s5 =	sshll.u32 s26, $0x1;
	_ =	strace $0x80000049;
	[dreg:$0x1] =	wrdreg $0xFFFFFFFF  }
0xa7: {  	s28 =	simm.s32 $_size_execute0_lowered;
	s3 =	sadd.s32 s3, s5;
	[dreg:$0x0] =	wrdreg $0x0  }
0xa8: {  	s5 =	sshll.u32 s28, $0x1;
	[dreg:$0x2] =	wrdreg s3  }
0xa9: {  	[dreg:$0x3] =	wrdreg s5  }
0xaa: {  	[dreg:$0x4] =	wrdreg $0xC0  }
0xab: {  	_ =	task [dreg:s7], $0x5FFFF  }
0xac: {  	[dreg:$0x1] =	wrdreg $0xFFFFFFFF  }
0xad: {  	[dreg:$0x0] =	wrdreg $0x60  }
0xae: {  	[dreg:$0x2] =	wrdreg s24  }
0xaf: {  	[dreg:$0x3] =	wrdreg s2  }
0xb0: {  	[dreg:$0x4] =	wrdreg $0x148000  }
0xb1: {  	[dreg:$0x5] =	wrdreg $0x9  }
0xb2: {  	_ =	task.clear_ibuf [dreg:s7], $0x6FFFF;
	_ =	strace $0x90000049  }
0xb3: {  	s29 =	simm.s32 $0x9;
	_ =	strace $0x8000004B  }
0xb4: {  	_ =	swait.ge [sflag:s29], $0x1  }
0xb5: {  	[sflag:s29] =	ssyncadd.s32 $0xFFFFFFFF  }
0xb6: {  	_ =	strace $0x9000004B  }
0xb7: {  	_ =	sfence  }
0xb8: {  	s30 =	sld [smem:$0x0];
	_ =	sdelay $0x2  }
0xb9: {  	s31 =	sshll.u32 s1, $0xD;
	s1 =	sshrl.u32 s1, $0x2  }
0xba: {  	s3 =	sand.u32 $0x4000, s31;
	s1 =	sadd.s32 s1, s30  }
0xbb: {  	s0 =	sor.u32 s3, s0;
	s1 =	sshll.u32 s1, $0x11  }
0xbc: {  	s0 =	sor.u32 s1, s0  }
0xbd: {  	s0 =	sadd.s32 $0x8F2B, s0  }
0xbe: {  	[sflag:s0] =	ssyncadd.remote.s32 $0x1  }
0xbf: {  	_ =	sfence.sel $0xFFFF  }
0xc0: {  	[dreg:$0x0] =	wrdreg $0xFFFFFFFF;
	(pc) =	sbr.abs _section_cstart, $3  }
0xc1: {  	[dreg:$0x1] =	wrdreg $0xFFFFFFFF  }
0xc2: {  	_ =	task.clear_ibuf [dreg:s7], $0x2FFFF;
	_ =	strace $0x9FFFFFFF  }
0xc3: {  	(tm) =	ssettm $0x7FFFFFFF  }
tec
execute0_lowered:
.L_overlay_start_1:
0x0: {  	(tag) =	ssettag $0x1  }
0x1: {  	s0 =	rddreg [dreg:$0x0]  }
0x2: {  	s6 =	rddreg [dreg:$0x1]  }
0x3: {  	s1 =	rddreg [dreg:$0x2];
	s3 =	srdreg.scid  }
0x4: {  	s7 =	stileid.u32;
	s2 =	simm.s32 $0x0;
	s15 =	simm.s32 $0x1  }
0x5: {  	s16 =	simm.s32 $0x80;
	s30 =	simm.s32 $0x100;
	s14 =	simm.s32 $0xBC00  }
0x6: {  	s28 =	simm.s32 $0xF800;
	s31 =	simm.s32 $0x13400;
	s8 =	sand.u32 $0x1, s3  }
0x7: {  	s9 =	smul.u32 $0x61A8, s7;
	[smem:$0x7FF] =	sst s2;
	s3 =	sadd.s32 $0x34E00, s0  }
0x8: {  	s4 =	sadd.s32 $0x2FE00, s0;
	s10 =	sshll.u32 s7, $0x1;
	s20 =	sshll.u32 s7, $0x6  }
0x9: {  	p0 =	sne.s32 s7, $0x0;
	s7 =	simm.s32 $0x480;
	s5 =	smul.u32 $0x61A80, s8  }
0xa: {  	_ =	strace $0x8000004A;
	s11 =	ssub.s32 $0x2, s8;
	s10 =	sor.u32 s8, s10  }
0xb: {  	s8 =	sshll.u32 s8, $0x7;
	s13 =	sor.u32 $0x1C01, s20;
	s20 =	simm.s32 $0xE400  }
0xc: {  	s12 =	sshrl.u32 s11, $0x1;
	s18 =	sadd.s32 s9, s1;
	s8 =	sor.u32 $0x27000, s8  }
0xd: {  	[dreg:$0x5] =	wrdreg s13;
	s5 =	sadd.s32 s9, s5;
	s17 =	ssub.s32 s11, s12  }
0xe: {  	s9 =	sshrl.u32 s9, $0x3;
	s22 =	smul.u32 $0x5, s8;
	s24 =	sshrl.u32 s8, $0x3  }
0xf: {  	s29 =	sshrl.u32 s18, $0x3;
	s11 =	simm.s32 $0x9400;
	s12 =	simm.s32 $0x400  }
0x10: {  	s18 =	simm.s32 $0xD000;
	s8 =	simm.s32 $0x700;
	s5 =	sshrl.u32 s5, $0x3  }
0x11: {  	s6 =	sadd.s32 s6, s9;
	s26 =	smax.u32 s17, $0x1;
	[dreg:$0xc] =	wrdreg s29  }
0x12: {  	s17 =	simm.s32 $0x500;
	s9 =	simm.s32 $0x680;
	s0 =	sadd.s32 s5, s0  }
0x13: {  	s5 =	smul.u32 $0x1380, s10;
	[dreg:$0x4] =	wrdreg s6;
	s25 =	sadd.s32 s3, s22  }
0x14: {  	[dreg:$0xb] =	wrdreg s26;
	s10 =	simm.s32 $0x380;
	s26 =	simm.s32 $0x10C00  }
0x15: {  	[dreg:$0x9] =	wrdreg s25;
	s0 =	sadd.s32 $0xF8400, s0;
	s19 =	sadd.s32 $0x1000, s5  }
0x16: {  	s25 =	simm.s32 $0x12000;
	s21 =	smul.u32 $0x5, s19;
	s6 =	sshrl.u32 s19, $0x3  }
0x17: {  	[dreg:$0xa] =	wrdreg s0;
	s0 =	simm.s32 $0x0;
	s6 =	sadd.s32 s4, s6  }
0x18: {  	s19 =	simm.s32 $0x580;
	[dreg:$0x6] =	wrdreg s6;
	s23 =	sadd.s32 s3, s21  }
0x19: {  	s6 =	sadd.s32 s4, s24;
	s24 =	simm.s32 $0x3000;
	[dreg:$0x7] =	wrdreg s23  }
0x1a: {  	s21 =	simm.s32 $0x600;
	[dreg:$0x8] =	wrdreg s6;
	s23 =	simm.s32 $0x1C00  }
.LBB2_1:
0x1b: {  	[dreg:$0xd] =	wrdreg s0  }
0x1c: {  	s22 =	rddreg [dreg:$0x4]  }
0x1d: {  	[spmem:s29], [sflag:s13] =	dma.local [hbm:s22], $0xC35  }
0x1e: {  	_ =	swait.ge [sflag:s15], $0xC35  }
0x1f: {  	[sflag:s15] =	ssyncset.done $0x0  }
0x20: {  	p1 =	por $0x1, $0x1;
	s6 =	simm.s32 $0x780;
	[sflag:s15] =	ssyncadd.s32 $0xFFFFF3CB  }
0x21: {  	s22 =	simm.s32 $0x0;
	s13 =	simm.s32 $0xA800;
	[bflag:$0x0] =	sbarrier.arrive $0xFFFF  }
.LBB2_2:
0x22: {  	s22 =	sadd.s32 s5, s22  }
0x23: {  	s29 =	sshrl.u32 s22, $0x3  }
0x24: {  	s29 =	sadd.s32 s4, s29  }
0x25: {  	[tilespmem:s2], [sflag:$0x1] =	stream.linear.gather [hbm4b:s29+s2], $0x800, $0x38;
	[tilespmem:$0x1A9A8] =	vst v63  }
0x26: {  	s22 =	smul.u32 $0x5, s22;
	_ =	swait.ge [sflag:s15], $0x800  }
0x27: {  	[sflag:s15] =	ssyncset.done $0x0  }
0x28: {  	s0 =	sadd.s32 s3, s22;
	s22 =	simm.s32 $0x800;
	[sflag:s15] =	ssyncadd.s32 $0xFFFFF800  }
0x29: {  	[tilespmem:s22], [sflag:$0x1] =	stream.linear.gather [hbm4b:s0+s2], $0x14000, $0x38;
	[tilespmem:$0x1A9A8] =	vst v63  }
0x2a: {  	_ =	swait.ge [sflag:s15], $0x14000  }
0x2b: {  	[sflag:s15] =	ssyncset.done $0x0  }
0x2c: {  	[sflag:s15] =	ssyncadd.s32 $0xFFFEC000  }
0x2d: {  	[spmem:s1] =	stream.indirect.scatter.add.f32 [tilespmem:s22], [sflag:$0x1], $0x28, s2, s16, $0xb8;
	[tilespmem:$0x1A9A8] =	vst v63  }
0x2e: {  	_ =	swait.ge [sflag:s15], $0x1400  }
0x2f: {  	[sflag:s15] =	ssyncset.done $0x0  }
0x30: {  	[sflag:s15] =	ssyncadd.s32 $0xFFFFEC00  }
0x31: {  	[spmem:s1] =	stream.indirect.scatter.add.f32 [tilespmem:s23], [sflag:$0x1], $0x28, s16, s16, $0xb8;
	[tilespmem:$0x1A9A8] =	vst v63  }
0x32: {  	_ =	swait.ge [sflag:s15], $0x1400  }
0x33: {  	[sflag:s15] =	ssyncset.done $0x0  }
0x34: {  	[sflag:s15] =	ssyncadd.s32 $0xFFFFEC00  }
0x35: {  	[spmem:s1] =	stream.indirect.scatter.add.f32 [tilespmem:s24], [sflag:$0x1], $0x28, s30, s16, $0xb8;
	[tilespmem:$0x1A9A8] =	vst v63  }
0x36: {  	_ =	swait.ge [sflag:s15], $0x1400  }
0x37: {  	[sflag:s15] =	ssyncset.done $0x0  }
0x38: {  	s29 =	simm.s32 $0x4400;
	s0 =	simm.s32 $0x180;
	[sflag:s15] =	ssyncadd.s32 $0xFFFFEC00  }
0x39: {  	[spmem:s1] =	stream.indirect.scatter.add.f32 [tilespmem:s29], [sflag:$0x1], $0x28, s0, s16, $0xb8;
	[tilespmem:$0x1A9A8] =	vst v63  }
0x3a: {  	_ =	swait.ge [sflag:s15], $0x1400  }
0x3b: {  	[sflag:s15] =	ssyncset.done $0x0  }
0x3c: {  	s0 =	simm.s32 $0x200;
	s29 =	simm.s32 $0x5800;
	[sflag:s15] =	ssyncadd.s32 $0xFFFFEC00  }
0x3d: {  	[spmem:s1] =	stream.indirect.scatter.add.f32 [tilespmem:s29], [sflag:$0x1], $0x28, s0, s16, $0xb8;
	[tilespmem:$0x1A9A8] =	vst v63  }
0x3e: {  	_ =	swait.ge [sflag:s15], $0x1400  }
0x3f: {  	[sflag:s15] =	ssyncset.done $0x0  }
0x40: {  	s0 =	simm.s32 $0x280;
	s29 =	simm.s32 $0x6C00;
	[sflag:s15] =	ssyncadd.s32 $0xFFFFEC00  }
0x41: {  	[spmem:s1] =	stream.indirect.scatter.add.f32 [tilespmem:s29], [sflag:$0x1], $0x28, s0, s16, $0xb8;
	[tilespmem:$0x1A9A8] =	vst v63  }
0x42: {  	_ =	swait.ge [sflag:s15], $0x1400  }
0x43: {  	[sflag:s15] =	ssyncset.done $0x0  }
0x44: {  	s29 =	simm.s32 $0x300;
	s0 =	simm.s32 $0x8000;
	[sflag:s15] =	ssyncadd.s32 $0xFFFFEC00  }
0x45: {  	[spmem:s1] =	stream.indirect.scatter.add.f32 [tilespmem:s0], [sflag:$0x1], $0x28, s29, s16, $0xb8;
	[tilespmem:$0x1A9A8] =	vst v63  }
0x46: {  	_ =	swait.ge [sflag:s15], $0x1400  }
0x47: {  	[sflag:s15] =	ssyncset.done $0x0  }
0x48: {  	[sflag:s15] =	ssyncadd.s32 $0xFFFFEC00  }
0x49: {  	[spmem:s1] =	stream.indirect.scatter.add.f32 [tilespmem:s11], [sflag:$0x1], $0x28, s10, s16, $0xb8;
	[tilespmem:$0x1A9A8] =	vst v63  }
0x4a: {  	_ =	swait.ge [sflag:s15], $0x1400  }
0x4b: {  	[sflag:s15] =	ssyncset.done $0x0  }
0x4c: {  	[sflag:s15] =	ssyncadd.s32 $0xFFFFEC00  }
0x4d: {  	[spmem:s1] =	stream.indirect.scatter.add.f32 [tilespmem:s13], [sflag:$0x1], $0x28, s12, s16, $0xb8;
	[tilespmem:$0x1A9A8] =	vst v63  }
0x4e: {  	_ =	swait.ge [sflag:s15], $0x1400  }
0x4f: {  	[sflag:s15] =	ssyncset.done $0x0  }
0x50: {  	[sflag:s15] =	ssyncadd.s32 $0xFFFFEC00  }
0x51: {  	[spmem:s1] =	stream.indirect.scatter.add.f32 [tilespmem:s14], [sflag:$0x1], $0x28, s7, s16, $0xb8;
	[tilespmem:$0x1A9A8] =	vst v63  }
0x52: {  	_ =	swait.ge [sflag:s15], $0x1400  }
0x53: {  	[sflag:s15] =	ssyncset.done $0x0  }
0x54: {  	[sflag:s15] =	ssyncadd.s32 $0xFFFFEC00  }
0x55: {  	[spmem:s1] =	stream.indirect.scatter.add.f32 [tilespmem:s18], [sflag:$0x1], $0x28, s17, s16, $0xb8;
	[tilespmem:$0x1A9A8] =	vst v63  }
0x56: {  	_ =	swait.ge [sflag:s15], $0x1400  }
0x57: {  	[sflag:s15] =	ssyncset.done $0x0  }
0x58: {  	[sflag:s15] =	ssyncadd.s32 $0xFFFFEC00  }
0x59: {  	[spmem:s1] =	stream.indirect.scatter.add.f32 [tilespmem:s20], [sflag:$0x1], $0x28, s19, s16, $0xb8;
	[tilespmem:$0x1A9A8] =	vst v63  }
0x5a: {  	_ =	swait.ge [sflag:s15], $0x1400  }
0x5b: {  	[sflag:s15] =	ssyncset.done $0x0  }
0x5c: {  	[sflag:s15] =	ssyncadd.s32 $0xFFFFEC00  }
0x5d: {  	[spmem:s1] =	stream.indirect.scatter.add.f32 [tilespmem:s28], [sflag:$0x1], $0x28, s21, s16, $0xb8;
	[tilespmem:$0x1A9A8] =	vst v63  }
0x5e: {  	_ =	swait.ge [sflag:s15], $0x1400  }
0x5f: {  	[sflag:s15] =	ssyncset.done $0x0  }
0x60: {  	[sflag:s15] =	ssyncadd.s32 $0xFFFFEC00  }
0x61: {  	[spmem:s1] =	stream.indirect.scatter.add.f32 [tilespmem:s26], [sflag:$0x1], $0x28, s9, s16, $0xb8;
	[tilespmem:$0x1A9A8] =	vst v63  }
0x62: {  	_ =	swait.ge [sflag:s15], $0x1400  }
0x63: {  	[sflag:s15] =	ssyncset.done $0x0  }
0x64: {  	[sflag:s15] =	ssyncadd.s32 $0xFFFFEC00  }
0x65: {  	[spmem:s1] =	stream.indirect.scatter.add.f32 [tilespmem:s25], [sflag:$0x1], $0x28, s8, s16, $0xb8;
	[tilespmem:$0x1A9A8] =	vst v63  }
0x66: {  	_ =	swait.ge [sflag:s15], $0x1400  }
0x67: {  	p2 =	por p1, p1;
	[sflag:s15] =	ssyncset.done $0x0  }
.Ltmp0:
0x68: {  	[sflag:s15] =	ssyncadd.s32 $0xFFFFEC00;
	(pc) =	sbr.rel @p2 .LBB2_2-.Ltmp0, $4  }
0x69: {  	[spmem:s1] =	stream.indirect.scatter.add.f32 [tilespmem:s31], [sflag:$0x1], $0x28, s6, s16, $0xb8;
	[tilespmem:$0x1A9A8] =	vst v63  }
0x6a: {  	_ =	swait.ge [sflag:s15], $0x1400  }
0x6b: {  	[sflag:s15] =	ssyncset.done $0x0  }
0x6c: {  	p1 =	por $0x0, $0x0;
	[sflag:s15] =	ssyncadd.s32 $0xFFFFEC00  }
0x6d: {  	s22 =	rddreg [dreg:$0x6]  }
0x6e: {  	[tilespmem:s2], [sflag:$0x1] =	stream.linear.gather [hbm4b:s22+s2], $0x380, $0x38;
	[tilespmem:$0x1A9A8] =	vst v63  }
0x6f: {  	_ =	swait.ge [sflag:s15], $0x380  }
0x70: {  	[sflag:s15] =	ssyncset.done $0x0  }
0x71: {  	s6 =	simm.s32 $0x800;
	s13 =	rddreg [dreg:$0x7];
	[sflag:s15] =	ssyncadd.s32 $0xFFFFFC80  }
0x72: {  	[tilespmem:s6], [sflag:$0x1] =	stream.linear.gather [hbm4b:s13+s2], $0x8C00, $0x38;
	[tilespmem:$0x1A9A8] =	vst v63  }
0x73: {  	_ =	swait.ge [sflag:s15], $0x8C00  }
0x74: {  	[sflag:s15] =	ssyncset.done $0x0  }
0x75: {  	[sflag:s15] =	ssyncadd.s32 $0xFFFF7400  }
0x76: {  	[spmem:s1] =	stream.indirect.scatter.add.f32 [tilespmem:s6], [sflag:$0x1], $0x28, s2, s16, $0xb8;
	[tilespmem:$0x1A9A8] =	vst v63  }
0x77: {  	_ =	swait.ge [sflag:s15], $0x1400  }
0x78: {  	[sflag:s15] =	ssyncset.done $0x0  }
0x79: {  	[sflag:s15] =	ssyncadd.s32 $0xFFFFEC00  }
0x7a: {  	[spmem:s1] =	stream.indirect.scatter.add.f32 [tilespmem:s23], [sflag:$0x1], $0x28, s16, s16, $0xb8;
	[tilespmem:$0x1A9A8] =	vst v63  }
0x7b: {  	_ =	swait.ge [sflag:s15], $0x1400  }
0x7c: {  	[sflag:s15] =	ssyncset.done $0x0  }
0x7d: {  	[sflag:s15] =	ssyncadd.s32 $0xFFFFEC00  }
0x7e: {  	[spmem:s1] =	stream.indirect.scatter.add.f32 [tilespmem:s24], [sflag:$0x1], $0x28, s30, s16, $0xb8;
	[tilespmem:$0x1A9A8] =	vst v63  }
0x7f: {  	_ =	swait.ge [sflag:s15], $0x1400  }
0x80: {  	[sflag:s15] =	ssyncset.done $0x0  }
0x81: {  	s0 =	simm.s32 $0x180;
	s22 =	simm.s32 $0x4400;
	[sflag:s15] =	ssyncadd.s32 $0xFFFFEC00  }
0x82: {  	[spmem:s1] =	stream.indirect.scatter.add.f32 [tilespmem:s22], [sflag:$0x1], $0x28, s0, s16, $0xb8;
	[tilespmem:$0x1A9A8] =	vst v63  }
0x83: {  	_ =	swait.ge [sflag:s15], $0x1400  }
0x84: {  	[sflag:s15] =	ssyncset.done $0x0  }
0x85: {  	s13 =	simm.s32 $0x200;
	s22 =	simm.s32 $0x5800;
	[sflag:s15] =	ssyncadd.s32 $0xFFFFEC00  }
0x86: {  	[spmem:s1] =	stream.indirect.scatter.add.f32 [tilespmem:s22], [sflag:$0x1], $0x28, s13, s16, $0xb8;
	[tilespmem:$0x1A9A8] =	vst v63  }
0x87: {  	_ =	swait.ge [sflag:s15], $0x1400  }
0x88: {  	[sflag:s15] =	ssyncset.done $0x0  }
0x89: {  	s13 =	simm.s32 $0x280;
	s22 =	simm.s32 $0x6C00;
	[sflag:s15] =	ssyncadd.s32 $0xFFFFEC00  }
0x8a: {  	[spmem:s1] =	stream.indirect.scatter.add.f32 [tilespmem:s22], [sflag:$0x1], $0x28, s13, s16, $0xb8;
	[tilespmem:$0x1A9A8] =	vst v63  }
0x8b: {  	_ =	swait.ge [sflag:s15], $0x1400  }
0x8c: {  	[sflag:s15] =	ssyncset.done $0x0  }
0x8d: {  	s13 =	simm.s32 $0x300;
	s22 =	simm.s32 $0x8000;
	[sflag:s15] =	ssyncadd.s32 $0xFFFFEC00  }
0x8e: {  	[spmem:s1] =	stream.indirect.scatter.add.f32 [tilespmem:s22], [sflag:$0x1], $0x28, s13, s16, $0xb8;
	[tilespmem:$0x1A9A8] =	vst v63  }
0x8f: {  	_ =	swait.ge [sflag:s15], $0x1400  }
0x90: {  	s29 =	simm.s32 @!p0 $0x1;
	[sflag:s15] =	ssyncset.done $0x0  }
0x91: {  	s0 =	simm.s32 @!p0 $0x0;
	s22 =	rddreg [dreg:$0x8];
	[sflag:s15] =	ssyncadd.s32 $0xFFFFEC00  }
0x92: {  	[tilespmem:s0], [sflag:$0x1] =	stream.linear.gather @!p0 [hbm4b:s22+s0], $0x80, $0x38;
	[tilespmem:$0x1A9A8] =	vst v63  }
0x93: {  	_ =	swait.ge @!p0 [sflag:s29], $0x80  }
0x94: {  	[sflag:s29] =	ssyncset.done @!p0 $0x0  }
0x95: {  	s6 =	simm.s32 @!p0 $0x800;
	s22 =	rddreg [dreg:$0x9];
	[sflag:s29] =	ssyncadd.s32 @!p0 $0xFFFFFF80  }
0x96: {  	[tilespmem:s6], [sflag:$0x1] =	stream.linear.gather @!p0 [hbm4b:s22+s0], $0x1400, $0x38;
	[tilespmem:$0x1A9A8] =	vst v63  }
0x97: {  	_ =	swait.ge @!p0 [sflag:s29], $0x1400  }
0x98: {  	[sflag:s29] =	ssyncset.done @!p0 $0x0  }
0x99: {  	s22 =	simm.s32 @!p0 $0x80;
	[sflag:s29] =	ssyncadd.s32 @!p0 $0xFFFFEC00  }
0x9a: {  	[spmem:s1] =	stream.indirect.scatter.add.f32 @!p0 [tilespmem:s6], [sflag:$0x1], $0x28, s0, s22, $0xb8;
	[tilespmem:$0x1A9A8] =	vst v63  }
0x9b: {  	_ =	swait.ge @!p0 [sflag:s29], $0x1400  }
0x9c: {  	[sflag:s29] =	ssyncset.done @!p0 $0x0  }
0x9d: {  	[sflag:s29] =	ssyncadd.s32 @!p0 $0xFFFFEC00  }
0x9e: {  	[bflag:$0x0] =	sbarrier.arrive $0xFFFF  }
0x9f: {  	s13 =	rddreg [dreg:$0x5]  }
0xa0: {  	s6 =	rddreg [dreg:$0xa]  }
0xa1: {  	s29 =	rddreg [dreg:$0xc]  }
0xa2: {  	[hbm:s6], [sflag:s13] =	dma.local [spmem:s29], $0xC35  }
0xa3: {  	_ =	swait.ge [sflag:s15], $0xC35  }
0xa4: {  	s22 =	rddreg [dreg:$0xd]  }
0xa5: {  	s6 =	rddreg [dreg:$0xb];
	s0 =	sadd.s32 $0x1, s22  }
0xa6: {  	p1 =	sne.s32 s0, s6  }
.Ltmp1:
0xa7: {  	_ = 	snop;
	(pc) =	sbr.rel @p1 .LBB2_1-.Ltmp1, $3  }
0xa8: {  	_ =	sdelay $0x1  }
0xa9: {  	[sflag:s15] =	ssyncset.done $0x0  }
0xaa: {  	[sflag:s15] =	ssyncadd.s32 $0xFFFFF3CB  }
0xab: {  	_ =	sfence.sel $0x180000  }
0xac: {  	[bflag:$0x0] =	sbarrier.arrive $0xFFFF  }
0xad: {  	_ =	strace $0x9000004A  }
0xae: {  	[bflag:$0x2] =	sbarrier.arrive $0xFFFF  }
0xaf: {  	s0 =	rddreg [dreg:$0x3]  }
0xb0: {  	s0 =	sadd.s32 @!p0 $0x100000, s0  }
0xb1: {  	[sflag:s0] =	ssyncadd.tile.s32 @!p0 $0x1;
	_ =	shalt  }
.Lfunc_end2:
_tile_overlayer_lowered:
.L_overlay_start_2:
0xb2: {  	(tag) =	ssettag $0x2  }
0xb3: {  	s0 =	rddreg [dreg:$0x0];
	s2 =	stileid.u32  }
0xb4: {  	s1 =	rddreg [dreg:$0x1];
	p0 =	sne.s32 s2, $0x0  }
0xb5: {  	s3 =	rddreg [dreg:$0x2];
	[bflag:$0x3] =	sbarrier.arrive $0xFFFF;
	s2 =	simm.s32 @!p0 $0x1C01  }
0xb6: {  	[timem:s3], [sflag:s2] =	dma.local @!p0 [hbm:s0], s1  }
0xb7: {  	s0 =	simm.s32 @!p0 $0x1  }
0xb8: {  	_ =	swait.ge @!p0 [sflag:s0], s1  }
0xb9: {  	s1 =	ssub.s32 @!p0 $0x0, s1;
	[sflag:s0] =	ssyncset.done @!p0 $0x0  }
0xba: {  	[sflag:s0] =	ssyncadd.s32 @!p0 s1  }
0xbb: {  	[bflag:$0x3] =	sbarrier.arrive $0xFFFF  }
0xbc: {  	_ =	shalt  }

</sc_bundles>
